<compile_context>
chip_gen: v7x
topology: tpu7x:2x2x1
jax: 0.10.2.dev20260603
libtpu: 0.0.44.dev20260713+nightly
codegen_flags: <defaults>
</compile_context>

<pallas_src>
import functools

import jax
import jax.numpy as jnp
import numpy as np
from jax import lax
from jax.experimental import pallas as pl
from jax.experimental.pallas import tpu as pltpu
from jax.experimental.pallas import tpu_sc as plsc

_B, _N, _D, _T, _K = 4, 2048, 64, 64, 16
_QA = 256
_QC = 256
_PW = 16
_WG = 128
_CHUNK = 128


def _knn_proj_body(posq_ref, poskt_ref, x_ref, fc1w_ref, fc1b_ref,
                   fd1w_ref, table_ref, idx_ref):
    b = pl.program_id(0)
    posq = posq_ref[0]
    poskt = poskt_ref[0]
    s1 = ((posq[:, 0:1] * posq[:, 0:1] + posq[:, 1:2] * posq[:, 1:2])
          + posq[:, 2:3] * posq[:, 2:3])
    s2 = ((poskt[0:1, :] * poskt[0:1, :] + poskt[1:2, :] * poskt[1:2, :])
          + poskt[2:3, :] * poskt[2:3, :])
    qk = jnp.dot(posq, poskt, preferred_element_type=jnp.float32)
    d = s1 + s2 - 2.0 * qk

    big = jnp.float32(np.inf)
    big_i = jnp.float32(1e9)
    iota_f = lax.broadcasted_iota(jnp.int32, (_QA, _N), 1).astype(jnp.float32)
    lane_f = lax.broadcasted_iota(jnp.int32, (_QA, 128), 1).astype(jnp.float32)

    nlv = 5
    fv = [jnp.full((_QA, 128), big, jnp.float32) for _ in range(nlv)]
    fi = [jnp.full((_QA, 128), big_i, jnp.float32) for _ in range(nlv)]
    for t in range(_N // 128):
        v = d[:, t * 128:(t + 1) * 128]
        ix = lane_f + np.float32(t * 128)
        for lv in range(nlv):
            lt = (v < fv[lv]) | ((v == fv[lv]) & (ix < fi[lv]))
            nv = jnp.maximum(v, fv[lv])
            ni = jnp.where(lt, fi[lv], ix)
            fv[lv] = jnp.minimum(v, fv[lv])
            fi[lv] = jnp.where(lt, ix, fi[lv])
            v, ix = nv, ni

    cnt = jnp.zeros((_QA, 128), jnp.int32)
    fcols = []
    for _ in range(_K):
        m = jnp.min(fv[0], axis=1, keepdims=True)
        c = jnp.where(fv[0] == m, fi[0], big_i)
        jf = jnp.min(c, axis=1, keepdims=True)
        mask = c == jf
        cnt = cnt + mask.astype(jnp.int32)
        for lv in range(nlv - 1):
            fv[lv] = jnp.where(mask, fv[lv + 1], fv[lv])
            fi[lv] = jnp.where(mask, fi[lv + 1], fi[lv])
        fv[nlv - 1] = jnp.where(mask, big, fv[nlv - 1])
        fi[nlv - 1] = jnp.where(mask, big_i, fi[nlv - 1])
        fcols.append(jf)
    fast_idx = jnp.concatenate(fcols, axis=1).astype(jnp.int32)
    bad = jnp.max(cnt) >= nlv

    @pl.when(jnp.logical_not(bad))
    def _():
        idx_ref[0] = fast_idx + b * _N

    @pl.when(bad)
    def _():
        dd = d
        cols = []
        for _ in range(_K):
            m = jnp.min(dd, axis=1, keepdims=True)
            c = jnp.where(dd == m, iota_f, big_i)
            idxf = jnp.min(c, axis=1, keepdims=True)
            dd = jnp.where(c == idxf, big, dd)
            cols.append(idxf)
        idx_ref[0] = (jnp.concatenate(cols, axis=1).astype(jnp.int32)
                      + b * _N)

    h = (jnp.dot(x_ref[0], fc1w_ref[...], preferred_element_type=jnp.float32)
         + fc1b_ref[...])
    p1 = jnp.dot(posq, fd1w_ref[...], preferred_element_type=jnp.float32)
    table_ref[0] = jnp.concatenate([h, p1], axis=1)


def _knn_proj(pos_pad, pos_kt, x, fc1w, fc1b, fd1w):
    grid = (_B, _N // _QA)
    return pl.pallas_call(
        _knn_proj_body,
        grid=grid,
        in_specs=[
            pl.BlockSpec((1, _QA, _PW), lambda b, i: (b, i, 0)),
            pl.BlockSpec((1, _PW, _N), lambda b, i: (b, 0, 0)),
            pl.BlockSpec((1, _QA, _D), lambda b, i: (b, i, 0)),
            pl.BlockSpec((_D, _T), lambda b, i: (0, 0)),
            pl.BlockSpec((1, _T), lambda b, i: (0, 0)),
            pl.BlockSpec((_PW, _T), lambda b, i: (0, 0)),
        ],
        out_specs=[
            pl.BlockSpec((1, _QA, _WG), lambda b, i: (b, i, 0)),
            pl.BlockSpec((1, _QA, _K), lambda b, i: (b, i, 0)),
        ],
        out_shape=[
            jax.ShapeDtypeStruct((_B, _N, _WG), jnp.float32),
            jax.ShapeDtypeStruct((_B, _N, _K), jnp.int32),
        ],
    )(pos_pad, pos_kt, x, fc1w, fc1b, fd1w)


def _sc_gather(table, idx2d):
    rows = idx2d.shape[0] * _CHUNK
    info = plsc.get_sparse_core_info()
    nw = info.num_cores * info.num_subcores
    per_w = rows // nw
    nch = per_w // _CHUNK
    mesh = plsc.VectorSubcoreMesh(core_axis_name="c", subcore_axis_name="s")

    @functools.partial(
        pl.kernel,
        mesh=mesh,
        out_type=jax.ShapeDtypeStruct((rows, _WG), jnp.float32),
        scratch_types=[
            pltpu.VMEM((nch, _CHUNK), jnp.int32),
            pltpu.VMEM((_CHUNK, _WG), jnp.float32),
            pltpu.VMEM((_CHUNK, _WG), jnp.float32),
            pltpu.SemaphoreType.DMA,
            pltpu.SemaphoreType.DMA,
        ],
    )
    def gather_k(table_hbm, idx_hbm, out_hbm, idx_v, rows0, rows1,
                 sem0, sem1):
        wid = lax.axis_index("s") * info.num_cores + lax.axis_index("c")
        base = wid * per_w
        pltpu.sync_copy(idx_hbm.at[pl.ds(wid * nch, nch)], idx_v)

        pltpu.async_copy(table_hbm.at[idx_v.at[0]], rows0, sem0)

        def body(g, carry):
            pltpu.make_async_copy(table_hbm.at[idx_v.at[g]], rows0,
                                  sem0).wait()
            pltpu.async_copy(table_hbm.at[idx_v.at[g + 1]], rows1, sem1)
            pltpu.sync_copy(rows0,
                            out_hbm.at[pl.ds(base + g * _CHUNK, _CHUNK)])
            pltpu.make_async_copy(table_hbm.at[idx_v.at[g + 1]], rows1,
                                  sem1).wait()

            @pl.when(g + 2 < nch)
            def _():
                pltpu.async_copy(table_hbm.at[idx_v.at[g + 2]], rows0, sem0)

            pltpu.sync_copy(
                rows1, out_hbm.at[pl.ds(base + (g + 1) * _CHUNK, _CHUNK)])
            return carry

        lax.fori_loop(0, nch // 2, lambda i, c: body(i * 2, c), 0)

    return gather_k(table, idx2d)


def _attn_body(tq_ref, g_ref, x_ref,
               wq_ref, fd1b_ref, wkv_ref, fd2w_ref, fd2b_ref,
               fg1w_ref, fg1b_ref, fg2w_ref, fg2b_ref, fc2w_ref, fc2b_ref,
               res_ref, attn_ref):
    g = g_ref[...]
    hg = g[:, :_T]
    p1g = g[:, _T:]
    tq = tq_ref[...]
    q = jnp.dot(tq[:, :_T], wq_ref[...], preferred_element_type=jnp.float32)
    p1qb = tq[:, _T:] + fd1b_ref[...]

    t1 = (jnp.reshape(p1qb, (_QC, 1, _T))
          - jnp.reshape(p1g, (_QC, _K, _T)))
    t1 = jnp.maximum(jnp.reshape(t1, (_QC * _K, _T)), 0.0)
    pe = (jnp.dot(t1, fd2w_ref[...], preferred_element_type=jnp.float32)
          + fd2b_ref[...])

    kv = jnp.dot(hg, wkv_ref[...], preferred_element_type=jnp.float32)
    kf = kv[:, :_T]
    vf = kv[:, _T:]

    gin = (jnp.reshape(q, (_QC, 1, _T))
           - jnp.reshape(kf, (_QC, _K, _T))
           + jnp.reshape(pe, (_QC, _K, _T)))
    gin2 = jnp.reshape(gin, (_QC * _K, _T))
    logits = (jnp.dot(jnp.maximum(
                  jnp.dot(gin2, fg1w_ref[...],
                          preferred_element_type=jnp.float32) + fg1b_ref[...],
                  0.0),
              fg2w_ref[...], preferred_element_type=jnp.float32)
              + fg2b_ref[...])

    z = jnp.reshape(logits, (_QC, _K, _T)) * np.float32(1.0 / np.sqrt(_T))
    m = jnp.max(z, axis=1, keepdims=True)
    e = jnp.exp(z - m)
    attn = e / jnp.sum(e, axis=1, keepdims=True)
    for k in range(_K):
        attn_ref[0, k] = jnp.transpose(attn[:, k, :])

    w = attn * (jnp.reshape(vf, (_QC, _K, _T)) + jnp.reshape(pe, (_QC, _K, _T)))
    r = jnp.sum(w, axis=1)
    res_ref[0] = (jnp.dot(r, fc2w_ref[...], preferred_element_type=jnp.float32)
                  + fc2b_ref[...] + x_ref[0])


def _attn(table, gath, x, wq, fd1b, wkv, fd2w, fd2b,
          fg1w, fg1b, fg2w, fg2b, fc2w, fc2b):
    grid = (_B, _N // _QC)
    nblk = _N // _QC
    wspec = lambda shape: pl.BlockSpec(shape, lambda b, i: tuple(0 for _ in shape))
    return pl.pallas_call(
        _attn_body,
        grid=grid,
        in_specs=[
            pl.BlockSpec((_QC, _WG), lambda b, i: (b * nblk + i, 0)),
            pl.BlockSpec((_QC * _K, _WG), lambda b, i: (b * nblk + i, 0)),
            pl.BlockSpec((1, _QC, _D), lambda b, i: (b, i, 0)),
            wspec((_T, _T)), wspec((1, _T)),
            wspec((_T, 2 * _T)),
            wspec((_T, _T)), wspec((1, _T)),
            wspec((_T, _T)), wspec((1, _T)), wspec((_T, _T)), wspec((1, _T)),
            wspec((_T, _D)), wspec((1, _D)),
        ],
        out_specs=[
            pl.BlockSpec((1, _QC, _D), lambda b, i: (b, i, 0)),
            pl.BlockSpec((1, _K, _T, _QC), lambda b, i: (b, 0, 0, i)),
        ],
        out_shape=[
            jax.ShapeDtypeStruct((_B, _N, _D), jnp.float32),
            jax.ShapeDtypeStruct((_B, _K, _T, _N), jnp.float32),
        ],
    )(table, gath, x, wq, fd1b, wkv, fd2w, fd2b,
      fg1w, fg1b, fg2w, fg2b, fc2w, fc2b)


def kernel(x, pos, fc1_W, fc1_b, fc2_W, fc2_b, fd1_W, fd1_b, fd2_W, fd2_b,
           fg1_W, fg1_b, fg2_W, fg2_b, wq_W, wk_W, wv_W):
    pos_pad = jnp.pad(pos, ((0, 0), (0, 0), (0, _PW - 3)))
    pos_kt = jnp.transpose(pos_pad, (0, 2, 1))
    fd1p = jnp.pad(fd1_W, ((0, _PW - 3), (0, 0)))

    table, gidx = _knn_proj(pos_pad, pos_kt, x,
                            fc1_W, fc1_b.reshape(1, _T), fd1p)

    table = table.reshape(_B * _N, _WG)
    idx2d = gidx.reshape(_B * _N * _K // _CHUNK, _CHUNK)
    gath = _sc_gather(table, idx2d)

    res, attn_t = _attn(table, gath, x, wq_W, fd1_b.reshape(1, _T),
                        jnp.concatenate([wk_W, wv_W], axis=1),
                        fd2_W, fd2_b.reshape(1, _T),
                        fg1_W, fg1_b.reshape(1, _T), fg2_W, fg2_b.reshape(1, _T),
                        fc2_W, fc2_b.reshape(1, _D))
    return (res, jnp.transpose(attn_t, (0, 3, 1, 2)))

# --- scband reference (transcript-rebuilt; emitter-appended) ---
"""Pipeline reference for scband-point-transformer-block-76596446757372 (READ-ONLY COPY).

The authoritative reference and input builder live on the scoring server;
editing this copy changes nothing except your own understanding.
"""

import jax, jax.numpy as jnp
import numpy as np

B, N, D, T, K = 4, 2048, 64, 64, 16

def _lin(k, i, o):
    return jax.random.normal(k, (i, o), jnp.float32) * (1.0 / np.sqrt(i))

def setup_inputs(seed: int = 0):
    key = jax.random.key(seed)
    ks = jax.random.split(key, 12)
    return {
        "x": jax.random.normal(ks[0], (B, N, D), jnp.float32),
        "pos": jax.random.uniform(ks[1], (B, N, 3), jnp.float32),
        "fc1_W": _lin(ks[2], D, T), "fc1_b": jnp.zeros((T,), jnp.float32),
        "fc2_W": _lin(ks[3], T, D), "fc2_b": jnp.zeros((D,), jnp.float32),
        "fd1_W": _lin(ks[4], 3, T), "fd1_b": jnp.zeros((T,), jnp.float32),
        "fd2_W": _lin(ks[5], T, T), "fd2_b": jnp.zeros((T,), jnp.float32),
        "fg1_W": _lin(ks[6], T, T), "fg1_b": jnp.zeros((T,), jnp.float32),
        "fg2_W": _lin(ks[7], T, T), "fg2_b": jnp.zeros((T,), jnp.float32),
        "wq_W": _lin(ks[8], T, T),
        "wk_W": _lin(ks[9], T, T),
        "wv_W": _lin(ks[10], T, T),
    }

def square_distance(src, dst):
    return (jnp.sum(src ** 2, -1)[:, :, None]
            + jnp.sum(dst ** 2, -1)[:, None, :]
            - 2.0 * jnp.einsum('bnc,bmc->bnm', src, dst))

def index_points(points, idx):
    b = jnp.arange(points.shape[0])[:, None, None]
    return points[b, idx]

def reference(x, pos, fc1_W, fc1_b, fc2_W, fc2_b, fd1_W, fd1_b, fd2_W, fd2_b,
              fg1_W, fg1_b, fg2_W, fg2_b, wq_W, wk_W, wv_W):
    dists = square_distance(pos, pos)
    knn_idx = jnp.argsort(dists, axis=-1)[:, :, :K]
    knn_pos = index_points(pos, knn_idx)
    h = x @ fc1_W + fc1_b
    q = h @ wq_W
    k = index_points(h @ wk_W, knn_idx)
    v = index_points(h @ wv_W, knn_idx)
    rel = pos[:, :, None, :] - knn_pos
    pos_enc = jax.nn.relu(rel @ fd1_W + fd1_b) @ fd2_W + fd2_b
    g_in = q[:, :, None, :] - k + pos_enc
    attn = jax.nn.relu(g_in @ fg1_W + fg1_b) @ fg2_W + fg2_b
    attn = jax.nn.softmax(attn / np.sqrt(T), axis=-2)
    res = jnp.einsum('bmnf,bmnf->bmf', attn, v + pos_enc)
    res = res @ fc2_W + fc2_b + x
    return (res, attn)

if __name__ == "__main__":
    import jax
    _d = setup_inputs()
    print(jax.jit(kernel)(*tuple(_d.values())))

</pallas_src>

<mosaic_0001>
#map = affine_map<(d0, d1) -> (0, 0)>
module attributes {stable_mosaic.version = 14 : i64} {
  func.func @gather_k(%arg0: i32, %arg1: i32, %arg2: memref<8192x128xf32, #tpu.memory_space<hbm>>, %arg3: memref<1024x128xi32, #tpu.memory_space<hbm>>, %arg4: memref<131072x128xf32, #tpu.memory_space<hbm>>, %arg5: memref<32x128xi32, #tpu.memory_space<vmem>>, %arg6: memref<128x128xf32, #tpu.memory_space<vmem>>, %arg7: memref<128x128xf32, #tpu.memory_space<vmem>>, %arg8: memref<!tpu.dma_semaphore, #tpu.memory_space<semaphore_mem>>, %arg9: memref<!tpu.dma_semaphore, #tpu.memory_space<semaphore_mem>>) attributes {dimension_semantics = [#tpu.dimension_semantics<core_parallel>, #tpu.dimension_semantics<subcore_parallel>], iteration_bounds = array<i64: 2, 16>, scalar_prefetch = 0 : i64, scratch_operands = 5 : i64, tpu.core_type = #tpu.core_type<sc_vector_subcore>, window_params = [{transform_indices = #map}, {transform_indices = #map}, {transform_indices = #map}]} {
    %mul3A = arith.constant 2 : i32
    %mul3A_0 = arith.muli %arg1, %mul3A : i32
    %add3A = arith.addi %mul3A_0, %arg0 : i32
    %mul3A_1 = arith.constant 4096 : i32
    %mul3A_2 = arith.muli %add3A, %mul3A_1 : i32
    %mul3A_3 = arith.constant 32 : i32
    %mul3A_4 = arith.muli %add3A, %mul3A_3 : i32
    "tpu.region"() ({
      %run_scoped3A = tpu.sem_alloc : memref<!tpu.dma_semaphore, #tpu.memory_space<semaphore_mem>>
      %dma_start3A_16 = arith.constant 0 : i32
      %dma_start3A_17 = tpu.memref_slice %arg3[%mul3A_4, %dma_start3A_16] : memref<1024x128xi32, #tpu.memory_space<hbm>> -> memref<32x128xi32, #tpu.memory_space<hbm>>
      %dma_start3A_18 = arith.constant 0 : i32
      %dma_start3A_19 = tpu.memref_slice %arg3[%mul3A_4, %dma_start3A_18] : memref<1024x128xi32, #tpu.memory_space<hbm>> -> memref<32x128xi32, #tpu.memory_space<hbm>>
      tpu.enqueue_dma source(%dma_start3A_19 : memref<32x128xi32, #tpu.memory_space<hbm>>) target(%arg5 : memref<32x128xi32, #tpu.memory_space<vmem>>) target_semaphore(%run_scoped3A : memref<!tpu.dma_semaphore, #tpu.memory_space<semaphore_mem>>)
      %dma_wait3A = arith.constant 0 : i32
      %dma_wait3A_20 = tpu.memref_slice %arg3[%mul3A_4, %dma_wait3A] : memref<1024x128xi32, #tpu.memory_space<hbm>> -> memref<32x128xi32, #tpu.memory_space<hbm>>
      %dma_wait3A_21 = arith.constant 0 : i32
      %dma_wait3A_22 = tpu.memref_slice %arg3[%mul3A_4, %dma_wait3A_21] : memref<1024x128xi32, #tpu.memory_space<hbm>> -> memref<32x128xi32, #tpu.memory_space<hbm>>
      tpu.wait_dma2 semaphore(%run_scoped3A : memref<!tpu.dma_semaphore, #tpu.memory_space<semaphore_mem>>) src(%dma_wait3A_22 : memref<32x128xi32, #tpu.memory_space<hbm>>) dst(%arg5 : memref<32x128xi32, #tpu.memory_space<vmem>>)
      tpu.yield
    }) : () -> ()
    %dma_start3A = arith.constant 0 : i32
    %dma_start3A_5 = arith.constant 0 : i32
    %dma_start3A_6 = tpu.memref_slice %arg5[%dma_start3A, %dma_start3A_5] : memref<32x128xi32, #tpu.memory_space<vmem>> -> memref<1x128xi32, #tpu.memory_space<vmem>>
    %dma_start3A_7 = tpu.memref_squeeze %dma_start3A_6 : memref<1x128xi32, #tpu.memory_space<vmem>> -> memref<128xi32, #tpu.memory_space<vmem>>
    %dma_start3A_8 = arith.constant 0 : i32
    %dma_start3A_9 = arith.constant 0 : i32
    %dma_start3A_10 = tpu.memref_slice %arg2[%dma_start3A_8, %dma_start3A_9] : memref<8192x128xf32, #tpu.memory_space<hbm>> -> memref<8192x128xf32, #tpu.memory_space<hbm>>
    tpu.enqueue_indirect_dma source(%dma_start3A_10 : memref<8192x128xf32, #tpu.memory_space<hbm>>) target(%arg6 : memref<128x128xf32, #tpu.memory_space<vmem>>) offsets(%dma_start3A_7 : memref<128xi32, #tpu.memory_space<vmem>>) semaphore(%arg8 : memref<!tpu.dma_semaphore, #tpu.memory_space<semaphore_mem>>)
    %scan3A = arith.constant 0 : i32
    %scan3A_11 = arith.constant 0 : i32
    %scan3A_12 = arith.constant 16 : i32
    %scan3A_13 = arith.addi %scan3A_11, %scan3A_12 : i32
    %scan3A_14 = arith.constant 1 : i32
    scf.for %scan3A_16 = %scan3A_11 to %scan3A_13 step %scan3A_14  : i32 {
      %mul3A_17 = arith.constant 2 : i32
      %mul3A_18 = arith.muli %scan3A_16, %mul3A_17 : i32
      %dma_wait3A = arith.constant 0 : i32
      %dma_wait3A_19 = tpu.memref_slice %arg5[%mul3A_18, %dma_wait3A] : memref<32x128xi32, #tpu.memory_space<vmem>> -> memref<1x128xi32, #tpu.memory_space<vmem>>
      %dma_wait3A_20 = tpu.memref_squeeze %dma_wait3A_19 : memref<1x128xi32, #tpu.memory_space<vmem>> -> memref<128xi32, #tpu.memory_space<vmem>>
      %dma_wait3A_21 = arith.constant 0 : i32
      %dma_wait3A_22 = arith.constant 0 : i32
      %dma_wait3A_23 = tpu.memref_slice %arg2[%dma_wait3A_21, %dma_wait3A_22] : memref<8192x128xf32, #tpu.memory_space<hbm>> -> memref<8192x128xf32, #tpu.memory_space<hbm>>
      tpu.wait_indirect_dma semaphore(%arg8 : memref<!tpu.dma_semaphore, #tpu.memory_space<semaphore_mem>>) src(%dma_wait3A_23 : memref<8192x128xf32, #tpu.memory_space<hbm>>) dst(%arg6 : memref<128x128xf32, #tpu.memory_space<vmem>>)
      %add3A_24 = arith.constant 1 : i32
      %add3A_25 = arith.addi %mul3A_18, %add3A_24 : i32
      %dma_start3A_26 = arith.constant 0 : i32
      %dma_start3A_27 = tpu.memref_slice %arg5[%add3A_25, %dma_start3A_26] : memref<32x128xi32, #tpu.memory_space<vmem>> -> memref<1x128xi32, #tpu.memory_space<vmem>>
      %dma_start3A_28 = tpu.memref_squeeze %dma_start3A_27 : memref<1x128xi32, #tpu.memory_space<vmem>> -> memref<128xi32, #tpu.memory_space<vmem>>
      %dma_start3A_29 = arith.constant 0 : i32
      %dma_start3A_30 = arith.constant 0 : i32
      %dma_start3A_31 = tpu.memref_slice %arg2[%dma_start3A_29, %dma_start3A_30] : memref<8192x128xf32, #tpu.memory_space<hbm>> -> memref<8192x128xf32, #tpu.memory_space<hbm>>
      tpu.enqueue_indirect_dma source(%dma_start3A_31 : memref<8192x128xf32, #tpu.memory_space<hbm>>) target(%arg7 : memref<128x128xf32, #tpu.memory_space<vmem>>) offsets(%dma_start3A_28 : memref<128xi32, #tpu.memory_space<vmem>>) semaphore(%arg9 : memref<!tpu.dma_semaphore, #tpu.memory_space<semaphore_mem>>)
      %mul3A_32 = arith.constant 128 : i32
      %mul3A_33 = arith.muli %mul3A_18, %mul3A_32 : i32
      %add3A_34 = arith.addi %mul3A_2, %mul3A_33 : i32
      "tpu.region"() ({
        %run_scoped3A = tpu.sem_alloc : memref<!tpu.dma_semaphore, #tpu.memory_space<semaphore_mem>>
        %dma_start3A_52 = arith.constant 0 : i32
        %dma_start3A_53 = tpu.memref_slice %arg4[%add3A_34, %dma_start3A_52] : memref<131072x128xf32, #tpu.memory_space<hbm>> -> memref<128x128xf32, #tpu.memory_space<hbm>>
        %dma_start3A_54 = arith.constant 0 : i32
        %dma_start3A_55 = tpu.memref_slice %arg4[%add3A_34, %dma_start3A_54] : memref<131072x128xf32, #tpu.memory_space<hbm>> -> memref<128x128xf32, #tpu.memory_space<hbm>>
        tpu.enqueue_dma source(%arg6 : memref<128x128xf32, #tpu.memory_space<vmem>>) target(%dma_start3A_55 : memref<128x128xf32, #tpu.memory_space<hbm>>) target_semaphore(%run_scoped3A : memref<!tpu.dma_semaphore, #tpu.memory_space<semaphore_mem>>)
        %dma_wait3A_56 = arith.constant 0 : i32
        %dma_wait3A_57 = tpu.memref_slice %arg4[%add3A_34, %dma_wait3A_56] : memref<131072x128xf32, #tpu.memory_space<hbm>> -> memref<128x128xf32, #tpu.memory_space<hbm>>
        %dma_wait3A_58 = arith.constant 0 : i32
        %dma_wait3A_59 = tpu.memref_slice %arg4[%add3A_34, %dma_wait3A_58] : memref<131072x128xf32, #tpu.memory_space<hbm>> -> memref<128x128xf32, #tpu.memory_space<hbm>>
        tpu.wait_dma2 semaphore(%run_scoped3A : memref<!tpu.dma_semaphore, #tpu.memory_space<semaphore_mem>>) src(%arg6 : memref<128x128xf32, #tpu.memory_space<vmem>>) dst(%dma_wait3A_59 : memref<128x128xf32, #tpu.memory_space<hbm>>)
        tpu.yield
      }) : () -> ()
      %add3A_35 = arith.constant 1 : i32
      %add3A_36 = arith.addi %mul3A_18, %add3A_35 : i32
      %dma_wait3A_37 = arith.constant 0 : i32
      %dma_wait3A_38 = tpu.memref_slice %arg5[%add3A_36, %dma_wait3A_37] : memref<32x128xi32, #tpu.memory_space<vmem>> -> memref<1x128xi32, #tpu.memory_space<vmem>>
      %dma_wait3A_39 = tpu.memref_squeeze %dma_wait3A_38 : memref<1x128xi32, #tpu.memory_space<vmem>> -> memref<128xi32, #tpu.memory_space<vmem>>
      %dma_wait3A_40 = arith.constant 0 : i32
      %dma_wait3A_41 = arith.constant 0 : i32
      %dma_wait3A_42 = tpu.memref_slice %arg2[%dma_wait3A_40, %dma_wait3A_41] : memref<8192x128xf32, #tpu.memory_space<hbm>> -> memref<8192x128xf32, #tpu.memory_space<hbm>>
      tpu.wait_indirect_dma semaphore(%arg9 : memref<!tpu.dma_semaphore, #tpu.memory_space<semaphore_mem>>) src(%dma_wait3A_42 : memref<8192x128xf32, #tpu.memory_space<hbm>>) dst(%arg7 : memref<128x128xf32, #tpu.memory_space<vmem>>)
      %add3A_43 = arith.constant 2 : i32
      %add3A_44 = arith.addi %mul3A_18, %add3A_43 : i32
      %lt3A = arith.constant 32 : i32
      %lt3A_45 = arith.cmpi slt, %add3A_44, %lt3A : i32
      %convert_element_type3A = arith.extui %lt3A_45 : i1 to i32
      %cond3A = arith.constant 0 : i32
      %cond3A_46 = arith.cmpi ne, %convert_element_type3A, %cond3A : i32
      scf.if %cond3A_46 {
        %add3A_52 = arith.constant 2 : i32
        %add3A_53 = arith.addi %mul3A_18, %add3A_52 : i32
        %dma_start3A_54 = arith.constant 0 : i32
        %dma_start3A_55 = tpu.memref_slice %arg5[%add3A_53, %dma_start3A_54] : memref<32x128xi32, #tpu.memory_space<vmem>> -> memref<1x128xi32, #tpu.memory_space<vmem>>
        %dma_start3A_56 = tpu.memref_squeeze %dma_start3A_55 : memref<1x128xi32, #tpu.memory_space<vmem>> -> memref<128xi32, #tpu.memory_space<vmem>>
        %dma_start3A_57 = arith.constant 0 : i32
        %dma_start3A_58 = arith.constant 0 : i32
        %dma_start3A_59 = tpu.memref_slice %arg2[%dma_start3A_57, %dma_start3A_58] : memref<8192x128xf32, #tpu.memory_space<hbm>> -> memref<8192x128xf32, #tpu.memory_space<hbm>>
        tpu.enqueue_indirect_dma source(%dma_start3A_59 : memref<8192x128xf32, #tpu.memory_space<hbm>>) target(%arg6 : memref<128x128xf32, #tpu.memory_space<vmem>>) offsets(%dma_start3A_56 : memref<128xi32, #tpu.memory_space<vmem>>) semaphore(%arg8 : memref<!tpu.dma_semaphore, #tpu.memory_space<semaphore_mem>>)
      } else {
      }
      %add3A_47 = arith.constant 1 : i32
      %add3A_48 = arith.addi %mul3A_18, %add3A_47 : i32
      %mul3A_49 = arith.constant 128 : i32
      %mul3A_50 = arith.muli %add3A_48, %mul3A_49 : i32
      %add3A_51 = arith.addi %mul3A_2, %mul3A_50 : i32
      "tpu.region"() ({
        %run_scoped3A = tpu.sem_alloc : memref<!tpu.dma_semaphore, #tpu.memory_space<semaphore_mem>>
        %dma_start3A_52 = arith.constant 0 : i32
        %dma_start3A_53 = tpu.memref_slice %arg4[%add3A_51, %dma_start3A_52] : memref<131072x128xf32, #tpu.memory_space<hbm>> -> memref<128x128xf32, #tpu.memory_space<hbm>>
        %dma_start3A_54 = arith.constant 0 : i32
        %dma_start3A_55 = tpu.memref_slice %arg4[%add3A_51, %dma_start3A_54] : memref<131072x128xf32, #tpu.memory_space<hbm>> -> memref<128x128xf32, #tpu.memory_space<hbm>>
        tpu.enqueue_dma source(%arg7 : memref<128x128xf32, #tpu.memory_space<vmem>>) target(%dma_start3A_55 : memref<128x128xf32, #tpu.memory_space<hbm>>) target_semaphore(%run_scoped3A : memref<!tpu.dma_semaphore, #tpu.memory_space<semaphore_mem>>)
        %dma_wait3A_56 = arith.constant 0 : i32
        %dma_wait3A_57 = tpu.memref_slice %arg4[%add3A_51, %dma_wait3A_56] : memref<131072x128xf32, #tpu.memory_space<hbm>> -> memref<128x128xf32, #tpu.memory_space<hbm>>
        %dma_wait3A_58 = arith.constant 0 : i32
        %dma_wait3A_59 = tpu.memref_slice %arg4[%add3A_51, %dma_wait3A_58] : memref<131072x128xf32, #tpu.memory_space<hbm>> -> memref<128x128xf32, #tpu.memory_space<hbm>>
        tpu.wait_dma2 semaphore(%run_scoped3A : memref<!tpu.dma_semaphore, #tpu.memory_space<semaphore_mem>>) src(%arg7 : memref<128x128xf32, #tpu.memory_space<vmem>>) dst(%dma_wait3A_59 : memref<128x128xf32, #tpu.memory_space<hbm>>)
        tpu.yield
      }) : () -> ()
    }
    %scan3A_15 = arith.constant 16 : i32
    return
  }
}

module attributes {stable_mosaic.version = 14 : i64} {
  func.func @_knn_proj_body(%arg0: i32, %arg1: i32, %arg2: memref<1x256x16xf32, #tpu.memory_space<vmem>>, %arg3: memref<1x16x2048xf32, #tpu.memory_space<vmem>>, %arg4: memref<1x256x64xf32, #tpu.memory_space<vmem>>, %arg5: memref<64x64xf32, #tpu.memory_space<vmem>>, %arg6: memref<1x64xf32, #tpu.memory_space<vmem>>, %arg7: memref<16x64xf32, #tpu.memory_space<vmem>>, %arg8: memref<1x256x128xf32, #tpu.memory_space<vmem>>, %arg9: memref<1x256x16xi32, #tpu.memory_space<vmem>>) attributes {dimension_semantics = [#tpu.dimension_semantics<arbitrary>, #tpu.dimension_semantics<arbitrary>], iteration_bounds = array<i64: 4, 8>, scalar_prefetch = 0 : i64, scratch_operands = 0 : i64, tpu.core_type = #tpu.core_type<tc>, window_params = [{transform_indices = @transform_0, window_bounds = array<i64: 1, 256, 16>}, {transform_indices = @transform_1, window_bounds = array<i64: 1, 16, 2048>}, {transform_indices = @transform_2, window_bounds = array<i64: 1, 256, 64>}, {pipeline_mode = #tpu.pipeline_mode<synchronous>, transform_indices = @transform_3, window_bounds = array<i64: 64, 64>}, {pipeline_mode = #tpu.pipeline_mode<synchronous>, transform_indices = @transform_4, window_bounds = array<i64: 1, 64>}, {pipeline_mode = #tpu.pipeline_mode<synchronous>, transform_indices = @transform_5, window_bounds = array<i64: 16, 64>}, {transform_indices = @transform_6, window_bounds = array<i64: 1, 256, 128>}, {transform_indices = @transform_7, window_bounds = array<i64: 1, 256, 16>}]} {
    %get3A = arith.constant 0 : index
    %get3A_0 = arith.constant 0 : index
    %get3A_1 = arith.constant 0 : index
    %get3A_2 = vector.load %arg2[%get3A, %get3A_0, %get3A_1] : memref<1x256x16xf32, #tpu.memory_space<vmem>>, vector<1x256x16xf32>
    %get3A_3 = vector.shape_cast %get3A_2 : vector<1x256x16xf32> to vector<256x16xf32>
    %get3A_4 = arith.constant 0 : index
    %get3A_5 = arith.constant 0 : index
    %get3A_6 = arith.constant 0 : index
    %get3A_7 = vector.load %arg3[%get3A_4, %get3A_5, %get3A_6] : memref<1x16x2048xf32, #tpu.memory_space<vmem>>, vector<1x16x2048xf32>
    %get3A_8 = vector.shape_cast %get3A_7 : vector<1x16x2048xf32> to vector<16x2048xf32>
    %slice3A = vector.extract_strided_slice %get3A_3 {offsets = [0, 0], sizes = [256, 1], strides = [1, 1]} : vector<256x16xf32> to vector<256x1xf32>
    %slice3A_9 = vector.extract_strided_slice %get3A_3 {offsets = [0, 0], sizes = [256, 1], strides = [1, 1]} : vector<256x16xf32> to vector<256x1xf32>
    %mul3A = arith.mulf %slice3A, %slice3A_9 : vector<256x1xf32>
    %slice3A_10 = vector.extract_strided_slice %get3A_3 {offsets = [0, 1], sizes = [256, 1], strides = [1, 1]} : vector<256x16xf32> to vector<256x1xf32>
    %slice3A_11 = vector.extract_strided_slice %get3A_3 {offsets = [0, 1], sizes = [256, 1], strides = [1, 1]} : vector<256x16xf32> to vector<256x1xf32>
    %mul3A_12 = arith.mulf %slice3A_10, %slice3A_11 : vector<256x1xf32>
    %add3A = arith.addf %mul3A, %mul3A_12 : vector<256x1xf32>
    %slice3A_13 = vector.extract_strided_slice %get3A_3 {offsets = [0, 2], sizes = [256, 1], strides = [1, 1]} : vector<256x16xf32> to vector<256x1xf32>
    %slice3A_14 = vector.extract_strided_slice %get3A_3 {offsets = [0, 2], sizes = [256, 1], strides = [1, 1]} : vector<256x16xf32> to vector<256x1xf32>
    %mul3A_15 = arith.mulf %slice3A_13, %slice3A_14 : vector<256x1xf32>
    %add3A_16 = arith.addf %add3A, %mul3A_15 : vector<256x1xf32>
    %slice3A_17 = vector.extract_strided_slice %get3A_8 {offsets = [0, 0], sizes = [1, 2048], strides = [1, 1]} : vector<16x2048xf32> to vector<1x2048xf32>
    %slice3A_18 = vector.extract_strided_slice %get3A_8 {offsets = [0, 0], sizes = [1, 2048], strides = [1, 1]} : vector<16x2048xf32> to vector<1x2048xf32>
    %mul3A_19 = arith.mulf %slice3A_17, %slice3A_18 : vector<1x2048xf32>
    %slice3A_20 = vector.extract_strided_slice %get3A_8 {offsets = [1, 0], sizes = [1, 2048], strides = [1, 1]} : vector<16x2048xf32> to vector<1x2048xf32>
    %slice3A_21 = vector.extract_strided_slice %get3A_8 {offsets = [1, 0], sizes = [1, 2048], strides = [1, 1]} : vector<16x2048xf32> to vector<1x2048xf32>
    %mul3A_22 = arith.mulf %slice3A_20, %slice3A_21 : vector<1x2048xf32>
    %add3A_23 = arith.addf %mul3A_19, %mul3A_22 : vector<1x2048xf32>
    %slice3A_24 = vector.extract_strided_slice %get3A_8 {offsets = [2, 0], sizes = [1, 2048], strides = [1, 1]} : vector<16x2048xf32> to vector<1x2048xf32>
    %slice3A_25 = vector.extract_strided_slice %get3A_8 {offsets = [2, 0], sizes = [1, 2048], strides = [1, 1]} : vector<16x2048xf32> to vector<1x2048xf32>
    %mul3A_26 = arith.mulf %slice3A_24, %slice3A_25 : vector<1x2048xf32>
    %add3A_27 = arith.addf %add3A_23, %mul3A_26 : vector<1x2048xf32>
    %dot_general3A = arith.constant dense<0.000000e+00> : vector<256x2048xf32>
    %dot_general3A_28 = tpu.matmul %get3A_3, %get3A_8, %dot_general3A {dimension_numbers = #tpu.dot_dimension_numbers<[1], [0], [0], [1], [0, 0, 1, 1], [], []>, transpose_lhs_hint = false} : vector<256x16xf32>, vector<16x2048xf32>, vector<256x2048xf32> -> vector<256x2048xf32>
    %add3A_29 = vector.broadcast %add3A_16 : vector<256x1xf32> to vector<256x2048xf32>
    %add3A_30 = vector.broadcast %add3A_27 : vector<1x2048xf32> to vector<256x2048xf32>
    %add3A_31 = arith.addf %add3A_29, %add3A_30 : vector<256x2048xf32>
    %mul3A_32 = arith.constant 2.000000e+00 : f32
    %mul3A_33 = vector.broadcast %mul3A_32 : f32 to vector<256x2048xf32>
    %mul3A_34 = arith.mulf %mul3A_33, %dot_general3A_28 : vector<256x2048xf32>
    %sub3A = arith.subf %add3A_31, %mul3A_34 : vector<256x2048xf32>
    %iota3A = tpu.iota {dimensions = array<i32: 1>} : vector<256x2048xi32>
    %convert_element_type3A = arith.sitofp %iota3A : vector<256x2048xi32> to vector<256x2048xf32>
    %iota3A_35 = tpu.iota {dimensions = array<i32: 1>} : vector<256x128xi32>
    %convert_element_type3A_36 = arith.sitofp %iota3A_35 : vector<256x128xi32> to vector<256x128xf32>
    %broadcast_in_dim3A = arith.constant 0x7F800000 : f32
    %broadcast_in_dim3A_37 = vector.broadcast %broadcast_in_dim3A : f32 to vector<256x128xf32>
    %broadcast_in_dim3A_38 = arith.constant 0x7F800000 : f32
    %broadcast_in_dim3A_39 = vector.broadcast %broadcast_in_dim3A_38 : f32 to vector<256x128xf32>
    %broadcast_in_dim3A_40 = arith.constant 0x7F800000 : f32
    %broadcast_in_dim3A_41 = vector.broadcast %broadcast_in_dim3A_40 : f32 to vector<256x128xf32>
    %broadcast_in_dim3A_42 = arith.constant 0x7F800000 : f32
    %broadcast_in_dim3A_43 = vector.broadcast %broadcast_in_dim3A_42 : f32 to vector<256x128xf32>
    %broadcast_in_dim3A_44 = arith.constant 0x7F800000 : f32
    %broadcast_in_dim3A_45 = vector.broadcast %broadcast_in_dim3A_44 : f32 to vector<256x128xf32>
    %broadcast_in_dim3A_46 = arith.constant 1.000000e+09 : f32
    %broadcast_in_dim3A_47 = vector.broadcast %broadcast_in_dim3A_46 : f32 to vector<256x128xf32>
    %broadcast_in_dim3A_48 = arith.constant 1.000000e+09 : f32
    %broadcast_in_dim3A_49 = vector.broadcast %broadcast_in_dim3A_48 : f32 to vector<256x128xf32>
    %broadcast_in_dim3A_50 = arith.constant 1.000000e+09 : f32
    %broadcast_in_dim3A_51 = vector.broadcast %broadcast_in_dim3A_50 : f32 to vector<256x128xf32>
    %broadcast_in_dim3A_52 = arith.constant 1.000000e+09 : f32
    %broadcast_in_dim3A_53 = vector.broadcast %broadcast_in_dim3A_52 : f32 to vector<256x128xf32>
    %broadcast_in_dim3A_54 = arith.constant 1.000000e+09 : f32
    %broadcast_in_dim3A_55 = vector.broadcast %broadcast_in_dim3A_54 : f32 to vector<256x128xf32>
    %slice3A_56 = vector.extract_strided_slice %sub3A {offsets = [0, 0], sizes = [256, 128], strides = [1, 1]} : vector<256x2048xf32> to vector<256x128xf32>
    %add3A_57 = arith.constant 0.000000e+00 : f32
    %add3A_58 = vector.broadcast %add3A_57 : f32 to vector<256x128xf32>
    %add3A_59 = arith.addf %convert_element_type3A_36, %add3A_58 : vector<256x128xf32>
    %lt3A = arith.cmpf olt, %slice3A_56, %broadcast_in_dim3A_37 : vector<256x128xf32>
    %eq3A = arith.cmpf oeq, %slice3A_56, %broadcast_in_dim3A_37 : vector<256x128xf32>
    %lt3A_60 = arith.cmpf olt, %add3A_59, %broadcast_in_dim3A_47 : vector<256x128xf32>
    %and3A = arith.andi %eq3A, %lt3A_60 : vector<256x128xi1>
    %or3A = arith.ori %lt3A, %and3A : vector<256x128xi1>
    %max3A = arith.maximumf %slice3A_56, %broadcast_in_dim3A_37 : vector<256x128xf32>
    %select_n3A = arith.select %or3A, %broadcast_in_dim3A_47, %add3A_59 : vector<256x128xi1>, vector<256x128xf32>
    %min3A = arith.minimumf %slice3A_56, %broadcast_in_dim3A_37 : vector<256x128xf32>
    %select_n3A_61 = arith.select %or3A, %add3A_59, %broadcast_in_dim3A_47 : vector<256x128xi1>, vector<256x128xf32>
    %lt3A_62 = arith.cmpf olt, %max3A, %broadcast_in_dim3A_39 : vector<256x128xf32>
    %eq3A_63 = arith.cmpf oeq, %max3A, %broadcast_in_dim3A_39 : vector<256x128xf32>
    %lt3A_64 = arith.cmpf olt, %select_n3A, %broadcast_in_dim3A_49 : vector<256x128xf32>
    %and3A_65 = arith.andi %eq3A_63, %lt3A_64 : vector<256x128xi1>
    %or3A_66 = arith.ori %lt3A_62, %and3A_65 : vector<256x128xi1>
    %max3A_67 = arith.maximumf %max3A, %broadcast_in_dim3A_39 : vector<256x128xf32>
    %select_n3A_68 = arith.select %or3A_66, %broadcast_in_dim3A_49, %select_n3A : vector<256x128xi1>, vector<256x128xf32>
    %min3A_69 = arith.minimumf %max3A, %broadcast_in_dim3A_39 : vector<256x128xf32>
    %select_n3A_70 = arith.select %or3A_66, %select_n3A, %broadcast_in_dim3A_49 : vector<256x128xi1>, vector<256x128xf32>
    %lt3A_71 = arith.cmpf olt, %max3A_67, %broadcast_in_dim3A_41 : vector<256x128xf32>
    %eq3A_72 = arith.cmpf oeq, %max3A_67, %broadcast_in_dim3A_41 : vector<256x128xf32>
    %lt3A_73 = arith.cmpf olt, %select_n3A_68, %broadcast_in_dim3A_51 : vector<256x128xf32>
    %and3A_74 = arith.andi %eq3A_72, %lt3A_73 : vector<256x128xi1>
    %or3A_75 = arith.ori %lt3A_71, %and3A_74 : vector<256x128xi1>
    %max3A_76 = arith.maximumf %max3A_67, %broadcast_in_dim3A_41 : vector<256x128xf32>
    %select_n3A_77 = arith.select %or3A_75, %broadcast_in_dim3A_51, %select_n3A_68 : vector<256x128xi1>, vector<256x128xf32>
    %min3A_78 = arith.minimumf %max3A_67, %broadcast_in_dim3A_41 : vector<256x128xf32>
    %select_n3A_79 = arith.select %or3A_75, %select_n3A_68, %broadcast_in_dim3A_51 : vector<256x128xi1>, vector<256x128xf32>
    %lt3A_80 = arith.cmpf olt, %max3A_76, %broadcast_in_dim3A_43 : vector<256x128xf32>
    %eq3A_81 = arith.cmpf oeq, %max3A_76, %broadcast_in_dim3A_43 : vector<256x128xf32>
    %lt3A_82 = arith.cmpf olt, %select_n3A_77, %broadcast_in_dim3A_53 : vector<256x128xf32>
    %and3A_83 = arith.andi %eq3A_81, %lt3A_82 : vector<256x128xi1>
    %or3A_84 = arith.ori %lt3A_80, %and3A_83 : vector<256x128xi1>
    %max3A_85 = arith.maximumf %max3A_76, %broadcast_in_dim3A_43 : vector<256x128xf32>
    %select_n3A_86 = arith.select %or3A_84, %broadcast_in_dim3A_53, %select_n3A_77 : vector<256x128xi1>, vector<256x128xf32>
    %min3A_87 = arith.minimumf %max3A_76, %broadcast_in_dim3A_43 : vector<256x128xf32>
    %select_n3A_88 = arith.select %or3A_84, %select_n3A_77, %broadcast_in_dim3A_53 : vector<256x128xi1>, vector<256x128xf32>
    %lt3A_89 = arith.cmpf olt, %max3A_85, %broadcast_in_dim3A_45 : vector<256x128xf32>
    %eq3A_90 = arith.cmpf oeq, %max3A_85, %broadcast_in_dim3A_45 : vector<256x128xf32>
    %lt3A_91 = arith.cmpf olt, %select_n3A_86, %broadcast_in_dim3A_55 : vector<256x128xf32>
    %and3A_92 = arith.andi %eq3A_90, %lt3A_91 : vector<256x128xi1>
    %or3A_93 = arith.ori %lt3A_89, %and3A_92 : vector<256x128xi1>
    %min3A_94 = arith.minimumf %max3A_85, %broadcast_in_dim3A_45 : vector<256x128xf32>
    %select_n3A_95 = arith.select %or3A_93, %select_n3A_86, %broadcast_in_dim3A_55 : vector<256x128xi1>, vector<256x128xf32>
    %slice3A_96 = vector.extract_strided_slice %sub3A {offsets = [0, 128], sizes = [256, 128], strides = [1, 1]} : vector<256x2048xf32> to vector<256x128xf32>
    %add3A_97 = arith.constant 1.280000e+02 : f32
    %add3A_98 = vector.broadcast %add3A_97 : f32 to vector<256x128xf32>
    %add3A_99 = arith.addf %convert_element_type3A_36, %add3A_98 : vector<256x128xf32>
    %lt3A_100 = arith.cmpf olt, %slice3A_96, %min3A : vector<256x128xf32>
    %eq3A_101 = arith.cmpf oeq, %slice3A_96, %min3A : vector<256x128xf32>
    %lt3A_102 = arith.cmpf olt, %add3A_99, %select_n3A_61 : vector<256x128xf32>
    %and3A_103 = arith.andi %eq3A_101, %lt3A_102 : vector<256x128xi1>
    %or3A_104 = arith.ori %lt3A_100, %and3A_103 : vector<256x128xi1>
    %max3A_105 = arith.maximumf %slice3A_96, %min3A : vector<256x128xf32>
    %select_n3A_106 = arith.select %or3A_104, %select_n3A_61, %add3A_99 : vector<256x128xi1>, vector<256x128xf32>
    %min3A_107 = arith.minimumf %slice3A_96, %min3A : vector<256x128xf32>
    %select_n3A_108 = arith.select %or3A_104, %add3A_99, %select_n3A_61 : vector<256x128xi1>, vector<256x128xf32>
    %lt3A_109 = arith.cmpf olt, %max3A_105, %min3A_69 : vector<256x128xf32>
    %eq3A_110 = arith.cmpf oeq, %max3A_105, %min3A_69 : vector<256x128xf32>
    %lt3A_111 = arith.cmpf olt, %select_n3A_106, %select_n3A_70 : vector<256x128xf32>
    %and3A_112 = arith.andi %eq3A_110, %lt3A_111 : vector<256x128xi1>
    %or3A_113 = arith.ori %lt3A_109, %and3A_112 : vector<256x128xi1>
    %max3A_114 = arith.maximumf %max3A_105, %min3A_69 : vector<256x128xf32>
    %select_n3A_115 = arith.select %or3A_113, %select_n3A_70, %select_n3A_106 : vector<256x128xi1>, vector<256x128xf32>
    %min3A_116 = arith.minimumf %max3A_105, %min3A_69 : vector<256x128xf32>
    %select_n3A_117 = arith.select %or3A_113, %select_n3A_106, %select_n3A_70 : vector<256x128xi1>, vector<256x128xf32>
    %lt3A_118 = arith.cmpf olt, %max3A_114, %min3A_78 : vector<256x128xf32>
    %eq3A_119 = arith.cmpf oeq, %max3A_114, %min3A_78 : vector<256x128xf32>
    %lt3A_120 = arith.cmpf olt, %select_n3A_115, %select_n3A_79 : vector<256x128xf32>
    %and3A_121 = arith.andi %eq3A_119, %lt3A_120 : vector<256x128xi1>
    %or3A_122 = arith.ori %lt3A_118, %and3A_121 : vector<256x128xi1>
    %max3A_123 = arith.maximumf %max3A_114, %min3A_78 : vector<256x128xf32>
    %select_n3A_124 = arith.select %or3A_122, %select_n3A_79, %select_n3A_115 : vector<256x128xi1>, vector<256x128xf32>
    %min3A_125 = arith.minimumf %max3A_114, %min3A_78 : vector<256x128xf32>
    %select_n3A_126 = arith.select %or3A_122, %select_n3A_115, %select_n3A_79 : vector<256x128xi1>, vector<256x128xf32>
    %lt3A_127 = arith.cmpf olt, %max3A_123, %min3A_87 : vector<256x128xf32>
    %eq3A_128 = arith.cmpf oeq, %max3A_123, %min3A_87 : vector<256x128xf32>
    %lt3A_129 = arith.cmpf olt, %select_n3A_124, %select_n3A_88 : vector<256x128xf32>
    %and3A_130 = arith.andi %eq3A_128, %lt3A_129 : vector<256x128xi1>
    %or3A_131 = arith.ori %lt3A_127, %and3A_130 : vector<256x128xi1>
    %max3A_132 = arith.maximumf %max3A_123, %min3A_87 : vector<256x128xf32>
    %select_n3A_133 = arith.select %or3A_131, %select_n3A_88, %select_n3A_124 : vector<256x128xi1>, vector<256x128xf32>
    %min3A_134 = arith.minimumf %max3A_123, %min3A_87 : vector<256x128xf32>
    %select_n3A_135 = arith.select %or3A_131, %select_n3A_124, %select_n3A_88 : vector<256x128xi1>, vector<256x128xf32>
    %lt3A_136 = arith.cmpf olt, %max3A_132, %min3A_94 : vector<256x128xf32>
    %eq3A_137 = arith.cmpf oeq, %max3A_132, %min3A_94 : vector<256x128xf32>
    %lt3A_138 = arith.cmpf olt, %select_n3A_133, %select_n3A_95 : vector<256x128xf32>
    %and3A_139 = arith.andi %eq3A_137, %lt3A_138 : vector<256x128xi1>
    %or3A_140 = arith.ori %lt3A_136, %and3A_139 : vector<256x128xi1>
    %min3A_141 = arith.minimumf %max3A_132, %min3A_94 : vector<256x128xf32>
    %select_n3A_142 = arith.select %or3A_140, %select_n3A_133, %select_n3A_95 : vector<256x128xi1>, vector<256x128xf32>
    %slice3A_143 = vector.extract_strided_slice %sub3A {offsets = [0, 256], sizes = [256, 128], strides = [1, 1]} : vector<256x2048xf32> to vector<256x128xf32>
    %add3A_144 = arith.constant 2.560000e+02 : f32
    %add3A_145 = vector.broadcast %add3A_144 : f32 to vector<256x128xf32>
    %add3A_146 = arith.addf %convert_element_type3A_36, %add3A_145 : vector<256x128xf32>
    %lt3A_147 = arith.cmpf olt, %slice3A_143, %min3A_107 : vector<256x128xf32>
    %eq3A_148 = arith.cmpf oeq, %slice3A_143, %min3A_107 : vector<256x128xf32>
    %lt3A_149 = arith.cmpf olt, %add3A_146, %select_n3A_108 : vector<256x128xf32>
    %and3A_150 = arith.andi %eq3A_148, %lt3A_149 : vector<256x128xi1>
    %or3A_151 = arith.ori %lt3A_147, %and3A_150 : vector<256x128xi1>
    %max3A_152 = arith.maximumf %slice3A_143, %min3A_107 : vector<256x128xf32>
    %select_n3A_153 = arith.select %or3A_151, %select_n3A_108, %add3A_146 : vector<256x128xi1>, vector<256x128xf32>
    %min3A_154 = arith.minimumf %slice3A_143, %min3A_107 : vector<256x128xf32>
    %select_n3A_155 = arith.select %or3A_151, %add3A_146, %select_n3A_108 : vector<256x128xi1>, vector<256x128xf32>
    %lt3A_156 = arith.cmpf olt, %max3A_152, %min3A_116 : vector<256x128xf32>
    %eq3A_157 = arith.cmpf oeq, %max3A_152, %min3A_116 : vector<256x128xf32>
    %lt3A_158 = arith.cmpf olt, %select_n3A_153, %select_n3A_117 : vector<256x128xf32>
    %and3A_159 = arith.andi %eq3A_157, %lt3A_158 : vector<256x128xi1>
    %or3A_160 = arith.ori %lt3A_156, %and3A_159 : vector<256x128xi1>
    %max3A_161 = arith.maximumf %max3A_152, %min3A_116 : vector<256x128xf32>
    %select_n3A_162 = arith.select %or3A_160, %select_n3A_117, %select_n3A_153 : vector<256x128xi1>, vector<256x128xf32>
    %min3A_163 = arith.minimumf %max3A_152, %min3A_116 : vector<256x128xf32>
    %select_n3A_164 = arith.select %or3A_160, %select_n3A_153, %select_n3A_117 : vector<256x128xi1>, vector<256x128xf32>
    %lt3A_165 = arith.cmpf olt, %max3A_161, %min3A_125 : vector<256x128xf32>
    %eq3A_166 = arith.cmpf oeq, %max3A_161, %min3A_125 : vector<256x128xf32>
    %lt3A_167 = arith.cmpf olt, %select_n3A_162, %select_n3A_126 : vector<256x128xf32>
    %and3A_168 = arith.andi %eq3A_166, %lt3A_167 : vector<256x128xi1>
    %or3A_169 = arith.ori %lt3A_165, %and3A_168 : vector<256x128xi1>
    %max3A_170 = arith.maximumf %max3A_161, %min3A_125 : vector<256x128xf32>
    %select_n3A_171 = arith.select %or3A_169, %select_n3A_126, %select_n3A_162 : vector<256x128xi1>, vector<256x128xf32>
    %min3A_172 = arith.minimumf %max3A_161, %min3A_125 : vector<256x128xf32>
    %select_n3A_173 = arith.select %or3A_169, %select_n3A_162, %select_n3A_126 : vector<256x128xi1>, vector<256x128xf32>
    %lt3A_174 = arith.cmpf olt, %max3A_170, %min3A_134 : vector<256x128xf32>
    %eq3A_175 = arith.cmpf oeq, %max3A_170, %min3A_134 : vector<256x128xf32>
    %lt3A_176 = arith.cmpf olt, %select_n3A_171, %select_n3A_135 : vector<256x128xf32>
    %and3A_177 = arith.andi %eq3A_175, %lt3A_176 : vector<256x128xi1>
    %or3A_178 = arith.ori %lt3A_174, %and3A_177 : vector<256x128xi1>
    %max3A_179 = arith.maximumf %max3A_170, %min3A_134 : vector<256x128xf32>
    %select_n3A_180 = arith.select %or3A_178, %select_n3A_135, %select_n3A_171 : vector<256x128xi1>, vector<256x128xf32>
    %min3A_181 = arith.minimumf %max3A_170, %min3A_134 : vector<256x128xf32>
    %select_n3A_182 = arith.select %or3A_178, %select_n3A_171, %select_n3A_135 : vector<256x128xi1>, vector<256x128xf32>
    %lt3A_183 = arith.cmpf olt, %max3A_179, %min3A_141 : vector<256x128xf32>
    %eq3A_184 = arith.cmpf oeq, %max3A_179, %min3A_141 : vector<256x128xf32>
    %lt3A_185 = arith.cmpf olt, %select_n3A_180, %select_n3A_142 : vector<256x128xf32>
    %and3A_186 = arith.andi %eq3A_184, %lt3A_185 : vector<256x128xi1>
    %or3A_187 = arith.ori %lt3A_183, %and3A_186 : vector<256x128xi1>
    %min3A_188 = arith.minimumf %max3A_179, %min3A_141 : vector<256x128xf32>
    %select_n3A_189 = arith.select %or3A_187, %select_n3A_180, %select_n3A_142 : vector<256x128xi1>, vector<256x128xf32>
    %slice3A_190 = vector.extract_strided_slice %sub3A {offsets = [0, 384], sizes = [256, 128], strides = [1, 1]} : vector<256x2048xf32> to vector<256x128xf32>
    %add3A_191 = arith.constant 3.840000e+02 : f32
    %add3A_192 = vector.broadcast %add3A_191 : f32 to vector<256x128xf32>
    %add3A_193 = arith.addf %convert_element_type3A_36, %add3A_192 : vector<256x128xf32>
    %lt3A_194 = arith.cmpf olt, %slice3A_190, %min3A_154 : vector<256x128xf32>
    %eq3A_195 = arith.cmpf oeq, %slice3A_190, %min3A_154 : vector<256x128xf32>
    %lt3A_196 = arith.cmpf olt, %add3A_193, %select_n3A_155 : vector<256x128xf32>
    %and3A_197 = arith.andi %eq3A_195, %lt3A_196 : vector<256x128xi1>
    %or3A_198 = arith.ori %lt3A_194, %and3A_197 : vector<256x128xi1>
    %max3A_199 = arith.maximumf %slice3A_190, %min3A_154 : vector<256x128xf32>
    %select_n3A_200 = arith.select %or3A_198, %select_n3A_155, %add3A_193 : vector<256x128xi1>, vector<256x128xf32>
    %min3A_201 = arith.minimumf %slice3A_190, %min3A_154 : vector<256x128xf32>
    %select_n3A_202 = arith.select %or3A_198, %add3A_193, %select_n3A_155 : vector<256x128xi1>, vector<256x128xf32>
    %lt3A_203 = arith.cmpf olt, %max3A_199, %min3A_163 : vector<256x128xf32>
    %eq3A_204 = arith.cmpf oeq, %max3A_199, %min3A_163 : vector<256x128xf32>
    %lt3A_205 = arith.cmpf olt, %select_n3A_200, %select_n3A_164 : vector<256x128xf32>
    %and3A_206 = arith.andi %eq3A_204, %lt3A_205 : vector<256x128xi1>
    %or3A_207 = arith.ori %lt3A_203, %and3A_206 : vector<256x128xi1>
    %max3A_208 = arith.maximumf %max3A_199, %min3A_163 : vector<256x128xf32>
    %select_n3A_209 = arith.select %or3A_207, %select_n3A_164, %select_n3A_200 : vector<256x128xi1>, vector<256x128xf32>
    %min3A_210 = arith.minimumf %max3A_199, %min3A_163 : vector<256x128xf32>
    %select_n3A_211 = arith.select %or3A_207, %select_n3A_200, %select_n3A_164 : vector<256x128xi1>, vector<256x128xf32>
    %lt3A_212 = arith.cmpf olt, %max3A_208, %min3A_172 : vector<256x128xf32>
    %eq3A_213 = arith.cmpf oeq, %max3A_208, %min3A_172 : vector<256x128xf32>
    %lt3A_214 = arith.cmpf olt, %select_n3A_209, %select_n3A_173 : vector<256x128xf32>
    %and3A_215 = arith.andi %eq3A_213, %lt3A_214 : vector<256x128xi1>
    %or3A_216 = arith.ori %lt3A_212, %and3A_215 : vector<256x128xi1>
    %max3A_217 = arith.maximumf %max3A_208, %min3A_172 : vector<256x128xf32>
    %select_n3A_218 = arith.select %or3A_216, %select_n3A_173, %select_n3A_209 : vector<256x128xi1>, vector<256x128xf32>
    %min3A_219 = arith.minimumf %max3A_208, %min3A_172 : vector<256x128xf32>
    %select_n3A_220 = arith.select %or3A_216, %select_n3A_209, %select_n3A_173 : vector<256x128xi1>, vector<256x128xf32>
    %lt3A_221 = arith.cmpf olt, %max3A_217, %min3A_181 : vector<256x128xf32>
    %eq3A_222 = arith.cmpf oeq, %max3A_217, %min3A_181 : vector<256x128xf32>
    %lt3A_223 = arith.cmpf olt, %select_n3A_218, %select_n3A_182 : vector<256x128xf32>
    %and3A_224 = arith.andi %eq3A_222, %lt3A_223 : vector<256x128xi1>
    %or3A_225 = arith.ori %lt3A_221, %and3A_224 : vector<256x128xi1>
    %max3A_226 = arith.maximumf %max3A_217, %min3A_181 : vector<256x128xf32>
    %select_n3A_227 = arith.select %or3A_225, %select_n3A_182, %select_n3A_218 : vector<256x128xi1>, vector<256x128xf32>
    %min3A_228 = arith.minimumf %max3A_217, %min3A_181 : vector<256x128xf32>
    %select_n3A_229 = arith.select %or3A_225, %select_n3A_218, %select_n3A_182 : vector<256x128xi1>, vector<256x128xf32>
    %lt3A_230 = arith.cmpf olt, %max3A_226, %min3A_188 : vector<256x128xf32>
    %eq3A_231 = arith.cmpf oeq, %max3A_226, %min3A_188 : vector<256x128xf32>
    %lt3A_232 = arith.cmpf olt, %select_n3A_227, %select_n3A_189 : vector<256x128xf32>
    %and3A_233 = arith.andi %eq3A_231, %lt3A_232 : vector<256x128xi1>
    %or3A_234 = arith.ori %lt3A_230, %and3A_233 : vector<256x128xi1>
    %min3A_235 = arith.minimumf %max3A_226, %min3A_188 : vector<256x128xf32>
    %select_n3A_236 = arith.select %or3A_234, %select_n3A_227, %select_n3A_189 : vector<256x128xi1>, vector<256x128xf32>
    %slice3A_237 = vector.extract_strided_slice %sub3A {offsets = [0, 512], sizes = [256, 128], strides = [1, 1]} : vector<256x2048xf32> to vector<256x128xf32>
    %add3A_238 = arith.constant 5.120000e+02 : f32
    %add3A_239 = vector.broadcast %add3A_238 : f32 to vector<256x128xf32>
    %add3A_240 = arith.addf %convert_element_type3A_36, %add3A_239 : vector<256x128xf32>
    %lt3A_241 = arith.cmpf olt, %slice3A_237, %min3A_201 : vector<256x128xf32>
    %eq3A_242 = arith.cmpf oeq, %slice3A_237, %min3A_201 : vector<256x128xf32>
    %lt3A_243 = arith.cmpf olt, %add3A_240, %select_n3A_202 : vector<256x128xf32>
    %and3A_244 = arith.andi %eq3A_242, %lt3A_243 : vector<256x128xi1>
    %or3A_245 = arith.ori %lt3A_241, %and3A_244 : vector<256x128xi1>
    %max3A_246 = arith.maximumf %slice3A_237, %min3A_201 : vector<256x128xf32>
    %select_n3A_247 = arith.select %or3A_245, %select_n3A_202, %add3A_240 : vector<256x128xi1>, vector<256x128xf32>
    %min3A_248 = arith.minimumf %slice3A_237, %min3A_201 : vector<256x128xf32>
    %select_n3A_249 = arith.select %or3A_245, %add3A_240, %select_n3A_202 : vector<256x128xi1>, vector<256x128xf32>
    %lt3A_250 = arith.cmpf olt, %max3A_246, %min3A_210 : vector<256x128xf32>
    %eq3A_251 = arith.cmpf oeq, %max3A_246, %min3A_210 : vector<256x128xf32>
    %lt3A_252 = arith.cmpf olt, %select_n3A_247, %select_n3A_211 : vector<256x128xf32>
    %and3A_253 = arith.andi %eq3A_251, %lt3A_252 : vector<256x128xi1>
    %or3A_254 = arith.ori %lt3A_250, %and3A_253 : vector<256x128xi1>
    %max3A_255 = arith.maximumf %max3A_246, %min3A_210 : vector<256x128xf32>
    %select_n3A_256 = arith.select %or3A_254, %select_n3A_211, %select_n3A_247 : vector<256x128xi1>, vector<256x128xf32>
    %min3A_257 = arith.minimumf %max3A_246, %min3A_210 : vector<256x128xf32>
    %select_n3A_258 = arith.select %or3A_254, %select_n3A_247, %select_n3A_211 : vector<256x128xi1>, vector<256x128xf32>
    %lt3A_259 = arith.cmpf olt, %max3A_255, %min3A_219 : vector<256x128xf32>
    %eq3A_260 = arith.cmpf oeq, %max3A_255, %min3A_219 : vector<256x128xf32>
    %lt3A_261 = arith.cmpf olt, %select_n3A_256, %select_n3A_220 : vector<256x128xf32>
    %and3A_262 = arith.andi %eq3A_260, %lt3A_261 : vector<256x128xi1>
    %or3A_263 = arith.ori %lt3A_259, %and3A_262 : vector<256x128xi1>
    %max3A_264 = arith.maximumf %max3A_255, %min3A_219 : vector<256x128xf32>
    %select_n3A_265 = arith.select %or3A_263, %select_n3A_220, %select_n3A_256 : vector<256x128xi1>, vector<256x128xf32>
    %min3A_266 = arith.minimumf %max3A_255, %min3A_219 : vector<256x128xf32>
    %select_n3A_267 = arith.select %or3A_263, %select_n3A_256, %select_n3A_220 : vector<256x128xi1>, vector<256x128xf32>
    %lt3A_268 = arith.cmpf olt, %max3A_264, %min3A_228 : vector<256x128xf32>
    %eq3A_269 = arith.cmpf oeq, %max3A_264, %min3A_228 : vector<256x128xf32>
    %lt3A_270 = arith.cmpf olt, %select_n3A_265, %select_n3A_229 : vector<256x128xf32>
    %and3A_271 = arith.andi %eq3A_269, %lt3A_270 : vector<256x128xi1>
    %or3A_272 = arith.ori %lt3A_268, %and3A_271 : vector<256x128xi1>
    %max3A_273 = arith.maximumf %max3A_264, %min3A_228 : vector<256x128xf32>
    %select_n3A_274 = arith.select %or3A_272, %select_n3A_229, %select_n3A_265 : vector<256x128xi1>, vector<256x128xf32>
    %min3A_275 = arith.minimumf %max3A_264, %min3A_228 : vector<256x128xf32>
    %select_n3A_276 = arith.select %or3A_272, %select_n3A_265, %select_n3A_229 : vector<256x128xi1>, vector<256x128xf32>
    %lt3A_277 = arith.cmpf olt, %max3A_273, %min3A_235 : vector<256x128xf32>
    %eq3A_278 = arith.cmpf oeq, %max3A_273, %min3A_235 : vector<256x128xf32>
    %lt3A_279 = arith.cmpf olt, %select_n3A_274, %select_n3A_236 : vector<256x128xf32>
    %and3A_280 = arith.andi %eq3A_278, %lt3A_279 : vector<256x128xi1>
    %or3A_281 = arith.ori %lt3A_277, %and3A_280 : vector<256x128xi1>
    %min3A_282 = arith.minimumf %max3A_273, %min3A_235 : vector<256x128xf32>
    %select_n3A_283 = arith.select %or3A_281, %select_n3A_274, %select_n3A_236 : vector<256x128xi1>, vector<256x128xf32>
    %slice3A_284 = vector.extract_strided_slice %sub3A {offsets = [0, 640], sizes = [256, 128], strides = [1, 1]} : vector<256x2048xf32> to vector<256x128xf32>
    %add3A_285 = arith.constant 6.400000e+02 : f32
    %add3A_286 = vector.broadcast %add3A_285 : f32 to vector<256x128xf32>
    %add3A_287 = arith.addf %convert_element_type3A_36, %add3A_286 : vector<256x128xf32>
    %lt3A_288 = arith.cmpf olt, %slice3A_284, %min3A_248 : vector<256x128xf32>
    %eq3A_289 = arith.cmpf oeq, %slice3A_284, %min3A_248 : vector<256x128xf32>
    %lt3A_290 = arith.cmpf olt, %add3A_287, %select_n3A_249 : vector<256x128xf32>
    %and3A_291 = arith.andi %eq3A_289, %lt3A_290 : vector<256x128xi1>
    %or3A_292 = arith.ori %lt3A_288, %and3A_291 : vector<256x128xi1>
    %max3A_293 = arith.maximumf %slice3A_284, %min3A_248 : vector<256x128xf32>
    %select_n3A_294 = arith.select %or3A_292, %select_n3A_249, %add3A_287 : vector<256x128xi1>, vector<256x128xf32>
    %min3A_295 = arith.minimumf %slice3A_284, %min3A_248 : vector<256x128xf32>
    %select_n3A_296 = arith.select %or3A_292, %add3A_287, %select_n3A_249 : vector<256x128xi1>, vector<256x128xf32>
    %lt3A_297 = arith.cmpf olt, %max3A_293, %min3A_257 : vector<256x128xf32>
    %eq3A_298 = arith.cmpf oeq, %max3A_293, %min3A_257 : vector<256x128xf32>
    %lt3A_299 = arith.cmpf olt, %select_n3A_294, %select_n3A_258 : vector<256x128xf32>
    %and3A_300 = arith.andi %eq3A_298, %lt3A_299 : vector<256x128xi1>
    %or3A_301 = arith.ori %lt3A_297, %and3A_300 : vector<256x128xi1>
    %max3A_302 = arith.maximumf %max3A_293, %min3A_257 : vector<256x128xf32>
    %select_n3A_303 = arith.select %or3A_301, %select_n3A_258, %select_n3A_294 : vector<256x128xi1>, vector<256x128xf32>
    %min3A_304 = arith.minimumf %max3A_293, %min3A_257 : vector<256x128xf32>
    %select_n3A_305 = arith.select %or3A_301, %select_n3A_294, %select_n3A_258 : vector<256x128xi1>, vector<256x128xf32>
    %lt3A_306 = arith.cmpf olt, %max3A_302, %min3A_266 : vector<256x128xf32>
    %eq3A_307 = arith.cmpf oeq, %max3A_302, %min3A_266 : vector<256x128xf32>
    %lt3A_308 = arith.cmpf olt, %select_n3A_303, %select_n3A_267 : vector<256x128xf32>
    %and3A_309 = arith.andi %eq3A_307, %lt3A_308 : vector<256x128xi1>
    %or3A_310 = arith.ori %lt3A_306, %and3A_309 : vector<256x128xi1>
    %max3A_311 = arith.maximumf %max3A_302, %min3A_266 : vector<256x128xf32>
    %select_n3A_312 = arith.select %or3A_310, %select_n3A_267, %select_n3A_303 : vector<256x128xi1>, vector<256x128xf32>
    %min3A_313 = arith.minimumf %max3A_302, %min3A_266 : vector<256x128xf32>
    %select_n3A_314 = arith.select %or3A_310, %select_n3A_303, %select_n3A_267 : vector<256x128xi1>, vector<256x128xf32>
    %lt3A_315 = arith.cmpf olt, %max3A_311, %min3A_275 : vector<256x128xf32>
    %eq3A_316 = arith.cmpf oeq, %max3A_311, %min3A_275 : vector<256x128xf32>
    %lt3A_317 = arith.cmpf olt, %select_n3A_312, %select_n3A_276 : vector<256x128xf32>
    %and3A_318 = arith.andi %eq3A_316, %lt3A_317 : vector<256x128xi1>
    %or3A_319 = arith.ori %lt3A_315, %and3A_318 : vector<256x128xi1>
    %max3A_320 = arith.maximumf %max3A_311, %min3A_275 : vector<256x128xf32>
    %select_n3A_321 = arith.select %or3A_319, %select_n3A_276, %select_n3A_312 : vector<256x128xi1>, vector<256x128xf32>
    %min3A_322 = arith.minimumf %max3A_311, %min3A_275 : vector<256x128xf32>
    %select_n3A_323 = arith.select %or3A_319, %select_n3A_312, %select_n3A_276 : vector<256x128xi1>, vector<256x128xf32>
    %lt3A_324 = arith.cmpf olt, %max3A_320, %min3A_282 : vector<256x128xf32>
    %eq3A_325 = arith.cmpf oeq, %max3A_320, %min3A_282 : vector<256x128xf32>
    %lt3A_326 = arith.cmpf olt, %select_n3A_321, %select_n3A_283 : vector<256x128xf32>
    %and3A_327 = arith.andi %eq3A_325, %lt3A_326 : vector<256x128xi1>
    %or3A_328 = arith.ori %lt3A_324, %and3A_327 : vector<256x128xi1>
    %min3A_329 = arith.minimumf %max3A_320, %min3A_282 : vector<256x128xf32>
    %select_n3A_330 = arith.select %or3A_328, %select_n3A_321, %select_n3A_283 : vector<256x128xi1>, vector<256x128xf32>
    %slice3A_331 = vector.extract_strided_slice %sub3A {offsets = [0, 768], sizes = [256, 128], strides = [1, 1]} : vector<256x2048xf32> to vector<256x128xf32>
    %add3A_332 = arith.constant 7.680000e+02 : f32
    %add3A_333 = vector.broadcast %add3A_332 : f32 to vector<256x128xf32>
    %add3A_334 = arith.addf %convert_element_type3A_36, %add3A_333 : vector<256x128xf32>
    %lt3A_335 = arith.cmpf olt, %slice3A_331, %min3A_295 : vector<256x128xf32>
    %eq3A_336 = arith.cmpf oeq, %slice3A_331, %min3A_295 : vector<256x128xf32>
    %lt3A_337 = arith.cmpf olt, %add3A_334, %select_n3A_296 : vector<256x128xf32>
    %and3A_338 = arith.andi %eq3A_336, %lt3A_337 : vector<256x128xi1>
    %or3A_339 = arith.ori %lt3A_335, %and3A_338 : vector<256x128xi1>
    %max3A_340 = arith.maximumf %slice3A_331, %min3A_295 : vector<256x128xf32>
    %select_n3A_341 = arith.select %or3A_339, %select_n3A_296, %add3A_334 : vector<256x128xi1>, vector<256x128xf32>
    %min3A_342 = arith.minimumf %slice3A_331, %min3A_295 : vector<256x128xf32>
    %select_n3A_343 = arith.select %or3A_339, %add3A_334, %select_n3A_296 : vector<256x128xi1>, vector<256x128xf32>
    %lt3A_344 = arith.cmpf olt, %max3A_340, %min3A_304 : vector<256x128xf32>
    %eq3A_345 = arith.cmpf oeq, %max3A_340, %min3A_304 : vector<256x128xf32>
    %lt3A_346 = arith.cmpf olt, %select_n3A_341, %select_n3A_305 : vector<256x128xf32>
    %and3A_347 = arith.andi %eq3A_345, %lt3A_346 : vector<256x128xi1>
    %or3A_348 = arith.ori %lt3A_344, %and3A_347 : vector<256x128xi1>
    %max3A_349 = arith.maximumf %max3A_340, %min3A_304 : vector<256x128xf32>
    %select_n3A_350 = arith.select %or3A_348, %select_n3A_305, %select_n3A_341 : vector<256x128xi1>, vector<256x128xf32>
    %min3A_351 = arith.minimumf %max3A_340, %min3A_304 : vector<256x128xf32>
    %select_n3A_352 = arith.select %or3A_348, %select_n3A_341, %select_n3A_305 : vector<256x128xi1>, vector<256x128xf32>
    %lt3A_353 = arith.cmpf olt, %max3A_349, %min3A_313 : vector<256x128xf32>
    %eq3A_354 = arith.cmpf oeq, %max3A_349, %min3A_313 : vector<256x128xf32>
    %lt3A_355 = arith.cmpf olt, %select_n3A_350, %select_n3A_314 : vector<256x128xf32>
    %and3A_356 = arith.andi %eq3A_354, %lt3A_355 : vector<256x128xi1>
    %or3A_357 = arith.ori %lt3A_353, %and3A_356 : vector<256x128xi1>
    %max3A_358 = arith.maximumf %max3A_349, %min3A_313 : vector<256x128xf32>
    %select_n3A_359 = arith.select %or3A_357, %select_n3A_314, %select_n3A_350 : vector<256x128xi1>, vector<256x128xf32>
    %min3A_360 = arith.minimumf %max3A_349, %min3A_313 : vector<256x128xf32>
    %select_n3A_361 = arith.select %or3A_357, %select_n3A_350, %select_n3A_314 : vector<256x128xi1>, vector<256x128xf32>
    %lt3A_362 = arith.cmpf olt, %max3A_358, %min3A_322 : vector<256x128xf32>
    %eq3A_363 = arith.cmpf oeq, %max3A_358, %min3A_322 : vector<256x128xf32>
    %lt3A_364 = arith.cmpf olt, %select_n3A_359, %select_n3A_323 : vector<256x128xf32>
    %and3A_365 = arith.andi %eq3A_363, %lt3A_364 : vector<256x128xi1>
    %or3A_366 = arith.ori %lt3A_362, %and3A_365 : vector<256x128xi1>
    %max3A_367 = arith.maximumf %max3A_358, %min3A_322 : vector<256x128xf32>
    %select_n3A_368 = arith.select %or3A_366, %select_n3A_323, %select_n3A_359 : vector<256x128xi1>, vector<256x128xf32>
    %min3A_369 = arith.minimumf %max3A_358, %min3A_322 : vector<256x128xf32>
    %select_n3A_370 = arith.select %or3A_366, %select_n3A_359, %select_n3A_323 : vector<256x128xi1>, vector<256x128xf32>
    %lt3A_371 = arith.cmpf olt, %max3A_367, %min3A_329 : vector<256x128xf32>
    %eq3A_372 = arith.cmpf oeq, %max3A_367, %min3A_329 : vector<256x128xf32>
    %lt3A_373 = arith.cmpf olt, %select_n3A_368, %select_n3A_330 : vector<256x128xf32>
    %and3A_374 = arith.andi %eq3A_372, %lt3A_373 : vector<256x128xi1>
    %or3A_375 = arith.ori %lt3A_371, %and3A_374 : vector<256x128xi1>
    %min3A_376 = arith.minimumf %max3A_367, %min3A_329 : vector<256x128xf32>
    %select_n3A_377 = arith.select %or3A_375, %select_n3A_368, %select_n3A_330 : vector<256x128xi1>, vector<256x128xf32>
    %slice3A_378 = vector.extract_strided_slice %sub3A {offsets = [0, 896], sizes = [256, 128], strides = [1, 1]} : vector<256x2048xf32> to vector<256x128xf32>
    %add3A_379 = arith.constant 8.960000e+02 : f32
    %add3A_380 = vector.broadcast %add3A_379 : f32 to vector<256x128xf32>
    %add3A_381 = arith.addf %convert_element_type3A_36, %add3A_380 : vector<256x128xf32>
    %lt3A_382 = arith.cmpf olt, %slice3A_378, %min3A_342 : vector<256x128xf32>
    %eq3A_383 = arith.cmpf oeq, %slice3A_378, %min3A_342 : vector<256x128xf32>
    %lt3A_384 = arith.cmpf olt, %add3A_381, %select_n3A_343 : vector<256x128xf32>
    %and3A_385 = arith.andi %eq3A_383, %lt3A_384 : vector<256x128xi1>
    %or3A_386 = arith.ori %lt3A_382, %and3A_385 : vector<256x128xi1>
    %max3A_387 = arith.maximumf %slice3A_378, %min3A_342 : vector<256x128xf32>
    %select_n3A_388 = arith.select %or3A_386, %select_n3A_343, %add3A_381 : vector<256x128xi1>, vector<256x128xf32>
    %min3A_389 = arith.minimumf %slice3A_378, %min3A_342 : vector<256x128xf32>
    %select_n3A_390 = arith.select %or3A_386, %add3A_381, %select_n3A_343 : vector<256x128xi1>, vector<256x128xf32>
    %lt3A_391 = arith.cmpf olt, %max3A_387, %min3A_351 : vector<256x128xf32>
    %eq3A_392 = arith.cmpf oeq, %max3A_387, %min3A_351 : vector<256x128xf32>
    %lt3A_393 = arith.cmpf olt, %select_n3A_388, %select_n3A_352 : vector<256x128xf32>
    %and3A_394 = arith.andi %eq3A_392, %lt3A_393 : vector<256x128xi1>
    %or3A_395 = arith.ori %lt3A_391, %and3A_394 : vector<256x128xi1>
    %max3A_396 = arith.maximumf %max3A_387, %min3A_351 : vector<256x128xf32>
    %select_n3A_397 = arith.select %or3A_395, %select_n3A_352, %select_n3A_388 : vector<256x128xi1>, vector<256x128xf32>
    %min3A_398 = arith.minimumf %max3A_387, %min3A_351 : vector<256x128xf32>
    %select_n3A_399 = arith.select %or3A_395, %select_n3A_388, %select_n3A_352 : vector<256x128xi1>, vector<256x128xf32>
    %lt3A_400 = arith.cmpf olt, %max3A_396, %min3A_360 : vector<256x128xf32>
    %eq3A_401 = arith.cmpf oeq, %max3A_396, %min3A_360 : vector<256x128xf32>
    %lt3A_402 = arith.cmpf olt, %select_n3A_397, %select_n3A_361 : vector<256x128xf32>
    %and3A_403 = arith.andi %eq3A_401, %lt3A_402 : vector<256x128xi1>
    %or3A_404 = arith.ori %lt3A_400, %and3A_403 : vector<256x128xi1>
    %max3A_405 = arith.maximumf %max3A_396, %min3A_360 : vector<256x128xf32>
    %select_n3A_406 = arith.select %or3A_404, %select_n3A_361, %select_n3A_397 : vector<256x128xi1>, vector<256x128xf32>
    %min3A_407 = arith.minimumf %max3A_396, %min3A_360 : vector<256x128xf32>
    %select_n3A_408 = arith.select %or3A_404, %select_n3A_397, %select_n3A_361 : vector<256x128xi1>, vector<256x128xf32>
    %lt3A_409 = arith.cmpf olt, %max3A_405, %min3A_369 : vector<256x128xf32>
    %eq3A_410 = arith.cmpf oeq, %max3A_405, %min3A_369 : vector<256x128xf32>
    %lt3A_411 = arith.cmpf olt, %select_n3A_406, %select_n3A_370 : vector<256x128xf32>
    %and3A_412 = arith.andi %eq3A_410, %lt3A_411 : vector<256x128xi1>
    %or3A_413 = arith.ori %lt3A_409, %and3A_412 : vector<256x128xi1>
    %max3A_414 = arith.maximumf %max3A_405, %min3A_369 : vector<256x128xf32>
    %select_n3A_415 = arith.select %or3A_413, %select_n3A_370, %select_n3A_406 : vector<256x128xi1>, vector<256x128xf32>
    %min3A_416 = arith.minimumf %max3A_405, %min3A_369 : vector<256x128xf32>
    %select_n3A_417 = arith.select %or3A_413, %select_n3A_406, %select_n3A_370 : vector<256x128xi1>, vector<256x128xf32>
    %lt3A_418 = arith.cmpf olt, %max3A_414, %min3A_376 : vector<256x128xf32>
    %eq3A_419 = arith.cmpf oeq, %max3A_414, %min3A_376 : vector<256x128xf32>
    %lt3A_420 = arith.cmpf olt, %select_n3A_415, %select_n3A_377 : vector<256x128xf32>
    %and3A_421 = arith.andi %eq3A_419, %lt3A_420 : vector<256x128xi1>
    %or3A_422 = arith.ori %lt3A_418, %and3A_421 : vector<256x128xi1>
    %min3A_423 = arith.minimumf %max3A_414, %min3A_376 : vector<256x128xf32>
    %select_n3A_424 = arith.select %or3A_422, %select_n3A_415, %select_n3A_377 : vector<256x128xi1>, vector<256x128xf32>
    %slice3A_425 = vector.extract_strided_slice %sub3A {offsets = [0, 1024], sizes = [256, 128], strides = [1, 1]} : vector<256x2048xf32> to vector<256x128xf32>
    %add3A_426 = arith.constant 1.024000e+03 : f32
    %add3A_427 = vector.broadcast %add3A_426 : f32 to vector<256x128xf32>
    %add3A_428 = arith.addf %convert_element_type3A_36, %add3A_427 : vector<256x128xf32>
    %lt3A_429 = arith.cmpf olt, %slice3A_425, %min3A_389 : vector<256x128xf32>
    %eq3A_430 = arith.cmpf oeq, %slice3A_425, %min3A_389 : vector<256x128xf32>
    %lt3A_431 = arith.cmpf olt, %add3A_428, %select_n3A_390 : vector<256x128xf32>
    %and3A_432 = arith.andi %eq3A_430, %lt3A_431 : vector<256x128xi1>
    %or3A_433 = arith.ori %lt3A_429, %and3A_432 : vector<256x128xi1>
    %max3A_434 = arith.maximumf %slice3A_425, %min3A_389 : vector<256x128xf32>
    %select_n3A_435 = arith.select %or3A_433, %select_n3A_390, %add3A_428 : vector<256x128xi1>, vector<256x128xf32>
    %min3A_436 = arith.minimumf %slice3A_425, %min3A_389 : vector<256x128xf32>
    %select_n3A_437 = arith.select %or3A_433, %add3A_428, %select_n3A_390 : vector<256x128xi1>, vector<256x128xf32>
    %lt3A_438 = arith.cmpf olt, %max3A_434, %min3A_398 : vector<256x128xf32>
    %eq3A_439 = arith.cmpf oeq, %max3A_434, %min3A_398 : vector<256x128xf32>
    %lt3A_440 = arith.cmpf olt, %select_n3A_435, %select_n3A_399 : vector<256x128xf32>
    %and3A_441 = arith.andi %eq3A_439, %lt3A_440 : vector<256x128xi1>
    %or3A_442 = arith.ori %lt3A_438, %and3A_441 : vector<256x128xi1>
    %max3A_443 = arith.maximumf %max3A_434, %min3A_398 : vector<256x128xf32>
    %select_n3A_444 = arith.select %or3A_442, %select_n3A_399, %select_n3A_435 : vector<256x128xi1>, vector<256x128xf32>
    %min3A_445 = arith.minimumf %max3A_434, %min3A_398 : vector<256x128xf32>
    %select_n3A_446 = arith.select %or3A_442, %select_n3A_435, %select_n3A_399 : vector<256x128xi1>, vector<256x128xf32>
    %lt3A_447 = arith.cmpf olt, %max3A_443, %min3A_407 : vector<256x128xf32>
    %eq3A_448 = arith.cmpf oeq, %max3A_443, %min3A_407 : vector<256x128xf32>
    %lt3A_449 = arith.cmpf olt, %select_n3A_444, %select_n3A_408 : vector<256x128xf32>
    %and3A_450 = arith.andi %eq3A_448, %lt3A_449 : vector<256x128xi1>
    %or3A_451 = arith.ori %lt3A_447, %and3A_450 : vector<256x128xi1>
    %max3A_452 = arith.maximumf %max3A_443, %min3A_407 : vector<256x128xf32>
    %select_n3A_453 = arith.select %or3A_451, %select_n3A_408, %select_n3A_444 : vector<256x128xi1>, vector<256x128xf32>
    %min3A_454 = arith.minimumf %max3A_443, %min3A_407 : vector<256x128xf32>
    %select_n3A_455 = arith.select %or3A_451, %select_n3A_444, %select_n3A_408 : vector<256x128xi1>, vector<256x128xf32>
    %lt3A_456 = arith.cmpf olt, %max3A_452, %min3A_416 : vector<256x128xf32>
    %eq3A_457 = arith.cmpf oeq, %max3A_452, %min3A_416 : vector<256x128xf32>
    %lt3A_458 = arith.cmpf olt, %select_n3A_453, %select_n3A_417 : vector<256x128xf32>
    %and3A_459 = arith.andi %eq3A_457, %lt3A_458 : vector<256x128xi1>
    %or3A_460 = arith.ori %lt3A_456, %and3A_459 : vector<256x128xi1>
    %max3A_461 = arith.maximumf %max3A_452, %min3A_416 : vector<256x128xf32>
    %select_n3A_462 = arith.select %or3A_460, %select_n3A_417, %select_n3A_453 : vector<256x128xi1>, vector<256x128xf32>
    %min3A_463 = arith.minimumf %max3A_452, %min3A_416 : vector<256x128xf32>
    %select_n3A_464 = arith.select %or3A_460, %select_n3A_453, %select_n3A_417 : vector<256x128xi1>, vector<256x128xf32>
    %lt3A_465 = arith.cmpf olt, %max3A_461, %min3A_423 : vector<256x128xf32>
    %eq3A_466 = arith.cmpf oeq, %max3A_461, %min3A_423 : vector<256x128xf32>
    %lt3A_467 = arith.cmpf olt, %select_n3A_462, %select_n3A_424 : vector<256x128xf32>
    %and3A_468 = arith.andi %eq3A_466, %lt3A_467 : vector<256x128xi1>
    %or3A_469 = arith.ori %lt3A_465, %and3A_468 : vector<256x128xi1>
    %min3A_470 = arith.minimumf %max3A_461, %min3A_423 : vector<256x128xf32>
    %select_n3A_471 = arith.select %or3A_469, %select_n3A_462, %select_n3A_424 : vector<256x128xi1>, vector<256x128xf32>
    %slice3A_472 = vector.extract_strided_slice %sub3A {offsets = [0, 1152], sizes = [256, 128], strides = [1, 1]} : vector<256x2048xf32> to vector<256x128xf32>
    %add3A_473 = arith.constant 1.152000e+03 : f32
    %add3A_474 = vector.broadcast %add3A_473 : f32 to vector<256x128xf32>
    %add3A_475 = arith.addf %convert_element_type3A_36, %add3A_474 : vector<256x128xf32>
    %lt3A_476 = arith.cmpf olt, %slice3A_472, %min3A_436 : vector<256x128xf32>
    %eq3A_477 = arith.cmpf oeq, %slice3A_472, %min3A_436 : vector<256x128xf32>
    %lt3A_478 = arith.cmpf olt, %add3A_475, %select_n3A_437 : vector<256x128xf32>
    %and3A_479 = arith.andi %eq3A_477, %lt3A_478 : vector<256x128xi1>
    %or3A_480 = arith.ori %lt3A_476, %and3A_479 : vector<256x128xi1>
    %max3A_481 = arith.maximumf %slice3A_472, %min3A_436 : vector<256x128xf32>
    %select_n3A_482 = arith.select %or3A_480, %select_n3A_437, %add3A_475 : vector<256x128xi1>, vector<256x128xf32>
    %min3A_483 = arith.minimumf %slice3A_472, %min3A_436 : vector<256x128xf32>
    %select_n3A_484 = arith.select %or3A_480, %add3A_475, %select_n3A_437 : vector<256x128xi1>, vector<256x128xf32>
    %lt3A_485 = arith.cmpf olt, %max3A_481, %min3A_445 : vector<256x128xf32>
    %eq3A_486 = arith.cmpf oeq, %max3A_481, %min3A_445 : vector<256x128xf32>
    %lt3A_487 = arith.cmpf olt, %select_n3A_482, %select_n3A_446 : vector<256x128xf32>
    %and3A_488 = arith.andi %eq3A_486, %lt3A_487 : vector<256x128xi1>
    %or3A_489 = arith.ori %lt3A_485, %and3A_488 : vector<256x128xi1>
    %max3A_490 = arith.maximumf %max3A_481, %min3A_445 : vector<256x128xf32>
    %select_n3A_491 = arith.select %or3A_489, %select_n3A_446, %select_n3A_482 : vector<256x128xi1>, vector<256x128xf32>
    %min3A_492 = arith.minimumf %max3A_481, %min3A_445 : vector<256x128xf32>
    %select_n3A_493 = arith.select %or3A_489, %select_n3A_482, %select_n3A_446 : vector<256x128xi1>, vector<256x128xf32>
    %lt3A_494 = arith.cmpf olt, %max3A_490, %min3A_454 : vector<256x128xf32>
    %eq3A_495 = arith.cmpf oeq, %max3A_490, %min3A_454 : vector<256x128xf32>
    %lt3A_496 = arith.cmpf olt, %select_n3A_491, %select_n3A_455 : vector<256x128xf32>
    %and3A_497 = arith.andi %eq3A_495, %lt3A_496 : vector<256x128xi1>
    %or3A_498 = arith.ori %lt3A_494, %and3A_497 : vector<256x128xi1>
    %max3A_499 = arith.maximumf %max3A_490, %min3A_454 : vector<256x128xf32>
    %select_n3A_500 = arith.select %or3A_498, %select_n3A_455, %select_n3A_491 : vector<256x128xi1>, vector<256x128xf32>
    %min3A_501 = arith.minimumf %max3A_490, %min3A_454 : vector<256x128xf32>
    %select_n3A_502 = arith.select %or3A_498, %select_n3A_491, %select_n3A_455 : vector<256x128xi1>, vector<256x128xf32>
    %lt3A_503 = arith.cmpf olt, %max3A_499, %min3A_463 : vector<256x128xf32>
    %eq3A_504 = arith.cmpf oeq, %max3A_499, %min3A_463 : vector<256x128xf32>
    %lt3A_505 = arith.cmpf olt, %select_n3A_500, %select_n3A_464 : vector<256x128xf32>
    %and3A_506 = arith.andi %eq3A_504, %lt3A_505 : vector<256x128xi1>
    %or3A_507 = arith.ori %lt3A_503, %and3A_506 : vector<256x128xi1>
    %max3A_508 = arith.maximumf %max3A_499, %min3A_463 : vector<256x128xf32>
    %select_n3A_509 = arith.select %or3A_507, %select_n3A_464, %select_n3A_500 : vector<256x128xi1>, vector<256x128xf32>
    %min3A_510 = arith.minimumf %max3A_499, %min3A_463 : vector<256x128xf32>
    %select_n3A_511 = arith.select %or3A_507, %select_n3A_500, %select_n3A_464 : vector<256x128xi1>, vector<256x128xf32>
    %lt3A_512 = arith.cmpf olt, %max3A_508, %min3A_470 : vector<256x128xf32>
    %eq3A_513 = arith.cmpf oeq, %max3A_508, %min3A_470 : vector<256x128xf32>
    %lt3A_514 = arith.cmpf olt, %select_n3A_509, %select_n3A_471 : vector<256x128xf32>
    %and3A_515 = arith.andi %eq3A_513, %lt3A_514 : vector<256x128xi1>
    %or3A_516 = arith.ori %lt3A_512, %and3A_515 : vector<256x128xi1>
    %min3A_517 = arith.minimumf %max3A_508, %min3A_470 : vector<256x128xf32>
    %select_n3A_518 = arith.select %or3A_516, %select_n3A_509, %select_n3A_471 : vector<256x128xi1>, vector<256x128xf32>
    %slice3A_519 = vector.extract_strided_slice %sub3A {offsets = [0, 1280], sizes = [256, 128], strides = [1, 1]} : vector<256x2048xf32> to vector<256x128xf32>
    %add3A_520 = arith.constant 1.280000e+03 : f32
    %add3A_521 = vector.broadcast %add3A_520 : f32 to vector<256x128xf32>
    %add3A_522 = arith.addf %convert_element_type3A_36, %add3A_521 : vector<256x128xf32>
    %lt3A_523 = arith.cmpf olt, %slice3A_519, %min3A_483 : vector<256x128xf32>
    %eq3A_524 = arith.cmpf oeq, %slice3A_519, %min3A_483 : vector<256x128xf32>
    %lt3A_525 = arith.cmpf olt, %add3A_522, %select_n3A_484 : vector<256x128xf32>
    %and3A_526 = arith.andi %eq3A_524, %lt3A_525 : vector<256x128xi1>
    %or3A_527 = arith.ori %lt3A_523, %and3A_526 : vector<256x128xi1>
    %max3A_528 = arith.maximumf %slice3A_519, %min3A_483 : vector<256x128xf32>
    %select_n3A_529 = arith.select %or3A_527, %select_n3A_484, %add3A_522 : vector<256x128xi1>, vector<256x128xf32>
    %min3A_530 = arith.minimumf %slice3A_519, %min3A_483 : vector<256x128xf32>
    %select_n3A_531 = arith.select %or3A_527, %add3A_522, %select_n3A_484 : vector<256x128xi1>, vector<256x128xf32>
    %lt3A_532 = arith.cmpf olt, %max3A_528, %min3A_492 : vector<256x128xf32>
    %eq3A_533 = arith.cmpf oeq, %max3A_528, %min3A_492 : vector<256x128xf32>
    %lt3A_534 = arith.cmpf olt, %select_n3A_529, %select_n3A_493 : vector<256x128xf32>
    %and3A_535 = arith.andi %eq3A_533, %lt3A_534 : vector<256x128xi1>
    %or3A_536 = arith.ori %lt3A_532, %and3A_535 : vector<256x128xi1>
    %max3A_537 = arith.maximumf %max3A_528, %min3A_492 : vector<256x128xf32>
    %select_n3A_538 = arith.select %or3A_536, %select_n3A_493, %select_n3A_529 : vector<256x128xi1>, vector<256x128xf32>
    %min3A_539 = arith.minimumf %max3A_528, %min3A_492 : vector<256x128xf32>
    %select_n3A_540 = arith.select %or3A_536, %select_n3A_529, %select_n3A_493 : vector<256x128xi1>, vector<256x128xf32>
    %lt3A_541 = arith.cmpf olt, %max3A_537, %min3A_501 : vector<256x128xf32>
    %eq3A_542 = arith.cmpf oeq, %max3A_537, %min3A_501 : vector<256x128xf32>
    %lt3A_543 = arith.cmpf olt, %select_n3A_538, %select_n3A_502 : vector<256x128xf32>
    %and3A_544 = arith.andi %eq3A_542, %lt3A_543 : vector<256x128xi1>
    %or3A_545 = arith.ori %lt3A_541, %and3A_544 : vector<256x128xi1>
    %max3A_546 = arith.maximumf %max3A_537, %min3A_501 : vector<256x128xf32>
    %select_n3A_547 = arith.select %or3A_545, %select_n3A_502, %select_n3A_538 : vector<256x128xi1>, vector<256x128xf32>
    %min3A_548 = arith.minimumf %max3A_537, %min3A_501 : vector<256x128xf32>
    %select_n3A_549 = arith.select %or3A_545, %select_n3A_538, %select_n3A_502 : vector<256x128xi1>, vector<256x128xf32>
    %lt3A_550 = arith.cmpf olt, %max3A_546, %min3A_510 : vector<256x128xf32>
    %eq3A_551 = arith.cmpf oeq, %max3A_546, %min3A_510 : vector<256x128xf32>
    %lt3A_552 = arith.cmpf olt, %select_n3A_547, %select_n3A_511 : vector<256x128xf32>
    %and3A_553 = arith.andi %eq3A_551, %lt3A_552 : vector<256x128xi1>
    %or3A_554 = arith.ori %lt3A_550, %and3A_553 : vector<256x128xi1>
    %max3A_555 = arith.maximumf %max3A_546, %min3A_510 : vector<256x128xf32>
    %select_n3A_556 = arith.select %or3A_554, %select_n3A_511, %select_n3A_547 : vector<256x128xi1>, vector<256x128xf32>
    %min3A_557 = arith.minimumf %max3A_546, %min3A_510 : vector<256x128xf32>
    %select_n3A_558 = arith.select %or3A_554, %select_n3A_547, %select_n3A_511 : vector<256x128xi1>, vector<256x128xf32>
    %lt3A_559 = arith.cmpf olt, %max3A_555, %min3A_517 : vector<256x128xf32>
    %eq3A_560 = arith.cmpf oeq, %max3A_555, %min3A_517 : vector<256x128xf32>
    %lt3A_561 = arith.cmpf olt, %select_n3A_556, %select_n3A_518 : vector<256x128xf32>
    %and3A_562 = arith.andi %eq3A_560, %lt3A_561 : vector<256x128xi1>
    %or3A_563 = arith.ori %lt3A_559, %and3A_562 : vector<256x128xi1>
    %min3A_564 = arith.minimumf %max3A_555, %min3A_517 : vector<256x128xf32>
    %select_n3A_565 = arith.select %or3A_563, %select_n3A_556, %select_n3A_518 : vector<256x128xi1>, vector<256x128xf32>
    %slice3A_566 = vector.extract_strided_slice %sub3A {offsets = [0, 1408], sizes = [256, 128], strides = [1, 1]} : vector<256x2048xf32> to vector<256x128xf32>
    %add3A_567 = arith.constant 1.408000e+03 : f32
    %add3A_568 = vector.broadcast %add3A_567 : f32 to vector<256x128xf32>
    %add3A_569 = arith.addf %convert_element_type3A_36, %add3A_568 : vector<256x128xf32>
    %lt3A_570 = arith.cmpf olt, %slice3A_566, %min3A_530 : vector<256x128xf32>
    %eq3A_571 = arith.cmpf oeq, %slice3A_566, %min3A_530 : vector<256x128xf32>
    %lt3A_572 = arith.cmpf olt, %add3A_569, %select_n3A_531 : vector<256x128xf32>
    %and3A_573 = arith.andi %eq3A_571, %lt3A_572 : vector<256x128xi1>
    %or3A_574 = arith.ori %lt3A_570, %and3A_573 : vector<256x128xi1>
    %max3A_575 = arith.maximumf %slice3A_566, %min3A_530 : vector<256x128xf32>
    %select_n3A_576 = arith.select %or3A_574, %select_n3A_531, %add3A_569 : vector<256x128xi1>, vector<256x128xf32>
    %min3A_577 = arith.minimumf %slice3A_566, %min3A_530 : vector<256x128xf32>
    %select_n3A_578 = arith.select %or3A_574, %add3A_569, %select_n3A_531 : vector<256x128xi1>, vector<256x128xf32>
    %lt3A_579 = arith.cmpf olt, %max3A_575, %min3A_539 : vector<256x128xf32>
    %eq3A_580 = arith.cmpf oeq, %max3A_575, %min3A_539 : vector<256x128xf32>
    %lt3A_581 = arith.cmpf olt, %select_n3A_576, %select_n3A_540 : vector<256x128xf32>
    %and3A_582 = arith.andi %eq3A_580, %lt3A_581 : vector<256x128xi1>
    %or3A_583 = arith.ori %lt3A_579, %and3A_582 : vector<256x128xi1>
    %max3A_584 = arith.maximumf %max3A_575, %min3A_539 : vector<256x128xf32>
    %select_n3A_585 = arith.select %or3A_583, %select_n3A_540, %select_n3A_576 : vector<256x128xi1>, vector<256x128xf32>
    %min3A_586 = arith.minimumf %max3A_575, %min3A_539 : vector<256x128xf32>
    %select_n3A_587 = arith.select %or3A_583, %select_n3A_576, %select_n3A_540 : vector<256x128xi1>, vector<256x128xf32>
    %lt3A_588 = arith.cmpf olt, %max3A_584, %min3A_548 : vector<256x128xf32>
    %eq3A_589 = arith.cmpf oeq, %max3A_584, %min3A_548 : vector<256x128xf32>
    %lt3A_590 = arith.cmpf olt, %select_n3A_585, %select_n3A_549 : vector<256x128xf32>
    %and3A_591 = arith.andi %eq3A_589, %lt3A_590 : vector<256x128xi1>
    %or3A_592 = arith.ori %lt3A_588, %and3A_591 : vector<256x128xi1>
    %max3A_593 = arith.maximumf %max3A_584, %min3A_548 : vector<256x128xf32>
    %select_n3A_594 = arith.select %or3A_592, %select_n3A_549, %select_n3A_585 : vector<256x128xi1>, vector<256x128xf32>
    %min3A_595 = arith.minimumf %max3A_584, %min3A_548 : vector<256x128xf32>
    %select_n3A_596 = arith.select %or3A_592, %select_n3A_585, %select_n3A_549 : vector<256x128xi1>, vector<256x128xf32>
    %lt3A_597 = arith.cmpf olt, %max3A_593, %min3A_557 : vector<256x128xf32>
    %eq3A_598 = arith.cmpf oeq, %max3A_593, %min3A_557 : vector<256x128xf32>
    %lt3A_599 = arith.cmpf olt, %select_n3A_594, %select_n3A_558 : vector<256x128xf32>
    %and3A_600 = arith.andi %eq3A_598, %lt3A_599 : vector<256x128xi1>
    %or3A_601 = arith.ori %lt3A_597, %and3A_600 : vector<256x128xi1>
    %max3A_602 = arith.maximumf %max3A_593, %min3A_557 : vector<256x128xf32>
    %select_n3A_603 = arith.select %or3A_601, %select_n3A_558, %select_n3A_594 : vector<256x128xi1>, vector<256x128xf32>
    %min3A_604 = arith.minimumf %max3A_593, %min3A_557 : vector<256x128xf32>
    %select_n3A_605 = arith.select %or3A_601, %select_n3A_594, %select_n3A_558 : vector<256x128xi1>, vector<256x128xf32>
    %lt3A_606 = arith.cmpf olt, %max3A_602, %min3A_564 : vector<256x128xf32>
    %eq3A_607 = arith.cmpf oeq, %max3A_602, %min3A_564 : vector<256x128xf32>
    %lt3A_608 = arith.cmpf olt, %select_n3A_603, %select_n3A_565 : vector<256x128xf32>
    %and3A_609 = arith.andi %eq3A_607, %lt3A_608 : vector<256x128xi1>
    %or3A_610 = arith.ori %lt3A_606, %and3A_609 : vector<256x128xi1>
    %min3A_611 = arith.minimumf %max3A_602, %min3A_564 : vector<256x128xf32>
    %select_n3A_612 = arith.select %or3A_610, %select_n3A_603, %select_n3A_565 : vector<256x128xi1>, vector<256x128xf32>
    %slice3A_613 = vector.extract_strided_slice %sub3A {offsets = [0, 1536], sizes = [256, 128], strides = [1, 1]} : vector<256x2048xf32> to vector<256x128xf32>
    %add3A_614 = arith.constant 1.536000e+03 : f32
    %add3A_615 = vector.broadcast %add3A_614 : f32 to vector<256x128xf32>
    %add3A_616 = arith.addf %convert_element_type3A_36, %add3A_615 : vector<256x128xf32>
    %lt3A_617 = arith.cmpf olt, %slice3A_613, %min3A_577 : vector<256x128xf32>
    %eq3A_618 = arith.cmpf oeq, %slice3A_613, %min3A_577 : vector<256x128xf32>
    %lt3A_619 = arith.cmpf olt, %add3A_616, %select_n3A_578 : vector<256x128xf32>
    %and3A_620 = arith.andi %eq3A_618, %lt3A_619 : vector<256x128xi1>
    %or3A_621 = arith.ori %lt3A_617, %and3A_620 : vector<256x128xi1>
    %max3A_622 = arith.maximumf %slice3A_613, %min3A_577 : vector<256x128xf32>
    %select_n3A_623 = arith.select %or3A_621, %select_n3A_578, %add3A_616 : vector<256x128xi1>, vector<256x128xf32>
    %min3A_624 = arith.minimumf %slice3A_613, %min3A_577 : vector<256x128xf32>
    %select_n3A_625 = arith.select %or3A_621, %add3A_616, %select_n3A_578 : vector<256x128xi1>, vector<256x128xf32>
    %lt3A_626 = arith.cmpf olt, %max3A_622, %min3A_586 : vector<256x128xf32>
    %eq3A_627 = arith.cmpf oeq, %max3A_622, %min3A_586 : vector<256x128xf32>
    %lt3A_628 = arith.cmpf olt, %select_n3A_623, %select_n3A_587 : vector<256x128xf32>
    %and3A_629 = arith.andi %eq3A_627, %lt3A_628 : vector<256x128xi1>
    %or3A_630 = arith.ori %lt3A_626, %and3A_629 : vector<256x128xi1>
    %max3A_631 = arith.maximumf %max3A_622, %min3A_586 : vector<256x128xf32>
    %select_n3A_632 = arith.select %or3A_630, %select_n3A_587, %select_n3A_623 : vector<256x128xi1>, vector<256x128xf32>
    %min3A_633 = arith.minimumf %max3A_622, %min3A_586 : vector<256x128xf32>
    %select_n3A_634 = arith.select %or3A_630, %select_n3A_623, %select_n3A_587 : vector<256x128xi1>, vector<256x128xf32>
    %lt3A_635 = arith.cmpf olt, %max3A_631, %min3A_595 : vector<256x128xf32>
    %eq3A_636 = arith.cmpf oeq, %max3A_631, %min3A_595 : vector<256x128xf32>
    %lt3A_637 = arith.cmpf olt, %select_n3A_632, %select_n3A_596 : vector<256x128xf32>
    %and3A_638 = arith.andi %eq3A_636, %lt3A_637 : vector<256x128xi1>
    %or3A_639 = arith.ori %lt3A_635, %and3A_638 : vector<256x128xi1>
    %max3A_640 = arith.maximumf %max3A_631, %min3A_595 : vector<256x128xf32>
    %select_n3A_641 = arith.select %or3A_639, %select_n3A_596, %select_n3A_632 : vector<256x128xi1>, vector<256x128xf32>
    %min3A_642 = arith.minimumf %max3A_631, %min3A_595 : vector<256x128xf32>
    %select_n3A_643 = arith.select %or3A_639, %select_n3A_632, %select_n3A_596 : vector<256x128xi1>, vector<256x128xf32>
    %lt3A_644 = arith.cmpf olt, %max3A_640, %min3A_604 : vector<256x128xf32>
    %eq3A_645 = arith.cmpf oeq, %max3A_640, %min3A_604 : vector<256x128xf32>
    %lt3A_646 = arith.cmpf olt, %select_n3A_641, %select_n3A_605 : vector<256x128xf32>
    %and3A_647 = arith.andi %eq3A_645, %lt3A_646 : vector<256x128xi1>
    %or3A_648 = arith.ori %lt3A_644, %and3A_647 : vector<256x128xi1>
    %max3A_649 = arith.maximumf %max3A_640, %min3A_604 : vector<256x128xf32>
    %select_n3A_650 = arith.select %or3A_648, %select_n3A_605, %select_n3A_641 : vector<256x128xi1>, vector<256x128xf32>
    %min3A_651 = arith.minimumf %max3A_640, %min3A_604 : vector<256x128xf32>
    %select_n3A_652 = arith.select %or3A_648, %select_n3A_641, %select_n3A_605 : vector<256x128xi1>, vector<256x128xf32>
    %lt3A_653 = arith.cmpf olt, %max3A_649, %min3A_611 : vector<256x128xf32>
    %eq3A_654 = arith.cmpf oeq, %max3A_649, %min3A_611 : vector<256x128xf32>
    %lt3A_655 = arith.cmpf olt, %select_n3A_650, %select_n3A_612 : vector<256x128xf32>
    %and3A_656 = arith.andi %eq3A_654, %lt3A_655 : vector<256x128xi1>
    %or3A_657 = arith.ori %lt3A_653, %and3A_656 : vector<256x128xi1>
    %min3A_658 = arith.minimumf %max3A_649, %min3A_611 : vector<256x128xf32>
    %select_n3A_659 = arith.select %or3A_657, %select_n3A_650, %select_n3A_612 : vector<256x128xi1>, vector<256x128xf32>
    %slice3A_660 = vector.extract_strided_slice %sub3A {offsets = [0, 1664], sizes = [256, 128], strides = [1, 1]} : vector<256x2048xf32> to vector<256x128xf32>
    %add3A_661 = arith.constant 1.664000e+03 : f32
    %add3A_662 = vector.broadcast %add3A_661 : f32 to vector<256x128xf32>
    %add3A_663 = arith.addf %convert_element_type3A_36, %add3A_662 : vector<256x128xf32>
    %lt3A_664 = arith.cmpf olt, %slice3A_660, %min3A_624 : vector<256x128xf32>
    %eq3A_665 = arith.cmpf oeq, %slice3A_660, %min3A_624 : vector<256x128xf32>
    %lt3A_666 = arith.cmpf olt, %add3A_663, %select_n3A_625 : vector<256x128xf32>
    %and3A_667 = arith.andi %eq3A_665, %lt3A_666 : vector<256x128xi1>
    %or3A_668 = arith.ori %lt3A_664, %and3A_667 : vector<256x128xi1>
    %max3A_669 = arith.maximumf %slice3A_660, %min3A_624 : vector<256x128xf32>
    %select_n3A_670 = arith.select %or3A_668, %select_n3A_625, %add3A_663 : vector<256x128xi1>, vector<256x128xf32>
    %min3A_671 = arith.minimumf %slice3A_660, %min3A_624 : vector<256x128xf32>
    %select_n3A_672 = arith.select %or3A_668, %add3A_663, %select_n3A_625 : vector<256x128xi1>, vector<256x128xf32>
    %lt3A_673 = arith.cmpf olt, %max3A_669, %min3A_633 : vector<256x128xf32>
    %eq3A_674 = arith.cmpf oeq, %max3A_669, %min3A_633 : vector<256x128xf32>
    %lt3A_675 = arith.cmpf olt, %select_n3A_670, %select_n3A_634 : vector<256x128xf32>
    %and3A_676 = arith.andi %eq3A_674, %lt3A_675 : vector<256x128xi1>
    %or3A_677 = arith.ori %lt3A_673, %and3A_676 : vector<256x128xi1>
    %max3A_678 = arith.maximumf %max3A_669, %min3A_633 : vector<256x128xf32>
    %select_n3A_679 = arith.select %or3A_677, %select_n3A_634, %select_n3A_670 : vector<256x128xi1>, vector<256x128xf32>
    %min3A_680 = arith.minimumf %max3A_669, %min3A_633 : vector<256x128xf32>
    %select_n3A_681 = arith.select %or3A_677, %select_n3A_670, %select_n3A_634 : vector<256x128xi1>, vector<256x128xf32>
    %lt3A_682 = arith.cmpf olt, %max3A_678, %min3A_642 : vector<256x128xf32>
    %eq3A_683 = arith.cmpf oeq, %max3A_678, %min3A_642 : vector<256x128xf32>
    %lt3A_684 = arith.cmpf olt, %select_n3A_679, %select_n3A_643 : vector<256x128xf32>
    %and3A_685 = arith.andi %eq3A_683, %lt3A_684 : vector<256x128xi1>
    %or3A_686 = arith.ori %lt3A_682, %and3A_685 : vector<256x128xi1>
    %max3A_687 = arith.maximumf %max3A_678, %min3A_642 : vector<256x128xf32>
    %select_n3A_688 = arith.select %or3A_686, %select_n3A_643, %select_n3A_679 : vector<256x128xi1>, vector<256x128xf32>
    %min3A_689 = arith.minimumf %max3A_678, %min3A_642 : vector<256x128xf32>
    %select_n3A_690 = arith.select %or3A_686, %select_n3A_679, %select_n3A_643 : vector<256x128xi1>, vector<256x128xf32>
    %lt3A_691 = arith.cmpf olt, %max3A_687, %min3A_651 : vector<256x128xf32>
    %eq3A_692 = arith.cmpf oeq, %max3A_687, %min3A_651 : vector<256x128xf32>
    %lt3A_693 = arith.cmpf olt, %select_n3A_688, %select_n3A_652 : vector<256x128xf32>
    %and3A_694 = arith.andi %eq3A_692, %lt3A_693 : vector<256x128xi1>
    %or3A_695 = arith.ori %lt3A_691, %and3A_694 : vector<256x128xi1>
    %max3A_696 = arith.maximumf %max3A_687, %min3A_651 : vector<256x128xf32>
    %select_n3A_697 = arith.select %or3A_695, %select_n3A_652, %select_n3A_688 : vector<256x128xi1>, vector<256x128xf32>
    %min3A_698 = arith.minimumf %max3A_687, %min3A_651 : vector<256x128xf32>
    %select_n3A_699 = arith.select %or3A_695, %select_n3A_688, %select_n3A_652 : vector<256x128xi1>, vector<256x128xf32>
    %lt3A_700 = arith.cmpf olt, %max3A_696, %min3A_658 : vector<256x128xf32>
    %eq3A_701 = arith.cmpf oeq, %max3A_696, %min3A_658 : vector<256x128xf32>
    %lt3A_702 = arith.cmpf olt, %select_n3A_697, %select_n3A_659 : vector<256x128xf32>
    %and3A_703 = arith.andi %eq3A_701, %lt3A_702 : vector<256x128xi1>
    %or3A_704 = arith.ori %lt3A_700, %and3A_703 : vector<256x128xi1>
    %min3A_705 = arith.minimumf %max3A_696, %min3A_658 : vector<256x128xf32>
    %select_n3A_706 = arith.select %or3A_704, %select_n3A_697, %select_n3A_659 : vector<256x128xi1>, vector<256x128xf32>
    %slice3A_707 = vector.extract_strided_slice %sub3A {offsets = [0, 1792], sizes = [256, 128], strides = [1, 1]} : vector<256x2048xf32> to vector<256x128xf32>
    %add3A_708 = arith.constant 1.792000e+03 : f32
    %add3A_709 = vector.broadcast %add3A_708 : f32 to vector<256x128xf32>
    %add3A_710 = arith.addf %convert_element_type3A_36, %add3A_709 : vector<256x128xf32>
    %lt3A_711 = arith.cmpf olt, %slice3A_707, %min3A_671 : vector<256x128xf32>
    %eq3A_712 = arith.cmpf oeq, %slice3A_707, %min3A_671 : vector<256x128xf32>
    %lt3A_713 = arith.cmpf olt, %add3A_710, %select_n3A_672 : vector<256x128xf32>
    %and3A_714 = arith.andi %eq3A_712, %lt3A_713 : vector<256x128xi1>
    %or3A_715 = arith.ori %lt3A_711, %and3A_714 : vector<256x128xi1>
    %max3A_716 = arith.maximumf %slice3A_707, %min3A_671 : vector<256x128xf32>
    %select_n3A_717 = arith.select %or3A_715, %select_n3A_672, %add3A_710 : vector<256x128xi1>, vector<256x128xf32>
    %min3A_718 = arith.minimumf %slice3A_707, %min3A_671 : vector<256x128xf32>
    %select_n3A_719 = arith.select %or3A_715, %add3A_710, %select_n3A_672 : vector<256x128xi1>, vector<256x128xf32>
    %lt3A_720 = arith.cmpf olt, %max3A_716, %min3A_680 : vector<256x128xf32>
    %eq3A_721 = arith.cmpf oeq, %max3A_716, %min3A_680 : vector<256x128xf32>
    %lt3A_722 = arith.cmpf olt, %select_n3A_717, %select_n3A_681 : vector<256x128xf32>
    %and3A_723 = arith.andi %eq3A_721, %lt3A_722 : vector<256x128xi1>
    %or3A_724 = arith.ori %lt3A_720, %and3A_723 : vector<256x128xi1>
    %max3A_725 = arith.maximumf %max3A_716, %min3A_680 : vector<256x128xf32>
    %select_n3A_726 = arith.select %or3A_724, %select_n3A_681, %select_n3A_717 : vector<256x128xi1>, vector<256x128xf32>
    %min3A_727 = arith.minimumf %max3A_716, %min3A_680 : vector<256x128xf32>
    %select_n3A_728 = arith.select %or3A_724, %select_n3A_717, %select_n3A_681 : vector<256x128xi1>, vector<256x128xf32>
    %lt3A_729 = arith.cmpf olt, %max3A_725, %min3A_689 : vector<256x128xf32>
    %eq3A_730 = arith.cmpf oeq, %max3A_725, %min3A_689 : vector<256x128xf32>
    %lt3A_731 = arith.cmpf olt, %select_n3A_726, %select_n3A_690 : vector<256x128xf32>
    %and3A_732 = arith.andi %eq3A_730, %lt3A_731 : vector<256x128xi1>
    %or3A_733 = arith.ori %lt3A_729, %and3A_732 : vector<256x128xi1>
    %max3A_734 = arith.maximumf %max3A_725, %min3A_689 : vector<256x128xf32>
    %select_n3A_735 = arith.select %or3A_733, %select_n3A_690, %select_n3A_726 : vector<256x128xi1>, vector<256x128xf32>
    %min3A_736 = arith.minimumf %max3A_725, %min3A_689 : vector<256x128xf32>
    %select_n3A_737 = arith.select %or3A_733, %select_n3A_726, %select_n3A_690 : vector<256x128xi1>, vector<256x128xf32>
    %lt3A_738 = arith.cmpf olt, %max3A_734, %min3A_698 : vector<256x128xf32>
    %eq3A_739 = arith.cmpf oeq, %max3A_734, %min3A_698 : vector<256x128xf32>
    %lt3A_740 = arith.cmpf olt, %select_n3A_735, %select_n3A_699 : vector<256x128xf32>
    %and3A_741 = arith.andi %eq3A_739, %lt3A_740 : vector<256x128xi1>
    %or3A_742 = arith.ori %lt3A_738, %and3A_741 : vector<256x128xi1>
    %max3A_743 = arith.maximumf %max3A_734, %min3A_698 : vector<256x128xf32>
    %select_n3A_744 = arith.select %or3A_742, %select_n3A_699, %select_n3A_735 : vector<256x128xi1>, vector<256x128xf32>
    %min3A_745 = arith.minimumf %max3A_734, %min3A_698 : vector<256x128xf32>
    %select_n3A_746 = arith.select %or3A_742, %select_n3A_735, %select_n3A_699 : vector<256x128xi1>, vector<256x128xf32>
    %lt3A_747 = arith.cmpf olt, %max3A_743, %min3A_705 : vector<256x128xf32>
    %eq3A_748 = arith.cmpf oeq, %max3A_743, %min3A_705 : vector<256x128xf32>
    %lt3A_749 = arith.cmpf olt, %select_n3A_744, %select_n3A_706 : vector<256x128xf32>
    %and3A_750 = arith.andi %eq3A_748, %lt3A_749 : vector<256x128xi1>
    %or3A_751 = arith.ori %lt3A_747, %and3A_750 : vector<256x128xi1>
    %min3A_752 = arith.minimumf %max3A_743, %min3A_705 : vector<256x128xf32>
    %select_n3A_753 = arith.select %or3A_751, %select_n3A_744, %select_n3A_706 : vector<256x128xi1>, vector<256x128xf32>
    %slice3A_754 = vector.extract_strided_slice %sub3A {offsets = [0, 1920], sizes = [256, 128], strides = [1, 1]} : vector<256x2048xf32> to vector<256x128xf32>
    %add3A_755 = arith.constant 1.920000e+03 : f32
    %add3A_756 = vector.broadcast %add3A_755 : f32 to vector<256x128xf32>
    %add3A_757 = arith.addf %convert_element_type3A_36, %add3A_756 : vector<256x128xf32>
    %lt3A_758 = arith.cmpf olt, %slice3A_754, %min3A_718 : vector<256x128xf32>
    %eq3A_759 = arith.cmpf oeq, %slice3A_754, %min3A_718 : vector<256x128xf32>
    %lt3A_760 = arith.cmpf olt, %add3A_757, %select_n3A_719 : vector<256x128xf32>
    %and3A_761 = arith.andi %eq3A_759, %lt3A_760 : vector<256x128xi1>
    %or3A_762 = arith.ori %lt3A_758, %and3A_761 : vector<256x128xi1>
    %max3A_763 = arith.maximumf %slice3A_754, %min3A_718 : vector<256x128xf32>
    %select_n3A_764 = arith.select %or3A_762, %select_n3A_719, %add3A_757 : vector<256x128xi1>, vector<256x128xf32>
    %min3A_765 = arith.minimumf %slice3A_754, %min3A_718 : vector<256x128xf32>
    %select_n3A_766 = arith.select %or3A_762, %add3A_757, %select_n3A_719 : vector<256x128xi1>, vector<256x128xf32>
    %lt3A_767 = arith.cmpf olt, %max3A_763, %min3A_727 : vector<256x128xf32>
    %eq3A_768 = arith.cmpf oeq, %max3A_763, %min3A_727 : vector<256x128xf32>
    %lt3A_769 = arith.cmpf olt, %select_n3A_764, %select_n3A_728 : vector<256x128xf32>
    %and3A_770 = arith.andi %eq3A_768, %lt3A_769 : vector<256x128xi1>
    %or3A_771 = arith.ori %lt3A_767, %and3A_770 : vector<256x128xi1>
    %max3A_772 = arith.maximumf %max3A_763, %min3A_727 : vector<256x128xf32>
    %select_n3A_773 = arith.select %or3A_771, %select_n3A_728, %select_n3A_764 : vector<256x128xi1>, vector<256x128xf32>
    %min3A_774 = arith.minimumf %max3A_763, %min3A_727 : vector<256x128xf32>
    %select_n3A_775 = arith.select %or3A_771, %select_n3A_764, %select_n3A_728 : vector<256x128xi1>, vector<256x128xf32>
    %lt3A_776 = arith.cmpf olt, %max3A_772, %min3A_736 : vector<256x128xf32>
    %eq3A_777 = arith.cmpf oeq, %max3A_772, %min3A_736 : vector<256x128xf32>
    %lt3A_778 = arith.cmpf olt, %select_n3A_773, %select_n3A_737 : vector<256x128xf32>
    %and3A_779 = arith.andi %eq3A_777, %lt3A_778 : vector<256x128xi1>
    %or3A_780 = arith.ori %lt3A_776, %and3A_779 : vector<256x128xi1>
    %max3A_781 = arith.maximumf %max3A_772, %min3A_736 : vector<256x128xf32>
    %select_n3A_782 = arith.select %or3A_780, %select_n3A_737, %select_n3A_773 : vector<256x128xi1>, vector<256x128xf32>
    %min3A_783 = arith.minimumf %max3A_772, %min3A_736 : vector<256x128xf32>
    %select_n3A_784 = arith.select %or3A_780, %select_n3A_773, %select_n3A_737 : vector<256x128xi1>, vector<256x128xf32>
    %lt3A_785 = arith.cmpf olt, %max3A_781, %min3A_745 : vector<256x128xf32>
    %eq3A_786 = arith.cmpf oeq, %max3A_781, %min3A_745 : vector<256x128xf32>
    %lt3A_787 = arith.cmpf olt, %select_n3A_782, %select_n3A_746 : vector<256x128xf32>
    %and3A_788 = arith.andi %eq3A_786, %lt3A_787 : vector<256x128xi1>
    %or3A_789 = arith.ori %lt3A_785, %and3A_788 : vector<256x128xi1>
    %max3A_790 = arith.maximumf %max3A_781, %min3A_745 : vector<256x128xf32>
    %select_n3A_791 = arith.select %or3A_789, %select_n3A_746, %select_n3A_782 : vector<256x128xi1>, vector<256x128xf32>
    %min3A_792 = arith.minimumf %max3A_781, %min3A_745 : vector<256x128xf32>
    %select_n3A_793 = arith.select %or3A_789, %select_n3A_782, %select_n3A_746 : vector<256x128xi1>, vector<256x128xf32>
    %lt3A_794 = arith.cmpf olt, %max3A_790, %min3A_752 : vector<256x128xf32>
    %eq3A_795 = arith.cmpf oeq, %max3A_790, %min3A_752 : vector<256x128xf32>
    %lt3A_796 = arith.cmpf olt, %select_n3A_791, %select_n3A_753 : vector<256x128xf32>
    %and3A_797 = arith.andi %eq3A_795, %lt3A_796 : vector<256x128xi1>
    %or3A_798 = arith.ori %lt3A_794, %and3A_797 : vector<256x128xi1>
    %min3A_799 = arith.minimumf %max3A_790, %min3A_752 : vector<256x128xf32>
    %select_n3A_800 = arith.select %or3A_798, %select_n3A_791, %select_n3A_753 : vector<256x128xi1>, vector<256x128xf32>
    %broadcast_in_dim3A_801 = arith.constant 0 : i32
    %broadcast_in_dim3A_802 = vector.broadcast %broadcast_in_dim3A_801 : i32 to vector<256x128xi32>
    %reduce_min3A = arith.constant dense<0x7F800000> : vector<256xf32>
    %reduce_min3A_803 = vector.multi_reduction <minimumf>, %min3A_765, %reduce_min3A [1] : vector<256x128xf32> to vector<256xf32>
    %broadcast_in_dim3A_804 = vector.shape_cast %reduce_min3A_803 : vector<256xf32> to vector<256x1xf32>
    %eq3A_805 = vector.broadcast %broadcast_in_dim3A_804 : vector<256x1xf32> to vector<256x128xf32>
    %eq3A_806 = arith.cmpf oeq, %min3A_765, %eq3A_805 : vector<256x128xf32>
    %jit3A = arith.constant 1.000000e+09 : f32
    %broadcast_in_dim3A_807 = vector.broadcast %jit3A : f32 to vector<256x128xf32>
    %select_n3A_808 = arith.select %eq3A_806, %select_n3A_766, %broadcast_in_dim3A_807 : vector<256x128xi1>, vector<256x128xf32>
    %reduce_min3A_809 = arith.constant dense<0x7F800000> : vector<256xf32>
    %reduce_min3A_810 = vector.multi_reduction <minimumf>, %select_n3A_808, %reduce_min3A_809 [1] : vector<256x128xf32> to vector<256xf32>
    %broadcast_in_dim3A_811 = vector.shape_cast %reduce_min3A_810 : vector<256xf32> to vector<256x1xf32>
    %eq3A_812 = vector.broadcast %broadcast_in_dim3A_811 : vector<256x1xf32> to vector<256x128xf32>
    %eq3A_813 = arith.cmpf oeq, %select_n3A_808, %eq3A_812 : vector<256x128xf32>
    %convert_element_type3A_814 = arith.extui %eq3A_813 : vector<256x128xi1> to vector<256x128xi32>
    %add3A_815 = arith.addi %broadcast_in_dim3A_802, %convert_element_type3A_814 : vector<256x128xi32>
    %select_n3A_816 = arith.select %eq3A_813, %min3A_774, %min3A_765 : vector<256x128xi1>, vector<256x128xf32>
    %select_n3A_817 = arith.select %eq3A_813, %select_n3A_775, %select_n3A_766 : vector<256x128xi1>, vector<256x128xf32>
    %select_n3A_818 = arith.select %eq3A_813, %min3A_783, %min3A_774 : vector<256x128xi1>, vector<256x128xf32>
    %select_n3A_819 = arith.select %eq3A_813, %select_n3A_784, %select_n3A_775 : vector<256x128xi1>, vector<256x128xf32>
    %select_n3A_820 = arith.select %eq3A_813, %min3A_792, %min3A_783 : vector<256x128xi1>, vector<256x128xf32>
    %select_n3A_821 = arith.select %eq3A_813, %select_n3A_793, %select_n3A_784 : vector<256x128xi1>, vector<256x128xf32>
    %select_n3A_822 = arith.select %eq3A_813, %min3A_799, %min3A_792 : vector<256x128xi1>, vector<256x128xf32>
    %select_n3A_823 = arith.select %eq3A_813, %select_n3A_800, %select_n3A_793 : vector<256x128xi1>, vector<256x128xf32>
    %jit3A_824 = arith.constant 0x7F800000 : f32
    %broadcast_in_dim3A_825 = vector.broadcast %jit3A_824 : f32 to vector<256x128xf32>
    %select_n3A_826 = arith.select %eq3A_813, %broadcast_in_dim3A_825, %min3A_799 : vector<256x128xi1>, vector<256x128xf32>
    %jit3A_827 = arith.constant 1.000000e+09 : f32
    %broadcast_in_dim3A_828 = vector.broadcast %jit3A_827 : f32 to vector<256x128xf32>
    %select_n3A_829 = arith.select %eq3A_813, %broadcast_in_dim3A_828, %select_n3A_800 : vector<256x128xi1>, vector<256x128xf32>
    %reduce_min3A_830 = arith.constant dense<0x7F800000> : vector<256xf32>
    %reduce_min3A_831 = vector.multi_reduction <minimumf>, %select_n3A_816, %reduce_min3A_830 [1] : vector<256x128xf32> to vector<256xf32>
    %broadcast_in_dim3A_832 = vector.shape_cast %reduce_min3A_831 : vector<256xf32> to vector<256x1xf32>
    %eq3A_833 = vector.broadcast %broadcast_in_dim3A_832 : vector<256x1xf32> to vector<256x128xf32>
    %eq3A_834 = arith.cmpf oeq, %select_n3A_816, %eq3A_833 : vector<256x128xf32>
    %jit3A_835 = arith.constant 1.000000e+09 : f32
    %broadcast_in_dim3A_836 = vector.broadcast %jit3A_835 : f32 to vector<256x128xf32>
    %select_n3A_837 = arith.select %eq3A_834, %select_n3A_817, %broadcast_in_dim3A_836 : vector<256x128xi1>, vector<256x128xf32>
    %reduce_min3A_838 = arith.constant dense<0x7F800000> : vector<256xf32>
    %reduce_min3A_839 = vector.multi_reduction <minimumf>, %select_n3A_837, %reduce_min3A_838 [1] : vector<256x128xf32> to vector<256xf32>
    %broadcast_in_dim3A_840 = vector.shape_cast %reduce_min3A_839 : vector<256xf32> to vector<256x1xf32>
    %eq3A_841 = vector.broadcast %broadcast_in_dim3A_840 : vector<256x1xf32> to vector<256x128xf32>
    %eq3A_842 = arith.cmpf oeq, %select_n3A_837, %eq3A_841 : vector<256x128xf32>
    %convert_element_type3A_843 = arith.extui %eq3A_842 : vector<256x128xi1> to vector<256x128xi32>
    %add3A_844 = arith.addi %add3A_815, %convert_element_type3A_843 : vector<256x128xi32>
    %select_n3A_845 = arith.select %eq3A_842, %select_n3A_818, %select_n3A_816 : vector<256x128xi1>, vector<256x128xf32>
    %select_n3A_846 = arith.select %eq3A_842, %select_n3A_819, %select_n3A_817 : vector<256x128xi1>, vector<256x128xf32>
    %select_n3A_847 = arith.select %eq3A_842, %select_n3A_820, %select_n3A_818 : vector<256x128xi1>, vector<256x128xf32>
    %select_n3A_848 = arith.select %eq3A_842, %select_n3A_821, %select_n3A_819 : vector<256x128xi1>, vector<256x128xf32>
    %select_n3A_849 = arith.select %eq3A_842, %select_n3A_822, %select_n3A_820 : vector<256x128xi1>, vector<256x128xf32>
    %select_n3A_850 = arith.select %eq3A_842, %select_n3A_823, %select_n3A_821 : vector<256x128xi1>, vector<256x128xf32>
    %select_n3A_851 = arith.select %eq3A_842, %select_n3A_826, %select_n3A_822 : vector<256x128xi1>, vector<256x128xf32>
    %select_n3A_852 = arith.select %eq3A_842, %select_n3A_829, %select_n3A_823 : vector<256x128xi1>, vector<256x128xf32>
    %jit3A_853 = arith.constant 0x7F800000 : f32
    %broadcast_in_dim3A_854 = vector.broadcast %jit3A_853 : f32 to vector<256x128xf32>
    %select_n3A_855 = arith.select %eq3A_842, %broadcast_in_dim3A_854, %select_n3A_826 : vector<256x128xi1>, vector<256x128xf32>
    %jit3A_856 = arith.constant 1.000000e+09 : f32
    %broadcast_in_dim3A_857 = vector.broadcast %jit3A_856 : f32 to vector<256x128xf32>
    %select_n3A_858 = arith.select %eq3A_842, %broadcast_in_dim3A_857, %select_n3A_829 : vector<256x128xi1>, vector<256x128xf32>
    %reduce_min3A_859 = arith.constant dense<0x7F800000> : vector<256xf32>
    %reduce_min3A_860 = vector.multi_reduction <minimumf>, %select_n3A_845, %reduce_min3A_859 [1] : vector<256x128xf32> to vector<256xf32>
    %broadcast_in_dim3A_861 = vector.shape_cast %reduce_min3A_860 : vector<256xf32> to vector<256x1xf32>
    %eq3A_862 = vector.broadcast %broadcast_in_dim3A_861 : vector<256x1xf32> to vector<256x128xf32>
    %eq3A_863 = arith.cmpf oeq, %select_n3A_845, %eq3A_862 : vector<256x128xf32>
    %jit3A_864 = arith.constant 1.000000e+09 : f32
    %broadcast_in_dim3A_865 = vector.broadcast %jit3A_864 : f32 to vector<256x128xf32>
    %select_n3A_866 = arith.select %eq3A_863, %select_n3A_846, %broadcast_in_dim3A_865 : vector<256x128xi1>, vector<256x128xf32>
    %reduce_min3A_867 = arith.constant dense<0x7F800000> : vector<256xf32>
    %reduce_min3A_868 = vector.multi_reduction <minimumf>, %select_n3A_866, %reduce_min3A_867 [1] : vector<256x128xf32> to vector<256xf32>
    %broadcast_in_dim3A_869 = vector.shape_cast %reduce_min3A_868 : vector<256xf32> to vector<256x1xf32>
    %eq3A_870 = vector.broadcast %broadcast_in_dim3A_869 : vector<256x1xf32> to vector<256x128xf32>
    %eq3A_871 = arith.cmpf oeq, %select_n3A_866, %eq3A_870 : vector<256x128xf32>
    %convert_element_type3A_872 = arith.extui %eq3A_871 : vector<256x128xi1> to vector<256x128xi32>
    %add3A_873 = arith.addi %add3A_844, %convert_element_type3A_872 : vector<256x128xi32>
    %select_n3A_874 = arith.select %eq3A_871, %select_n3A_847, %select_n3A_845 : vector<256x128xi1>, vector<256x128xf32>
    %select_n3A_875 = arith.select %eq3A_871, %select_n3A_848, %select_n3A_846 : vector<256x128xi1>, vector<256x128xf32>
    %select_n3A_876 = arith.select %eq3A_871, %select_n3A_849, %select_n3A_847 : vector<256x128xi1>, vector<256x128xf32>
    %select_n3A_877 = arith.select %eq3A_871, %select_n3A_850, %select_n3A_848 : vector<256x128xi1>, vector<256x128xf32>
    %select_n3A_878 = arith.select %eq3A_871, %select_n3A_851, %select_n3A_849 : vector<256x128xi1>, vector<256x128xf32>
    %select_n3A_879 = arith.select %eq3A_871, %select_n3A_852, %select_n3A_850 : vector<256x128xi1>, vector<256x128xf32>
    %select_n3A_880 = arith.select %eq3A_871, %select_n3A_855, %select_n3A_851 : vector<256x128xi1>, vector<256x128xf32>
    %select_n3A_881 = arith.select %eq3A_871, %select_n3A_858, %select_n3A_852 : vector<256x128xi1>, vector<256x128xf32>
    %jit3A_882 = arith.constant 0x7F800000 : f32
    %broadcast_in_dim3A_883 = vector.broadcast %jit3A_882 : f32 to vector<256x128xf32>
    %select_n3A_884 = arith.select %eq3A_871, %broadcast_in_dim3A_883, %select_n3A_855 : vector<256x128xi1>, vector<256x128xf32>
    %jit3A_885 = arith.constant 1.000000e+09 : f32
    %broadcast_in_dim3A_886 = vector.broadcast %jit3A_885 : f32 to vector<256x128xf32>
    %select_n3A_887 = arith.select %eq3A_871, %broadcast_in_dim3A_886, %select_n3A_858 : vector<256x128xi1>, vector<256x128xf32>
    %reduce_min3A_888 = arith.constant dense<0x7F800000> : vector<256xf32>
    %reduce_min3A_889 = vector.multi_reduction <minimumf>, %select_n3A_874, %reduce_min3A_888 [1] : vector<256x128xf32> to vector<256xf32>
    %broadcast_in_dim3A_890 = vector.shape_cast %reduce_min3A_889 : vector<256xf32> to vector<256x1xf32>
    %eq3A_891 = vector.broadcast %broadcast_in_dim3A_890 : vector<256x1xf32> to vector<256x128xf32>
    %eq3A_892 = arith.cmpf oeq, %select_n3A_874, %eq3A_891 : vector<256x128xf32>
    %jit3A_893 = arith.constant 1.000000e+09 : f32
    %broadcast_in_dim3A_894 = vector.broadcast %jit3A_893 : f32 to vector<256x128xf32>
    %select_n3A_895 = arith.select %eq3A_892, %select_n3A_875, %broadcast_in_dim3A_894 : vector<256x128xi1>, vector<256x128xf32>
    %reduce_min3A_896 = arith.constant dense<0x7F800000> : vector<256xf32>
    %reduce_min3A_897 = vector.multi_reduction <minimumf>, %select_n3A_895, %reduce_min3A_896 [1] : vector<256x128xf32> to vector<256xf32>
    %broadcast_in_dim3A_898 = vector.shape_cast %reduce_min3A_897 : vector<256xf32> to vector<256x1xf32>
    %eq3A_899 = vector.broadcast %broadcast_in_dim3A_898 : vector<256x1xf32> to vector<256x128xf32>
    %eq3A_900 = arith.cmpf oeq, %select_n3A_895, %eq3A_899 : vector<256x128xf32>
    %convert_element_type3A_901 = arith.extui %eq3A_900 : vector<256x128xi1> to vector<256x128xi32>
    %add3A_902 = arith.addi %add3A_873, %convert_element_type3A_901 : vector<256x128xi32>
    %select_n3A_903 = arith.select %eq3A_900, %select_n3A_876, %select_n3A_874 : vector<256x128xi1>, vector<256x128xf32>
    %select_n3A_904 = arith.select %eq3A_900, %select_n3A_877, %select_n3A_875 : vector<256x128xi1>, vector<256x128xf32>
    %select_n3A_905 = arith.select %eq3A_900, %select_n3A_878, %select_n3A_876 : vector<256x128xi1>, vector<256x128xf32>
    %select_n3A_906 = arith.select %eq3A_900, %select_n3A_879, %select_n3A_877 : vector<256x128xi1>, vector<256x128xf32>
    %select_n3A_907 = arith.select %eq3A_900, %select_n3A_880, %select_n3A_878 : vector<256x128xi1>, vector<256x128xf32>
    %select_n3A_908 = arith.select %eq3A_900, %select_n3A_881, %select_n3A_879 : vector<256x128xi1>, vector<256x128xf32>
    %select_n3A_909 = arith.select %eq3A_900, %select_n3A_884, %select_n3A_880 : vector<256x128xi1>, vector<256x128xf32>
    %select_n3A_910 = arith.select %eq3A_900, %select_n3A_887, %select_n3A_881 : vector<256x128xi1>, vector<256x128xf32>
    %jit3A_911 = arith.constant 0x7F800000 : f32
    %broadcast_in_dim3A_912 = vector.broadcast %jit3A_911 : f32 to vector<256x128xf32>
    %select_n3A_913 = arith.select %eq3A_900, %broadcast_in_dim3A_912, %select_n3A_884 : vector<256x128xi1>, vector<256x128xf32>
    %jit3A_914 = arith.constant 1.000000e+09 : f32
    %broadcast_in_dim3A_915 = vector.broadcast %jit3A_914 : f32 to vector<256x128xf32>
    %select_n3A_916 = arith.select %eq3A_900, %broadcast_in_dim3A_915, %select_n3A_887 : vector<256x128xi1>, vector<256x128xf32>
    %reduce_min3A_917 = arith.constant dense<0x7F800000> : vector<256xf32>
    %reduce_min3A_918 = vector.multi_reduction <minimumf>, %select_n3A_903, %reduce_min3A_917 [1] : vector<256x128xf32> to vector<256xf32>
    %broadcast_in_dim3A_919 = vector.shape_cast %reduce_min3A_918 : vector<256xf32> to vector<256x1xf32>
    %eq3A_920 = vector.broadcast %broadcast_in_dim3A_919 : vector<256x1xf32> to vector<256x128xf32>
    %eq3A_921 = arith.cmpf oeq, %select_n3A_903, %eq3A_920 : vector<256x128xf32>
    %jit3A_922 = arith.constant 1.000000e+09 : f32
    %broadcast_in_dim3A_923 = vector.broadcast %jit3A_922 : f32 to vector<256x128xf32>
    %select_n3A_924 = arith.select %eq3A_921, %select_n3A_904, %broadcast_in_dim3A_923 : vector<256x128xi1>, vector<256x128xf32>
    %reduce_min3A_925 = arith.constant dense<0x7F800000> : vector<256xf32>
    %reduce_min3A_926 = vector.multi_reduction <minimumf>, %select_n3A_924, %reduce_min3A_925 [1] : vector<256x128xf32> to vector<256xf32>
    %broadcast_in_dim3A_927 = vector.shape_cast %reduce_min3A_926 : vector<256xf32> to vector<256x1xf32>
    %eq3A_928 = vector.broadcast %broadcast_in_dim3A_927 : vector<256x1xf32> to vector<256x128xf32>
    %eq3A_929 = arith.cmpf oeq, %select_n3A_924, %eq3A_928 : vector<256x128xf32>
    %convert_element_type3A_930 = arith.extui %eq3A_929 : vector<256x128xi1> to vector<256x128xi32>
    %add3A_931 = arith.addi %add3A_902, %convert_element_type3A_930 : vector<256x128xi32>
    %select_n3A_932 = arith.select %eq3A_929, %select_n3A_905, %select_n3A_903 : vector<256x128xi1>, vector<256x128xf32>
    %select_n3A_933 = arith.select %eq3A_929, %select_n3A_906, %select_n3A_904 : vector<256x128xi1>, vector<256x128xf32>
    %select_n3A_934 = arith.select %eq3A_929, %select_n3A_907, %select_n3A_905 : vector<256x128xi1>, vector<256x128xf32>
    %select_n3A_935 = arith.select %eq3A_929, %select_n3A_908, %select_n3A_906 : vector<256x128xi1>, vector<256x128xf32>
    %select_n3A_936 = arith.select %eq3A_929, %select_n3A_909, %select_n3A_907 : vector<256x128xi1>, vector<256x128xf32>
    %select_n3A_937 = arith.select %eq3A_929, %select_n3A_910, %select_n3A_908 : vector<256x128xi1>, vector<256x128xf32>
    %select_n3A_938 = arith.select %eq3A_929, %select_n3A_913, %select_n3A_909 : vector<256x128xi1>, vector<256x128xf32>
    %select_n3A_939 = arith.select %eq3A_929, %select_n3A_916, %select_n3A_910 : vector<256x128xi1>, vector<256x128xf32>
    %jit3A_940 = arith.constant 0x7F800000 : f32
    %broadcast_in_dim3A_941 = vector.broadcast %jit3A_940 : f32 to vector<256x128xf32>
    %select_n3A_942 = arith.select %eq3A_929, %broadcast_in_dim3A_941, %select_n3A_913 : vector<256x128xi1>, vector<256x128xf32>
    %jit3A_943 = arith.constant 1.000000e+09 : f32
    %broadcast_in_dim3A_944 = vector.broadcast %jit3A_943 : f32 to vector<256x128xf32>
    %select_n3A_945 = arith.select %eq3A_929, %broadcast_in_dim3A_944, %select_n3A_916 : vector<256x128xi1>, vector<256x128xf32>
    %reduce_min3A_946 = arith.constant dense<0x7F800000> : vector<256xf32>
    %reduce_min3A_947 = vector.multi_reduction <minimumf>, %select_n3A_932, %reduce_min3A_946 [1] : vector<256x128xf32> to vector<256xf32>
    %broadcast_in_dim3A_948 = vector.shape_cast %reduce_min3A_947 : vector<256xf32> to vector<256x1xf32>
    %eq3A_949 = vector.broadcast %broadcast_in_dim3A_948 : vector<256x1xf32> to vector<256x128xf32>
    %eq3A_950 = arith.cmpf oeq, %select_n3A_932, %eq3A_949 : vector<256x128xf32>
    %jit3A_951 = arith.constant 1.000000e+09 : f32
    %broadcast_in_dim3A_952 = vector.broadcast %jit3A_951 : f32 to vector<256x128xf32>
    %select_n3A_953 = arith.select %eq3A_950, %select_n3A_933, %broadcast_in_dim3A_952 : vector<256x128xi1>, vector<256x128xf32>
    %reduce_min3A_954 = arith.constant dense<0x7F800000> : vector<256xf32>
    %reduce_min3A_955 = vector.multi_reduction <minimumf>, %select_n3A_953, %reduce_min3A_954 [1] : vector<256x128xf32> to vector<256xf32>
    %broadcast_in_dim3A_956 = vector.shape_cast %reduce_min3A_955 : vector<256xf32> to vector<256x1xf32>
    %eq3A_957 = vector.broadcast %broadcast_in_dim3A_956 : vector<256x1xf32> to vector<256x128xf32>
    %eq3A_958 = arith.cmpf oeq, %select_n3A_953, %eq3A_957 : vector<256x128xf32>
    %convert_element_type3A_959 = arith.extui %eq3A_958 : vector<256x128xi1> to vector<256x128xi32>
    %add3A_960 = arith.addi %add3A_931, %convert_element_type3A_959 : vector<256x128xi32>
    %select_n3A_961 = arith.select %eq3A_958, %select_n3A_934, %select_n3A_932 : vector<256x128xi1>, vector<256x128xf32>
    %select_n3A_962 = arith.select %eq3A_958, %select_n3A_935, %select_n3A_933 : vector<256x128xi1>, vector<256x128xf32>
    %select_n3A_963 = arith.select %eq3A_958, %select_n3A_936, %select_n3A_934 : vector<256x128xi1>, vector<256x128xf32>
    %select_n3A_964 = arith.select %eq3A_958, %select_n3A_937, %select_n3A_935 : vector<256x128xi1>, vector<256x128xf32>
    %select_n3A_965 = arith.select %eq3A_958, %select_n3A_938, %select_n3A_936 : vector<256x128xi1>, vector<256x128xf32>
    %select_n3A_966 = arith.select %eq3A_958, %select_n3A_939, %select_n3A_937 : vector<256x128xi1>, vector<256x128xf32>
    %select_n3A_967 = arith.select %eq3A_958, %select_n3A_942, %select_n3A_938 : vector<256x128xi1>, vector<256x128xf32>
    %select_n3A_968 = arith.select %eq3A_958, %select_n3A_945, %select_n3A_939 : vector<256x128xi1>, vector<256x128xf32>
    %jit3A_969 = arith.constant 0x7F800000 : f32
    %broadcast_in_dim3A_970 = vector.broadcast %jit3A_969 : f32 to vector<256x128xf32>
    %select_n3A_971 = arith.select %eq3A_958, %broadcast_in_dim3A_970, %select_n3A_942 : vector<256x128xi1>, vector<256x128xf32>
    %jit3A_972 = arith.constant 1.000000e+09 : f32
    %broadcast_in_dim3A_973 = vector.broadcast %jit3A_972 : f32 to vector<256x128xf32>
    %select_n3A_974 = arith.select %eq3A_958, %broadcast_in_dim3A_973, %select_n3A_945 : vector<256x128xi1>, vector<256x128xf32>
    %reduce_min3A_975 = arith.constant dense<0x7F800000> : vector<256xf32>
    %reduce_min3A_976 = vector.multi_reduction <minimumf>, %select_n3A_961, %reduce_min3A_975 [1] : vector<256x128xf32> to vector<256xf32>
    %broadcast_in_dim3A_977 = vector.shape_cast %reduce_min3A_976 : vector<256xf32> to vector<256x1xf32>
    %eq3A_978 = vector.broadcast %broadcast_in_dim3A_977 : vector<256x1xf32> to vector<256x128xf32>
    %eq3A_979 = arith.cmpf oeq, %select_n3A_961, %eq3A_978 : vector<256x128xf32>
    %jit3A_980 = arith.constant 1.000000e+09 : f32
    %broadcast_in_dim3A_981 = vector.broadcast %jit3A_980 : f32 to vector<256x128xf32>
    %select_n3A_982 = arith.select %eq3A_979, %select_n3A_962, %broadcast_in_dim3A_981 : vector<256x128xi1>, vector<256x128xf32>
    %reduce_min3A_983 = arith.constant dense<0x7F800000> : vector<256xf32>
    %reduce_min3A_984 = vector.multi_reduction <minimumf>, %select_n3A_982, %reduce_min3A_983 [1] : vector<256x128xf32> to vector<256xf32>
    %broadcast_in_dim3A_985 = vector.shape_cast %reduce_min3A_984 : vector<256xf32> to vector<256x1xf32>
    %eq3A_986 = vector.broadcast %broadcast_in_dim3A_985 : vector<256x1xf32> to vector<256x128xf32>
    %eq3A_987 = arith.cmpf oeq, %select_n3A_982, %eq3A_986 : vector<256x128xf32>
    %convert_element_type3A_988 = arith.extui %eq3A_987 : vector<256x128xi1> to vector<256x128xi32>
    %add3A_989 = arith.addi %add3A_960, %convert_element_type3A_988 : vector<256x128xi32>
    %select_n3A_990 = arith.select %eq3A_987, %select_n3A_963, %select_n3A_961 : vector<256x128xi1>, vector<256x128xf32>
    %select_n3A_991 = arith.select %eq3A_987, %select_n3A_964, %select_n3A_962 : vector<256x128xi1>, vector<256x128xf32>
    %select_n3A_992 = arith.select %eq3A_987, %select_n3A_965, %select_n3A_963 : vector<256x128xi1>, vector<256x128xf32>
    %select_n3A_993 = arith.select %eq3A_987, %select_n3A_966, %select_n3A_964 : vector<256x128xi1>, vector<256x128xf32>
    %select_n3A_994 = arith.select %eq3A_987, %select_n3A_967, %select_n3A_965 : vector<256x128xi1>, vector<256x128xf32>
    %select_n3A_995 = arith.select %eq3A_987, %select_n3A_968, %select_n3A_966 : vector<256x128xi1>, vector<256x128xf32>
    %select_n3A_996 = arith.select %eq3A_987, %select_n3A_971, %select_n3A_967 : vector<256x128xi1>, vector<256x128xf32>
    %select_n3A_997 = arith.select %eq3A_987, %select_n3A_974, %select_n3A_968 : vector<256x128xi1>, vector<256x128xf32>
    %jit3A_998 = arith.constant 0x7F800000 : f32
    %broadcast_in_dim3A_999 = vector.broadcast %jit3A_998 : f32 to vector<256x128xf32>
    %select_n3A_1000 = arith.select %eq3A_987, %broadcast_in_dim3A_999, %select_n3A_971 : vector<256x128xi1>, vector<256x128xf32>
    %jit3A_1001 = arith.constant 1.000000e+09 : f32
    %broadcast_in_dim3A_1002 = vector.broadcast %jit3A_1001 : f32 to vector<256x128xf32>
    %select_n3A_1003 = arith.select %eq3A_987, %broadcast_in_dim3A_1002, %select_n3A_974 : vector<256x128xi1>, vector<256x128xf32>
    %reduce_min3A_1004 = arith.constant dense<0x7F800000> : vector<256xf32>
    %reduce_min3A_1005 = vector.multi_reduction <minimumf>, %select_n3A_990, %reduce_min3A_1004 [1] : vector<256x128xf32> to vector<256xf32>
    %broadcast_in_dim3A_1006 = vector.shape_cast %reduce_min3A_1005 : vector<256xf32> to vector<256x1xf32>
    %eq3A_1007 = vector.broadcast %broadcast_in_dim3A_1006 : vector<256x1xf32> to vector<256x128xf32>
    %eq3A_1008 = arith.cmpf oeq, %select_n3A_990, %eq3A_1007 : vector<256x128xf32>
    %jit3A_1009 = arith.constant 1.000000e+09 : f32
    %broadcast_in_dim3A_1010 = vector.broadcast %jit3A_1009 : f32 to vector<256x128xf32>
    %select_n3A_1011 = arith.select %eq3A_1008, %select_n3A_991, %broadcast_in_dim3A_1010 : vector<256x128xi1>, vector<256x128xf32>
    %reduce_min3A_1012 = arith.constant dense<0x7F800000> : vector<256xf32>
    %reduce_min3A_1013 = vector.multi_reduction <minimumf>, %select_n3A_1011, %reduce_min3A_1012 [1] : vector<256x128xf32> to vector<256xf32>
    %broadcast_in_dim3A_1014 = vector.shape_cast %reduce_min3A_1013 : vector<256xf32> to vector<256x1xf32>
    %eq3A_1015 = vector.broadcast %broadcast_in_dim3A_1014 : vector<256x1xf32> to vector<256x128xf32>
    %eq3A_1016 = arith.cmpf oeq, %select_n3A_1011, %eq3A_1015 : vector<256x128xf32>
    %convert_element_type3A_1017 = arith.extui %eq3A_1016 : vector<256x128xi1> to vector<256x128xi32>
    %add3A_1018 = arith.addi %add3A_989, %convert_element_type3A_1017 : vector<256x128xi32>
    %select_n3A_1019 = arith.select %eq3A_1016, %select_n3A_992, %select_n3A_990 : vector<256x128xi1>, vector<256x128xf32>
    %select_n3A_1020 = arith.select %eq3A_1016, %select_n3A_993, %select_n3A_991 : vector<256x128xi1>, vector<256x128xf32>
    %select_n3A_1021 = arith.select %eq3A_1016, %select_n3A_994, %select_n3A_992 : vector<256x128xi1>, vector<256x128xf32>
    %select_n3A_1022 = arith.select %eq3A_1016, %select_n3A_995, %select_n3A_993 : vector<256x128xi1>, vector<256x128xf32>
    %select_n3A_1023 = arith.select %eq3A_1016, %select_n3A_996, %select_n3A_994 : vector<256x128xi1>, vector<256x128xf32>
    %select_n3A_1024 = arith.select %eq3A_1016, %select_n3A_997, %select_n3A_995 : vector<256x128xi1>, vector<256x128xf32>
    %select_n3A_1025 = arith.select %eq3A_1016, %select_n3A_1000, %select_n3A_996 : vector<256x128xi1>, vector<256x128xf32>
    %select_n3A_1026 = arith.select %eq3A_1016, %select_n3A_1003, %select_n3A_997 : vector<256x128xi1>, vector<256x128xf32>
    %jit3A_1027 = arith.constant 0x7F800000 : f32
    %broadcast_in_dim3A_1028 = vector.broadcast %jit3A_1027 : f32 to vector<256x128xf32>
    %select_n3A_1029 = arith.select %eq3A_1016, %broadcast_in_dim3A_1028, %select_n3A_1000 : vector<256x128xi1>, vector<256x128xf32>
    %jit3A_1030 = arith.constant 1.000000e+09 : f32
    %broadcast_in_dim3A_1031 = vector.broadcast %jit3A_1030 : f32 to vector<256x128xf32>
    %select_n3A_1032 = arith.select %eq3A_1016, %broadcast_in_dim3A_1031, %select_n3A_1003 : vector<256x128xi1>, vector<256x128xf32>
    %reduce_min3A_1033 = arith.constant dense<0x7F800000> : vector<256xf32>
    %reduce_min3A_1034 = vector.multi_reduction <minimumf>, %select_n3A_1019, %reduce_min3A_1033 [1] : vector<256x128xf32> to vector<256xf32>
    %broadcast_in_dim3A_1035 = vector.shape_cast %reduce_min3A_1034 : vector<256xf32> to vector<256x1xf32>
    %eq3A_1036 = vector.broadcast %broadcast_in_dim3A_1035 : vector<256x1xf32> to vector<256x128xf32>
    %eq3A_1037 = arith.cmpf oeq, %select_n3A_1019, %eq3A_1036 : vector<256x128xf32>
    %jit3A_1038 = arith.constant 1.000000e+09 : f32
    %broadcast_in_dim3A_1039 = vector.broadcast %jit3A_1038 : f32 to vector<256x128xf32>
    %select_n3A_1040 = arith.select %eq3A_1037, %select_n3A_1020, %broadcast_in_dim3A_1039 : vector<256x128xi1>, vector<256x128xf32>
    %reduce_min3A_1041 = arith.constant dense<0x7F800000> : vector<256xf32>
    %reduce_min3A_1042 = vector.multi_reduction <minimumf>, %select_n3A_1040, %reduce_min3A_1041 [1] : vector<256x128xf32> to vector<256xf32>
    %broadcast_in_dim3A_1043 = vector.shape_cast %reduce_min3A_1042 : vector<256xf32> to vector<256x1xf32>
    %eq3A_1044 = vector.broadcast %broadcast_in_dim3A_1043 : vector<256x1xf32> to vector<256x128xf32>
    %eq3A_1045 = arith.cmpf oeq, %select_n3A_1040, %eq3A_1044 : vector<256x128xf32>
    %convert_element_type3A_1046 = arith.extui %eq3A_1045 : vector<256x128xi1> to vector<256x128xi32>
    %add3A_1047 = arith.addi %add3A_1018, %convert_element_type3A_1046 : vector<256x128xi32>
    %select_n3A_1048 = arith.select %eq3A_1045, %select_n3A_1021, %select_n3A_1019 : vector<256x128xi1>, vector<256x128xf32>
    %select_n3A_1049 = arith.select %eq3A_1045, %select_n3A_1022, %select_n3A_1020 : vector<256x128xi1>, vector<256x128xf32>
    %select_n3A_1050 = arith.select %eq3A_1045, %select_n3A_1023, %select_n3A_1021 : vector<256x128xi1>, vector<256x128xf32>
    %select_n3A_1051 = arith.select %eq3A_1045, %select_n3A_1024, %select_n3A_1022 : vector<256x128xi1>, vector<256x128xf32>
    %select_n3A_1052 = arith.select %eq3A_1045, %select_n3A_1025, %select_n3A_1023 : vector<256x128xi1>, vector<256x128xf32>
    %select_n3A_1053 = arith.select %eq3A_1045, %select_n3A_1026, %select_n3A_1024 : vector<256x128xi1>, vector<256x128xf32>
    %select_n3A_1054 = arith.select %eq3A_1045, %select_n3A_1029, %select_n3A_1025 : vector<256x128xi1>, vector<256x128xf32>
    %select_n3A_1055 = arith.select %eq3A_1045, %select_n3A_1032, %select_n3A_1026 : vector<256x128xi1>, vector<256x128xf32>
    %jit3A_1056 = arith.constant 0x7F800000 : f32
    %broadcast_in_dim3A_1057 = vector.broadcast %jit3A_1056 : f32 to vector<256x128xf32>
    %select_n3A_1058 = arith.select %eq3A_1045, %broadcast_in_dim3A_1057, %select_n3A_1029 : vector<256x128xi1>, vector<256x128xf32>
    %jit3A_1059 = arith.constant 1.000000e+09 : f32
    %broadcast_in_dim3A_1060 = vector.broadcast %jit3A_1059 : f32 to vector<256x128xf32>
    %select_n3A_1061 = arith.select %eq3A_1045, %broadcast_in_dim3A_1060, %select_n3A_1032 : vector<256x128xi1>, vector<256x128xf32>
    %reduce_min3A_1062 = arith.constant dense<0x7F800000> : vector<256xf32>
    %reduce_min3A_1063 = vector.multi_reduction <minimumf>, %select_n3A_1048, %reduce_min3A_1062 [1] : vector<256x128xf32> to vector<256xf32>
    %broadcast_in_dim3A_1064 = vector.shape_cast %reduce_min3A_1063 : vector<256xf32> to vector<256x1xf32>
    %eq3A_1065 = vector.broadcast %broadcast_in_dim3A_1064 : vector<256x1xf32> to vector<256x128xf32>
    %eq3A_1066 = arith.cmpf oeq, %select_n3A_1048, %eq3A_1065 : vector<256x128xf32>
    %jit3A_1067 = arith.constant 1.000000e+09 : f32
    %broadcast_in_dim3A_1068 = vector.broadcast %jit3A_1067 : f32 to vector<256x128xf32>
    %select_n3A_1069 = arith.select %eq3A_1066, %select_n3A_1049, %broadcast_in_dim3A_1068 : vector<256x128xi1>, vector<256x128xf32>
    %reduce_min3A_1070 = arith.constant dense<0x7F800000> : vector<256xf32>
    %reduce_min3A_1071 = vector.multi_reduction <minimumf>, %select_n3A_1069, %reduce_min3A_1070 [1] : vector<256x128xf32> to vector<256xf32>
    %broadcast_in_dim3A_1072 = vector.shape_cast %reduce_min3A_1071 : vector<256xf32> to vector<256x1xf32>
    %eq3A_1073 = vector.broadcast %broadcast_in_dim3A_1072 : vector<256x1xf32> to vector<256x128xf32>
    %eq3A_1074 = arith.cmpf oeq, %select_n3A_1069, %eq3A_1073 : vector<256x128xf32>
    %convert_element_type3A_1075 = arith.extui %eq3A_1074 : vector<256x128xi1> to vector<256x128xi32>
    %add3A_1076 = arith.addi %add3A_1047, %convert_element_type3A_1075 : vector<256x128xi32>
    %select_n3A_1077 = arith.select %eq3A_1074, %select_n3A_1050, %select_n3A_1048 : vector<256x128xi1>, vector<256x128xf32>
    %select_n3A_1078 = arith.select %eq3A_1074, %select_n3A_1051, %select_n3A_1049 : vector<256x128xi1>, vector<256x128xf32>
    %select_n3A_1079 = arith.select %eq3A_1074, %select_n3A_1052, %select_n3A_1050 : vector<256x128xi1>, vector<256x128xf32>
    %select_n3A_1080 = arith.select %eq3A_1074, %select_n3A_1053, %select_n3A_1051 : vector<256x128xi1>, vector<256x128xf32>
    %select_n3A_1081 = arith.select %eq3A_1074, %select_n3A_1054, %select_n3A_1052 : vector<256x128xi1>, vector<256x128xf32>
    %select_n3A_1082 = arith.select %eq3A_1074, %select_n3A_1055, %select_n3A_1053 : vector<256x128xi1>, vector<256x128xf32>
    %select_n3A_1083 = arith.select %eq3A_1074, %select_n3A_1058, %select_n3A_1054 : vector<256x128xi1>, vector<256x128xf32>
    %select_n3A_1084 = arith.select %eq3A_1074, %select_n3A_1061, %select_n3A_1055 : vector<256x128xi1>, vector<256x128xf32>
    %jit3A_1085 = arith.constant 0x7F800000 : f32
    %broadcast_in_dim3A_1086 = vector.broadcast %jit3A_1085 : f32 to vector<256x128xf32>
    %select_n3A_1087 = arith.select %eq3A_1074, %broadcast_in_dim3A_1086, %select_n3A_1058 : vector<256x128xi1>, vector<256x128xf32>
    %jit3A_1088 = arith.constant 1.000000e+09 : f32
    %broadcast_in_dim3A_1089 = vector.broadcast %jit3A_1088 : f32 to vector<256x128xf32>
    %select_n3A_1090 = arith.select %eq3A_1074, %broadcast_in_dim3A_1089, %select_n3A_1061 : vector<256x128xi1>, vector<256x128xf32>
    %reduce_min3A_1091 = arith.constant dense<0x7F800000> : vector<256xf32>
    %reduce_min3A_1092 = vector.multi_reduction <minimumf>, %select_n3A_1077, %reduce_min3A_1091 [1] : vector<256x128xf32> to vector<256xf32>
    %broadcast_in_dim3A_1093 = vector.shape_cast %reduce_min3A_1092 : vector<256xf32> to vector<256x1xf32>
    %eq3A_1094 = vector.broadcast %broadcast_in_dim3A_1093 : vector<256x1xf32> to vector<256x128xf32>
    %eq3A_1095 = arith.cmpf oeq, %select_n3A_1077, %eq3A_1094 : vector<256x128xf32>
    %jit3A_1096 = arith.constant 1.000000e+09 : f32
    %broadcast_in_dim3A_1097 = vector.broadcast %jit3A_1096 : f32 to vector<256x128xf32>
    %select_n3A_1098 = arith.select %eq3A_1095, %select_n3A_1078, %broadcast_in_dim3A_1097 : vector<256x128xi1>, vector<256x128xf32>
    %reduce_min3A_1099 = arith.constant dense<0x7F800000> : vector<256xf32>
    %reduce_min3A_1100 = vector.multi_reduction <minimumf>, %select_n3A_1098, %reduce_min3A_1099 [1] : vector<256x128xf32> to vector<256xf32>
    %broadcast_in_dim3A_1101 = vector.shape_cast %reduce_min3A_1100 : vector<256xf32> to vector<256x1xf32>
    %eq3A_1102 = vector.broadcast %broadcast_in_dim3A_1101 : vector<256x1xf32> to vector<256x128xf32>
    %eq3A_1103 = arith.cmpf oeq, %select_n3A_1098, %eq3A_1102 : vector<256x128xf32>
    %convert_element_type3A_1104 = arith.extui %eq3A_1103 : vector<256x128xi1> to vector<256x128xi32>
    %add3A_1105 = arith.addi %add3A_1076, %convert_element_type3A_1104 : vector<256x128xi32>
    %select_n3A_1106 = arith.select %eq3A_1103, %select_n3A_1079, %select_n3A_1077 : vector<256x128xi1>, vector<256x128xf32>
    %select_n3A_1107 = arith.select %eq3A_1103, %select_n3A_1080, %select_n3A_1078 : vector<256x128xi1>, vector<256x128xf32>
    %select_n3A_1108 = arith.select %eq3A_1103, %select_n3A_1081, %select_n3A_1079 : vector<256x128xi1>, vector<256x128xf32>
    %select_n3A_1109 = arith.select %eq3A_1103, %select_n3A_1082, %select_n3A_1080 : vector<256x128xi1>, vector<256x128xf32>
    %select_n3A_1110 = arith.select %eq3A_1103, %select_n3A_1083, %select_n3A_1081 : vector<256x128xi1>, vector<256x128xf32>
    %select_n3A_1111 = arith.select %eq3A_1103, %select_n3A_1084, %select_n3A_1082 : vector<256x128xi1>, vector<256x128xf32>
    %select_n3A_1112 = arith.select %eq3A_1103, %select_n3A_1087, %select_n3A_1083 : vector<256x128xi1>, vector<256x128xf32>
    %select_n3A_1113 = arith.select %eq3A_1103, %select_n3A_1090, %select_n3A_1084 : vector<256x128xi1>, vector<256x128xf32>
    %jit3A_1114 = arith.constant 0x7F800000 : f32
    %broadcast_in_dim3A_1115 = vector.broadcast %jit3A_1114 : f32 to vector<256x128xf32>
    %select_n3A_1116 = arith.select %eq3A_1103, %broadcast_in_dim3A_1115, %select_n3A_1087 : vector<256x128xi1>, vector<256x128xf32>
    %jit3A_1117 = arith.constant 1.000000e+09 : f32
    %broadcast_in_dim3A_1118 = vector.broadcast %jit3A_1117 : f32 to vector<256x128xf32>
    %select_n3A_1119 = arith.select %eq3A_1103, %broadcast_in_dim3A_1118, %select_n3A_1090 : vector<256x128xi1>, vector<256x128xf32>
    %reduce_min3A_1120 = arith.constant dense<0x7F800000> : vector<256xf32>
    %reduce_min3A_1121 = vector.multi_reduction <minimumf>, %select_n3A_1106, %reduce_min3A_1120 [1] : vector<256x128xf32> to vector<256xf32>
    %broadcast_in_dim3A_1122 = vector.shape_cast %reduce_min3A_1121 : vector<256xf32> to vector<256x1xf32>
    %eq3A_1123 = vector.broadcast %broadcast_in_dim3A_1122 : vector<256x1xf32> to vector<256x128xf32>
    %eq3A_1124 = arith.cmpf oeq, %select_n3A_1106, %eq3A_1123 : vector<256x128xf32>
    %jit3A_1125 = arith.constant 1.000000e+09 : f32
    %broadcast_in_dim3A_1126 = vector.broadcast %jit3A_1125 : f32 to vector<256x128xf32>
    %select_n3A_1127 = arith.select %eq3A_1124, %select_n3A_1107, %broadcast_in_dim3A_1126 : vector<256x128xi1>, vector<256x128xf32>
    %reduce_min3A_1128 = arith.constant dense<0x7F800000> : vector<256xf32>
    %reduce_min3A_1129 = vector.multi_reduction <minimumf>, %select_n3A_1127, %reduce_min3A_1128 [1] : vector<256x128xf32> to vector<256xf32>
    %broadcast_in_dim3A_1130 = vector.shape_cast %reduce_min3A_1129 : vector<256xf32> to vector<256x1xf32>
    %eq3A_1131 = vector.broadcast %broadcast_in_dim3A_1130 : vector<256x1xf32> to vector<256x128xf32>
    %eq3A_1132 = arith.cmpf oeq, %select_n3A_1127, %eq3A_1131 : vector<256x128xf32>
    %convert_element_type3A_1133 = arith.extui %eq3A_1132 : vector<256x128xi1> to vector<256x128xi32>
    %add3A_1134 = arith.addi %add3A_1105, %convert_element_type3A_1133 : vector<256x128xi32>
    %select_n3A_1135 = arith.select %eq3A_1132, %select_n3A_1108, %select_n3A_1106 : vector<256x128xi1>, vector<256x128xf32>
    %select_n3A_1136 = arith.select %eq3A_1132, %select_n3A_1109, %select_n3A_1107 : vector<256x128xi1>, vector<256x128xf32>
    %select_n3A_1137 = arith.select %eq3A_1132, %select_n3A_1110, %select_n3A_1108 : vector<256x128xi1>, vector<256x128xf32>
    %select_n3A_1138 = arith.select %eq3A_1132, %select_n3A_1111, %select_n3A_1109 : vector<256x128xi1>, vector<256x128xf32>
    %select_n3A_1139 = arith.select %eq3A_1132, %select_n3A_1112, %select_n3A_1110 : vector<256x128xi1>, vector<256x128xf32>
    %select_n3A_1140 = arith.select %eq3A_1132, %select_n3A_1113, %select_n3A_1111 : vector<256x128xi1>, vector<256x128xf32>
    %select_n3A_1141 = arith.select %eq3A_1132, %select_n3A_1116, %select_n3A_1112 : vector<256x128xi1>, vector<256x128xf32>
    %select_n3A_1142 = arith.select %eq3A_1132, %select_n3A_1119, %select_n3A_1113 : vector<256x128xi1>, vector<256x128xf32>
    %reduce_min3A_1143 = arith.constant dense<0x7F800000> : vector<256xf32>
    %reduce_min3A_1144 = vector.multi_reduction <minimumf>, %select_n3A_1135, %reduce_min3A_1143 [1] : vector<256x128xf32> to vector<256xf32>
    %broadcast_in_dim3A_1145 = vector.shape_cast %reduce_min3A_1144 : vector<256xf32> to vector<256x1xf32>
    %eq3A_1146 = vector.broadcast %broadcast_in_dim3A_1145 : vector<256x1xf32> to vector<256x128xf32>
    %eq3A_1147 = arith.cmpf oeq, %select_n3A_1135, %eq3A_1146 : vector<256x128xf32>
    %jit3A_1148 = arith.constant 1.000000e+09 : f32
    %broadcast_in_dim3A_1149 = vector.broadcast %jit3A_1148 : f32 to vector<256x128xf32>
    %select_n3A_1150 = arith.select %eq3A_1147, %select_n3A_1136, %broadcast_in_dim3A_1149 : vector<256x128xi1>, vector<256x128xf32>
    %reduce_min3A_1151 = arith.constant dense<0x7F800000> : vector<256xf32>
    %reduce_min3A_1152 = vector.multi_reduction <minimumf>, %select_n3A_1150, %reduce_min3A_1151 [1] : vector<256x128xf32> to vector<256xf32>
    %broadcast_in_dim3A_1153 = vector.shape_cast %reduce_min3A_1152 : vector<256xf32> to vector<256x1xf32>
    %eq3A_1154 = vector.broadcast %broadcast_in_dim3A_1153 : vector<256x1xf32> to vector<256x128xf32>
    %eq3A_1155 = arith.cmpf oeq, %select_n3A_1150, %eq3A_1154 : vector<256x128xf32>
    %convert_element_type3A_1156 = arith.extui %eq3A_1155 : vector<256x128xi1> to vector<256x128xi32>
    %add3A_1157 = arith.addi %add3A_1134, %convert_element_type3A_1156 : vector<256x128xi32>
    %select_n3A_1158 = arith.select %eq3A_1155, %select_n3A_1137, %select_n3A_1135 : vector<256x128xi1>, vector<256x128xf32>
    %select_n3A_1159 = arith.select %eq3A_1155, %select_n3A_1138, %select_n3A_1136 : vector<256x128xi1>, vector<256x128xf32>
    %select_n3A_1160 = arith.select %eq3A_1155, %select_n3A_1139, %select_n3A_1137 : vector<256x128xi1>, vector<256x128xf32>
    %select_n3A_1161 = arith.select %eq3A_1155, %select_n3A_1140, %select_n3A_1138 : vector<256x128xi1>, vector<256x128xf32>
    %select_n3A_1162 = arith.select %eq3A_1155, %select_n3A_1141, %select_n3A_1139 : vector<256x128xi1>, vector<256x128xf32>
    %select_n3A_1163 = arith.select %eq3A_1155, %select_n3A_1142, %select_n3A_1140 : vector<256x128xi1>, vector<256x128xf32>
    %reduce_min3A_1164 = arith.constant dense<0x7F800000> : vector<256xf32>
    %reduce_min3A_1165 = vector.multi_reduction <minimumf>, %select_n3A_1158, %reduce_min3A_1164 [1] : vector<256x128xf32> to vector<256xf32>
    %broadcast_in_dim3A_1166 = vector.shape_cast %reduce_min3A_1165 : vector<256xf32> to vector<256x1xf32>
    %eq3A_1167 = vector.broadcast %broadcast_in_dim3A_1166 : vector<256x1xf32> to vector<256x128xf32>
    %eq3A_1168 = arith.cmpf oeq, %select_n3A_1158, %eq3A_1167 : vector<256x128xf32>
    %jit3A_1169 = arith.constant 1.000000e+09 : f32
    %broadcast_in_dim3A_1170 = vector.broadcast %jit3A_1169 : f32 to vector<256x128xf32>
    %select_n3A_1171 = arith.select %eq3A_1168, %select_n3A_1159, %broadcast_in_dim3A_1170 : vector<256x128xi1>, vector<256x128xf32>
    %reduce_min3A_1172 = arith.constant dense<0x7F800000> : vector<256xf32>
    %reduce_min3A_1173 = vector.multi_reduction <minimumf>, %select_n3A_1171, %reduce_min3A_1172 [1] : vector<256x128xf32> to vector<256xf32>
    %broadcast_in_dim3A_1174 = vector.shape_cast %reduce_min3A_1173 : vector<256xf32> to vector<256x1xf32>
    %eq3A_1175 = vector.broadcast %broadcast_in_dim3A_1174 : vector<256x1xf32> to vector<256x128xf32>
    %eq3A_1176 = arith.cmpf oeq, %select_n3A_1171, %eq3A_1175 : vector<256x128xf32>
    %convert_element_type3A_1177 = arith.extui %eq3A_1176 : vector<256x128xi1> to vector<256x128xi32>
    %add3A_1178 = arith.addi %add3A_1157, %convert_element_type3A_1177 : vector<256x128xi32>
    %select_n3A_1179 = arith.select %eq3A_1176, %select_n3A_1160, %select_n3A_1158 : vector<256x128xi1>, vector<256x128xf32>
    %select_n3A_1180 = arith.select %eq3A_1176, %select_n3A_1161, %select_n3A_1159 : vector<256x128xi1>, vector<256x128xf32>
    %select_n3A_1181 = arith.select %eq3A_1176, %select_n3A_1162, %select_n3A_1160 : vector<256x128xi1>, vector<256x128xf32>
    %select_n3A_1182 = arith.select %eq3A_1176, %select_n3A_1163, %select_n3A_1161 : vector<256x128xi1>, vector<256x128xf32>
    %reduce_min3A_1183 = arith.constant dense<0x7F800000> : vector<256xf32>
    %reduce_min3A_1184 = vector.multi_reduction <minimumf>, %select_n3A_1179, %reduce_min3A_1183 [1] : vector<256x128xf32> to vector<256xf32>
    %broadcast_in_dim3A_1185 = vector.shape_cast %reduce_min3A_1184 : vector<256xf32> to vector<256x1xf32>
    %eq3A_1186 = vector.broadcast %broadcast_in_dim3A_1185 : vector<256x1xf32> to vector<256x128xf32>
    %eq3A_1187 = arith.cmpf oeq, %select_n3A_1179, %eq3A_1186 : vector<256x128xf32>
    %jit3A_1188 = arith.constant 1.000000e+09 : f32
    %broadcast_in_dim3A_1189 = vector.broadcast %jit3A_1188 : f32 to vector<256x128xf32>
    %select_n3A_1190 = arith.select %eq3A_1187, %select_n3A_1180, %broadcast_in_dim3A_1189 : vector<256x128xi1>, vector<256x128xf32>
    %reduce_min3A_1191 = arith.constant dense<0x7F800000> : vector<256xf32>
    %reduce_min3A_1192 = vector.multi_reduction <minimumf>, %select_n3A_1190, %reduce_min3A_1191 [1] : vector<256x128xf32> to vector<256xf32>
    %broadcast_in_dim3A_1193 = vector.shape_cast %reduce_min3A_1192 : vector<256xf32> to vector<256x1xf32>
    %eq3A_1194 = vector.broadcast %broadcast_in_dim3A_1193 : vector<256x1xf32> to vector<256x128xf32>
    %eq3A_1195 = arith.cmpf oeq, %select_n3A_1190, %eq3A_1194 : vector<256x128xf32>
    %convert_element_type3A_1196 = arith.extui %eq3A_1195 : vector<256x128xi1> to vector<256x128xi32>
    %add3A_1197 = arith.addi %add3A_1178, %convert_element_type3A_1196 : vector<256x128xi32>
    %select_n3A_1198 = arith.select %eq3A_1195, %select_n3A_1181, %select_n3A_1179 : vector<256x128xi1>, vector<256x128xf32>
    %select_n3A_1199 = arith.select %eq3A_1195, %select_n3A_1182, %select_n3A_1180 : vector<256x128xi1>, vector<256x128xf32>
    %reduce_min3A_1200 = arith.constant dense<0x7F800000> : vector<256xf32>
    %reduce_min3A_1201 = vector.multi_reduction <minimumf>, %select_n3A_1198, %reduce_min3A_1200 [1] : vector<256x128xf32> to vector<256xf32>
    %broadcast_in_dim3A_1202 = vector.shape_cast %reduce_min3A_1201 : vector<256xf32> to vector<256x1xf32>
    %eq3A_1203 = vector.broadcast %broadcast_in_dim3A_1202 : vector<256x1xf32> to vector<256x128xf32>
    %eq3A_1204 = arith.cmpf oeq, %select_n3A_1198, %eq3A_1203 : vector<256x128xf32>
    %jit3A_1205 = arith.constant 1.000000e+09 : f32
    %broadcast_in_dim3A_1206 = vector.broadcast %jit3A_1205 : f32 to vector<256x128xf32>
    %select_n3A_1207 = arith.select %eq3A_1204, %select_n3A_1199, %broadcast_in_dim3A_1206 : vector<256x128xi1>, vector<256x128xf32>
    %reduce_min3A_1208 = arith.constant dense<0x7F800000> : vector<256xf32>
    %reduce_min3A_1209 = vector.multi_reduction <minimumf>, %select_n3A_1207, %reduce_min3A_1208 [1] : vector<256x128xf32> to vector<256xf32>
    %broadcast_in_dim3A_1210 = vector.shape_cast %reduce_min3A_1209 : vector<256xf32> to vector<256x1xf32>
    %eq3A_1211 = vector.broadcast %broadcast_in_dim3A_1210 : vector<256x1xf32> to vector<256x128xf32>
    %eq3A_1212 = arith.cmpf oeq, %select_n3A_1207, %eq3A_1211 : vector<256x128xf32>
    %convert_element_type3A_1213 = arith.extui %eq3A_1212 : vector<256x128xi1> to vector<256x128xi32>
    %add3A_1214 = arith.addi %add3A_1197, %convert_element_type3A_1213 : vector<256x128xi32>
    %concatenate3A = tpu.concatenate %broadcast_in_dim3A_811, %broadcast_in_dim3A_840, %broadcast_in_dim3A_869, %broadcast_in_dim3A_898, %broadcast_in_dim3A_927, %broadcast_in_dim3A_956, %broadcast_in_dim3A_985, %broadcast_in_dim3A_1014, %broadcast_in_dim3A_1043, %broadcast_in_dim3A_1072, %broadcast_in_dim3A_1101, %broadcast_in_dim3A_1130, %broadcast_in_dim3A_1153, %broadcast_in_dim3A_1174, %broadcast_in_dim3A_1193, %broadcast_in_dim3A_1210 in 1 : vector<256x1xf32>, vector<256x1xf32>, vector<256x1xf32>, vector<256x1xf32>, vector<256x1xf32>, vector<256x1xf32>, vector<256x1xf32>, vector<256x1xf32>, vector<256x1xf32>, vector<256x1xf32>, vector<256x1xf32>, vector<256x1xf32>, vector<256x1xf32>, vector<256x1xf32>, vector<256x1xf32>, vector<256x1xf32> -> vector<256x16xf32>
    %convert_element_type3A_1215 = arith.fptosi %concatenate3A : vector<256x16xf32> to vector<256x16xi32>
    %reduce_max3A = vector.shape_cast %add3A_1214 : vector<256x128xi32> to vector<1x256x128xi32>
    %reduce_max3A_1216 = arith.constant dense<-2147483648> : vector<1xi32>
    %reduce_max3A_1217 = vector.multi_reduction <maxsi>, %reduce_max3A, %reduce_max3A_1216 [1, 2] : vector<1x256x128xi32> to vector<1xi32>
    %reduce_max3A_1218 = vector.shape_cast %reduce_max3A_1217 : vector<1xi32> to vector<1x1x1xi32>
    %reduce_max3A_1219 = vector.extract %reduce_max3A_1218[0, 0, 0] : i32 from vector<1x1x1xi32>
    %ge3A = arith.constant 5 : i32
    %ge3A_1220 = arith.cmpi sge, %reduce_max3A_1219, %ge3A : i32
    %not3A = arith.constant true
    %not3A_1221 = arith.xori %ge3A_1220, %not3A : i1
    %convert_element_type3A_1222 = arith.extui %not3A_1221 : i1 to i32
    %cond3A = arith.constant 0 : i32
    %cond3A_1223 = arith.cmpi ne, %convert_element_type3A_1222, %cond3A : i32
    scf.if %cond3A_1223 {
      %mul3A_1255 = arith.constant 2048 : i32
      %mul3A_1256 = arith.muli %arg0, %mul3A_1255 : i32
      %add3A_1257 = vector.broadcast %mul3A_1256 : i32 to vector<256x16xi32>
      %add3A_1258 = arith.addi %convert_element_type3A_1215, %add3A_1257 : vector<256x16xi32>
      %swap3A_1259 = arith.constant 0 : index
      %swap3A_1260 = arith.constant 0 : index
      %swap3A_1261 = arith.constant 0 : index
      %swap3A_1262 = vector.load %arg9[%swap3A_1259, %swap3A_1260, %swap3A_1261] : memref<1x256x16xi32, #tpu.memory_space<vmem>>, vector<1x256x16xi32>
      %swap3A_1263 = vector.shape_cast %swap3A_1262 : vector<1x256x16xi32> to vector<256x16xi32>
      %swap3A_1264 = vector.shape_cast %add3A_1258 : vector<256x16xi32> to vector<1x256x16xi32>
      tpu.vector_store %arg9[%swap3A_1259, %swap3A_1260, %swap3A_1261], %swap3A_1264 {strides = array<i32>} : memref<1x256x16xi32, #tpu.memory_space<vmem>>, vector<1x256x16xi32>,
    } else {
    }
    %convert_element_type3A_1224 = arith.extui %ge3A_1220 : i1 to i32
    %cond3A_1225 = arith.constant 1.000000e+09 : f32
    %cond3A_1226 = arith.constant 0x7F800000 : f32
    %cond3A_1227 = arith.constant 0 : i32
    %cond3A_1228 = arith.cmpi ne, %convert_element_type3A_1224, %cond3A_1227 : i32
    scf.if %cond3A_1228 {
      %reduce_min3A_1255 = arith.constant dense<0x7F800000> : vector<256xf32>
      %reduce_min3A_1256 = vector.multi_reduction <minimumf>, %sub3A, %reduce_min3A_1255 [1] : vector<256x2048xf32> to vector<256xf32>
      %broadcast_in_dim3A_1257 = vector.shape_cast %reduce_min3A_1256 : vector<256xf32> to vector<256x1xf32>
      %eq3A_1258 = vector.broadcast %broadcast_in_dim3A_1257 : vector<256x1xf32> to vector<256x2048xf32>
      %eq3A_1259 = arith.cmpf oeq, %sub3A, %eq3A_1258 : vector<256x2048xf32>
      %broadcast_in_dim3A_1260 = vector.broadcast %cond3A_1225 : f32 to vector<256x2048xf32>
      %select_n3A_1261 = arith.select %eq3A_1259, %convert_element_type3A, %broadcast_in_dim3A_1260 : vector<256x2048xi1>, vector<256x2048xf32>
      %reduce_min3A_1262 = arith.constant dense<0x7F800000> : vector<256xf32>
      %reduce_min3A_1263 = vector.multi_reduction <minimumf>, %select_n3A_1261, %reduce_min3A_1262 [1] : vector<256x2048xf32> to vector<256xf32>
      %broadcast_in_dim3A_1264 = vector.shape_cast %reduce_min3A_1263 : vector<256xf32> to vector<256x1xf32>
      %eq3A_1265 = vector.broadcast %broadcast_in_dim3A_1264 : vector<256x1xf32> to vector<256x2048xf32>
      %eq3A_1266 = arith.cmpf oeq, %select_n3A_1261, %eq3A_1265 : vector<256x2048xf32>
      %broadcast_in_dim3A_1267 = vector.broadcast %cond3A_1226 : f32 to vector<256x2048xf32>
      %select_n3A_1268 = arith.select %eq3A_1266, %broadcast_in_dim3A_1267, %sub3A : vector<256x2048xi1>, vector<256x2048xf32>
      %reduce_min3A_1269 = arith.constant dense<0x7F800000> : vector<256xf32>
      %reduce_min3A_1270 = vector.multi_reduction <minimumf>, %select_n3A_1268, %reduce_min3A_1269 [1] : vector<256x2048xf32> to vector<256xf32>
      %broadcast_in_dim3A_1271 = vector.shape_cast %reduce_min3A_1270 : vector<256xf32> to vector<256x1xf32>
      %eq3A_1272 = vector.broadcast %broadcast_in_dim3A_1271 : vector<256x1xf32> to vector<256x2048xf32>
      %eq3A_1273 = arith.cmpf oeq, %select_n3A_1268, %eq3A_1272 : vector<256x2048xf32>
      %broadcast_in_dim3A_1274 = vector.broadcast %cond3A_1225 : f32 to vector<256x2048xf32>
      %select_n3A_1275 = arith.select %eq3A_1273, %convert_element_type3A, %broadcast_in_dim3A_1274 : vector<256x2048xi1>, vector<256x2048xf32>
      %reduce_min3A_1276 = arith.constant dense<0x7F800000> : vector<256xf32>
      %reduce_min3A_1277 = vector.multi_reduction <minimumf>, %select_n3A_1275, %reduce_min3A_1276 [1] : vector<256x2048xf32> to vector<256xf32>
      %broadcast_in_dim3A_1278 = vector.shape_cast %reduce_min3A_1277 : vector<256xf32> to vector<256x1xf32>
      %eq3A_1279 = vector.broadcast %broadcast_in_dim3A_1278 : vector<256x1xf32> to vector<256x2048xf32>
      %eq3A_1280 = arith.cmpf oeq, %select_n3A_1275, %eq3A_1279 : vector<256x2048xf32>
      %broadcast_in_dim3A_1281 = vector.broadcast %cond3A_1226 : f32 to vector<256x2048xf32>
      %select_n3A_1282 = arith.select %eq3A_1280, %broadcast_in_dim3A_1281, %select_n3A_1268 : vector<256x2048xi1>, vector<256x2048xf32>
      %reduce_min3A_1283 = arith.constant dense<0x7F800000> : vector<256xf32>
      %reduce_min3A_1284 = vector.multi_reduction <minimumf>, %select_n3A_1282, %reduce_min3A_1283 [1] : vector<256x2048xf32> to vector<256xf32>
      %broadcast_in_dim3A_1285 = vector.shape_cast %reduce_min3A_1284 : vector<256xf32> to vector<256x1xf32>
      %eq3A_1286 = vector.broadcast %broadcast_in_dim3A_1285 : vector<256x1xf32> to vector<256x2048xf32>
      %eq3A_1287 = arith.cmpf oeq, %select_n3A_1282, %eq3A_1286 : vector<256x2048xf32>
      %broadcast_in_dim3A_1288 = vector.broadcast %cond3A_1225 : f32 to vector<256x2048xf32>
      %select_n3A_1289 = arith.select %eq3A_1287, %convert_element_type3A, %broadcast_in_dim3A_1288 : vector<256x2048xi1>, vector<256x2048xf32>
      %reduce_min3A_1290 = arith.constant dense<0x7F800000> : vector<256xf32>
      %reduce_min3A_1291 = vector.multi_reduction <minimumf>, %select_n3A_1289, %reduce_min3A_1290 [1] : vector<256x2048xf32> to vector<256xf32>
      %broadcast_in_dim3A_1292 = vector.shape_cast %reduce_min3A_1291 : vector<256xf32> to vector<256x1xf32>
      %eq3A_1293 = vector.broadcast %broadcast_in_dim3A_1292 : vector<256x1xf32> to vector<256x2048xf32>
      %eq3A_1294 = arith.cmpf oeq, %select_n3A_1289, %eq3A_1293 : vector<256x2048xf32>
      %broadcast_in_dim3A_1295 = vector.broadcast %cond3A_1226 : f32 to vector<256x2048xf32>
      %select_n3A_1296 = arith.select %eq3A_1294, %broadcast_in_dim3A_1295, %select_n3A_1282 : vector<256x2048xi1>, vector<256x2048xf32>
      %reduce_min3A_1297 = arith.constant dense<0x7F800000> : vector<256xf32>
      %reduce_min3A_1298 = vector.multi_reduction <minimumf>, %select_n3A_1296, %reduce_min3A_1297 [1] : vector<256x2048xf32> to vector<256xf32>
      %broadcast_in_dim3A_1299 = vector.shape_cast %reduce_min3A_1298 : vector<256xf32> to vector<256x1xf32>
      %eq3A_1300 = vector.broadcast %broadcast_in_dim3A_1299 : vector<256x1xf32> to vector<256x2048xf32>
      %eq3A_1301 = arith.cmpf oeq, %select_n3A_1296, %eq3A_1300 : vector<256x2048xf32>
      %broadcast_in_dim3A_1302 = vector.broadcast %cond3A_1225 : f32 to vector<256x2048xf32>
      %select_n3A_1303 = arith.select %eq3A_1301, %convert_element_type3A, %broadcast_in_dim3A_1302 : vector<256x2048xi1>, vector<256x2048xf32>
      %reduce_min3A_1304 = arith.constant dense<0x7F800000> : vector<256xf32>
      %reduce_min3A_1305 = vector.multi_reduction <minimumf>, %select_n3A_1303, %reduce_min3A_1304 [1] : vector<256x2048xf32> to vector<256xf32>
      %broadcast_in_dim3A_1306 = vector.shape_cast %reduce_min3A_1305 : vector<256xf32> to vector<256x1xf32>
      %eq3A_1307 = vector.broadcast %broadcast_in_dim3A_1306 : vector<256x1xf32> to vector<256x2048xf32>
      %eq3A_1308 = arith.cmpf oeq, %select_n3A_1303, %eq3A_1307 : vector<256x2048xf32>
      %broadcast_in_dim3A_1309 = vector.broadcast %cond3A_1226 : f32 to vector<256x2048xf32>
      %select_n3A_1310 = arith.select %eq3A_1308, %broadcast_in_dim3A_1309, %select_n3A_1296 : vector<256x2048xi1>, vector<256x2048xf32>
      %reduce_min3A_1311 = arith.constant dense<0x7F800000> : vector<256xf32>
      %reduce_min3A_1312 = vector.multi_reduction <minimumf>, %select_n3A_1310, %reduce_min3A_1311 [1] : vector<256x2048xf32> to vector<256xf32>
      %broadcast_in_dim3A_1313 = vector.shape_cast %reduce_min3A_1312 : vector<256xf32> to vector<256x1xf32>
      %eq3A_1314 = vector.broadcast %broadcast_in_dim3A_1313 : vector<256x1xf32> to vector<256x2048xf32>
      %eq3A_1315 = arith.cmpf oeq, %select_n3A_1310, %eq3A_1314 : vector<256x2048xf32>
      %broadcast_in_dim3A_1316 = vector.broadcast %cond3A_1225 : f32 to vector<256x2048xf32>
      %select_n3A_1317 = arith.select %eq3A_1315, %convert_element_type3A, %broadcast_in_dim3A_1316 : vector<256x2048xi1>, vector<256x2048xf32>
      %reduce_min3A_1318 = arith.constant dense<0x7F800000> : vector<256xf32>
      %reduce_min3A_1319 = vector.multi_reduction <minimumf>, %select_n3A_1317, %reduce_min3A_1318 [1] : vector<256x2048xf32> to vector<256xf32>
      %broadcast_in_dim3A_1320 = vector.shape_cast %reduce_min3A_1319 : vector<256xf32> to vector<256x1xf32>
      %eq3A_1321 = vector.broadcast %broadcast_in_dim3A_1320 : vector<256x1xf32> to vector<256x2048xf32>
      %eq3A_1322 = arith.cmpf oeq, %select_n3A_1317, %eq3A_1321 : vector<256x2048xf32>
      %broadcast_in_dim3A_1323 = vector.broadcast %cond3A_1226 : f32 to vector<256x2048xf32>
      %select_n3A_1324 = arith.select %eq3A_1322, %broadcast_in_dim3A_1323, %select_n3A_1310 : vector<256x2048xi1>, vector<256x2048xf32>
      %reduce_min3A_1325 = arith.constant dense<0x7F800000> : vector<256xf32>
      %reduce_min3A_1326 = vector.multi_reduction <minimumf>, %select_n3A_1324, %reduce_min3A_1325 [1] : vector<256x2048xf32> to vector<256xf32>
      %broadcast_in_dim3A_1327 = vector.shape_cast %reduce_min3A_1326 : vector<256xf32> to vector<256x1xf32>
      %eq3A_1328 = vector.broadcast %broadcast_in_dim3A_1327 : vector<256x1xf32> to vector<256x2048xf32>
      %eq3A_1329 = arith.cmpf oeq, %select_n3A_1324, %eq3A_1328 : vector<256x2048xf32>
      %broadcast_in_dim3A_1330 = vector.broadcast %cond3A_1225 : f32 to vector<256x2048xf32>
      %select_n3A_1331 = arith.select %eq3A_1329, %convert_element_type3A, %broadcast_in_dim3A_1330 : vector<256x2048xi1>, vector<256x2048xf32>
      %reduce_min3A_1332 = arith.constant dense<0x7F800000> : vector<256xf32>
      %reduce_min3A_1333 = vector.multi_reduction <minimumf>, %select_n3A_1331, %reduce_min3A_1332 [1] : vector<256x2048xf32> to vector<256xf32>
      %broadcast_in_dim3A_1334 = vector.shape_cast %reduce_min3A_1333 : vector<256xf32> to vector<256x1xf32>
      %eq3A_1335 = vector.broadcast %broadcast_in_dim3A_1334 : vector<256x1xf32> to vector<256x2048xf32>
      %eq3A_1336 = arith.cmpf oeq, %select_n3A_1331, %eq3A_1335 : vector<256x2048xf32>
      %broadcast_in_dim3A_1337 = vector.broadcast %cond3A_1226 : f32 to vector<256x2048xf32>
      %select_n3A_1338 = arith.select %eq3A_1336, %broadcast_in_dim3A_1337, %select_n3A_1324 : vector<256x2048xi1>, vector<256x2048xf32>
      %reduce_min3A_1339 = arith.constant dense<0x7F800000> : vector<256xf32>
      %reduce_min3A_1340 = vector.multi_reduction <minimumf>, %select_n3A_1338, %reduce_min3A_1339 [1] : vector<256x2048xf32> to vector<256xf32>
      %broadcast_in_dim3A_1341 = vector.shape_cast %reduce_min3A_1340 : vector<256xf32> to vector<256x1xf32>
      %eq3A_1342 = vector.broadcast %broadcast_in_dim3A_1341 : vector<256x1xf32> to vector<256x2048xf32>
      %eq3A_1343 = arith.cmpf oeq, %select_n3A_1338, %eq3A_1342 : vector<256x2048xf32>
      %broadcast_in_dim3A_1344 = vector.broadcast %cond3A_1225 : f32 to vector<256x2048xf32>
      %select_n3A_1345 = arith.select %eq3A_1343, %convert_element_type3A, %broadcast_in_dim3A_1344 : vector<256x2048xi1>, vector<256x2048xf32>
      %reduce_min3A_1346 = arith.constant dense<0x7F800000> : vector<256xf32>
      %reduce_min3A_1347 = vector.multi_reduction <minimumf>, %select_n3A_1345, %reduce_min3A_1346 [1] : vector<256x2048xf32> to vector<256xf32>
      %broadcast_in_dim3A_1348 = vector.shape_cast %reduce_min3A_1347 : vector<256xf32> to vector<256x1xf32>
      %eq3A_1349 = vector.broadcast %broadcast_in_dim3A_1348 : vector<256x1xf32> to vector<256x2048xf32>
      %eq3A_1350 = arith.cmpf oeq, %select_n3A_1345, %eq3A_1349 : vector<256x2048xf32>
      %broadcast_in_dim3A_1351 = vector.broadcast %cond3A_1226 : f32 to vector<256x2048xf32>
      %select_n3A_1352 = arith.select %eq3A_1350, %broadcast_in_dim3A_1351, %select_n3A_1338 : vector<256x2048xi1>, vector<256x2048xf32>
      %reduce_min3A_1353 = arith.constant dense<0x7F800000> : vector<256xf32>
      %reduce_min3A_1354 = vector.multi_reduction <minimumf>, %select_n3A_1352, %reduce_min3A_1353 [1] : vector<256x2048xf32> to vector<256xf32>
      %broadcast_in_dim3A_1355 = vector.shape_cast %reduce_min3A_1354 : vector<256xf32> to vector<256x1xf32>
      %eq3A_1356 = vector.broadcast %broadcast_in_dim3A_1355 : vector<256x1xf32> to vector<256x2048xf32>
      %eq3A_1357 = arith.cmpf oeq, %select_n3A_1352, %eq3A_1356 : vector<256x2048xf32>
      %broadcast_in_dim3A_1358 = vector.broadcast %cond3A_1225 : f32 to vector<256x2048xf32>
      %select_n3A_1359 = arith.select %eq3A_1357, %convert_element_type3A, %broadcast_in_dim3A_1358 : vector<256x2048xi1>, vector<256x2048xf32>
      %reduce_min3A_1360 = arith.constant dense<0x7F800000> : vector<256xf32>
      %reduce_min3A_1361 = vector.multi_reduction <minimumf>, %select_n3A_1359, %reduce_min3A_1360 [1] : vector<256x2048xf32> to vector<256xf32>
      %broadcast_in_dim3A_1362 = vector.shape_cast %reduce_min3A_1361 : vector<256xf32> to vector<256x1xf32>
      %eq3A_1363 = vector.broadcast %broadcast_in_dim3A_1362 : vector<256x1xf32> to vector<256x2048xf32>
      %eq3A_1364 = arith.cmpf oeq, %select_n3A_1359, %eq3A_1363 : vector<256x2048xf32>
      %broadcast_in_dim3A_1365 = vector.broadcast %cond3A_1226 : f32 to vector<256x2048xf32>
      %select_n3A_1366 = arith.select %eq3A_1364, %broadcast_in_dim3A_1365, %select_n3A_1352 : vector<256x2048xi1>, vector<256x2048xf32>
      %reduce_min3A_1367 = arith.constant dense<0x7F800000> : vector<256xf32>
      %reduce_min3A_1368 = vector.multi_reduction <minimumf>, %select_n3A_1366, %reduce_min3A_1367 [1] : vector<256x2048xf32> to vector<256xf32>
      %broadcast_in_dim3A_1369 = vector.shape_cast %reduce_min3A_1368 : vector<256xf32> to vector<256x1xf32>
      %eq3A_1370 = vector.broadcast %broadcast_in_dim3A_1369 : vector<256x1xf32> to vector<256x2048xf32>
      %eq3A_1371 = arith.cmpf oeq, %select_n3A_1366, %eq3A_1370 : vector<256x2048xf32>
      %broadcast_in_dim3A_1372 = vector.broadcast %cond3A_1225 : f32 to vector<256x2048xf32>
      %select_n3A_1373 = arith.select %eq3A_1371, %convert_element_type3A, %broadcast_in_dim3A_1372 : vector<256x2048xi1>, vector<256x2048xf32>
      %reduce_min3A_1374 = arith.constant dense<0x7F800000> : vector<256xf32>
      %reduce_min3A_1375 = vector.multi_reduction <minimumf>, %select_n3A_1373, %reduce_min3A_1374 [1] : vector<256x2048xf32> to vector<256xf32>
      %broadcast_in_dim3A_1376 = vector.shape_cast %reduce_min3A_1375 : vector<256xf32> to vector<256x1xf32>
      %eq3A_1377 = vector.broadcast %broadcast_in_dim3A_1376 : vector<256x1xf32> to vector<256x2048xf32>
      %eq3A_1378 = arith.cmpf oeq, %select_n3A_1373, %eq3A_1377 : vector<256x2048xf32>
      %broadcast_in_dim3A_1379 = vector.broadcast %cond3A_1226 : f32 to vector<256x2048xf32>
      %select_n3A_1380 = arith.select %eq3A_1378, %broadcast_in_dim3A_1379, %select_n3A_1366 : vector<256x2048xi1>, vector<256x2048xf32>
      %reduce_min3A_1381 = arith.constant dense<0x7F800000> : vector<256xf32>
      %reduce_min3A_1382 = vector.multi_reduction <minimumf>, %select_n3A_1380, %reduce_min3A_1381 [1] : vector<256x2048xf32> to vector<256xf32>
      %broadcast_in_dim3A_1383 = vector.shape_cast %reduce_min3A_1382 : vector<256xf32> to vector<256x1xf32>
      %eq3A_1384 = vector.broadcast %broadcast_in_dim3A_1383 : vector<256x1xf32> to vector<256x2048xf32>
      %eq3A_1385 = arith.cmpf oeq, %select_n3A_1380, %eq3A_1384 : vector<256x2048xf32>
      %broadcast_in_dim3A_1386 = vector.broadcast %cond3A_1225 : f32 to vector<256x2048xf32>
      %select_n3A_1387 = arith.select %eq3A_1385, %convert_element_type3A, %broadcast_in_dim3A_1386 : vector<256x2048xi1>, vector<256x2048xf32>
      %reduce_min3A_1388 = arith.constant dense<0x7F800000> : vector<256xf32>
      %reduce_min3A_1389 = vector.multi_reduction <minimumf>, %select_n3A_1387, %reduce_min3A_1388 [1] : vector<256x2048xf32> to vector<256xf32>
      %broadcast_in_dim3A_1390 = vector.shape_cast %reduce_min3A_1389 : vector<256xf32> to vector<256x1xf32>
      %eq3A_1391 = vector.broadcast %broadcast_in_dim3A_1390 : vector<256x1xf32> to vector<256x2048xf32>
      %eq3A_1392 = arith.cmpf oeq, %select_n3A_1387, %eq3A_1391 : vector<256x2048xf32>
      %broadcast_in_dim3A_1393 = vector.broadcast %cond3A_1226 : f32 to vector<256x2048xf32>
      %select_n3A_1394 = arith.select %eq3A_1392, %broadcast_in_dim3A_1393, %select_n3A_1380 : vector<256x2048xi1>, vector<256x2048xf32>
      %reduce_min3A_1395 = arith.constant dense<0x7F800000> : vector<256xf32>
      %reduce_min3A_1396 = vector.multi_reduction <minimumf>, %select_n3A_1394, %reduce_min3A_1395 [1] : vector<256x2048xf32> to vector<256xf32>
      %broadcast_in_dim3A_1397 = vector.shape_cast %reduce_min3A_1396 : vector<256xf32> to vector<256x1xf32>
      %eq3A_1398 = vector.broadcast %broadcast_in_dim3A_1397 : vector<256x1xf32> to vector<256x2048xf32>
      %eq3A_1399 = arith.cmpf oeq, %select_n3A_1394, %eq3A_1398 : vector<256x2048xf32>
      %broadcast_in_dim3A_1400 = vector.broadcast %cond3A_1225 : f32 to vector<256x2048xf32>
      %select_n3A_1401 = arith.select %eq3A_1399, %convert_element_type3A, %broadcast_in_dim3A_1400 : vector<256x2048xi1>, vector<256x2048xf32>
      %reduce_min3A_1402 = arith.constant dense<0x7F800000> : vector<256xf32>
      %reduce_min3A_1403 = vector.multi_reduction <minimumf>, %select_n3A_1401, %reduce_min3A_1402 [1] : vector<256x2048xf32> to vector<256xf32>
      %broadcast_in_dim3A_1404 = vector.shape_cast %reduce_min3A_1403 : vector<256xf32> to vector<256x1xf32>
      %eq3A_1405 = vector.broadcast %broadcast_in_dim3A_1404 : vector<256x1xf32> to vector<256x2048xf32>
      %eq3A_1406 = arith.cmpf oeq, %select_n3A_1401, %eq3A_1405 : vector<256x2048xf32>
      %broadcast_in_dim3A_1407 = vector.broadcast %cond3A_1226 : f32 to vector<256x2048xf32>
      %select_n3A_1408 = arith.select %eq3A_1406, %broadcast_in_dim3A_1407, %select_n3A_1394 : vector<256x2048xi1>, vector<256x2048xf32>
      %reduce_min3A_1409 = arith.constant dense<0x7F800000> : vector<256xf32>
      %reduce_min3A_1410 = vector.multi_reduction <minimumf>, %select_n3A_1408, %reduce_min3A_1409 [1] : vector<256x2048xf32> to vector<256xf32>
      %broadcast_in_dim3A_1411 = vector.shape_cast %reduce_min3A_1410 : vector<256xf32> to vector<256x1xf32>
      %eq3A_1412 = vector.broadcast %broadcast_in_dim3A_1411 : vector<256x1xf32> to vector<256x2048xf32>
      %eq3A_1413 = arith.cmpf oeq, %select_n3A_1408, %eq3A_1412 : vector<256x2048xf32>
      %broadcast_in_dim3A_1414 = vector.broadcast %cond3A_1225 : f32 to vector<256x2048xf32>
      %select_n3A_1415 = arith.select %eq3A_1413, %convert_element_type3A, %broadcast_in_dim3A_1414 : vector<256x2048xi1>, vector<256x2048xf32>
      %reduce_min3A_1416 = arith.constant dense<0x7F800000> : vector<256xf32>
      %reduce_min3A_1417 = vector.multi_reduction <minimumf>, %select_n3A_1415, %reduce_min3A_1416 [1] : vector<256x2048xf32> to vector<256xf32>
      %broadcast_in_dim3A_1418 = vector.shape_cast %reduce_min3A_1417 : vector<256xf32> to vector<256x1xf32>
      %eq3A_1419 = vector.broadcast %broadcast_in_dim3A_1418 : vector<256x1xf32> to vector<256x2048xf32>
      %eq3A_1420 = arith.cmpf oeq, %select_n3A_1415, %eq3A_1419 : vector<256x2048xf32>
      %broadcast_in_dim3A_1421 = vector.broadcast %cond3A_1226 : f32 to vector<256x2048xf32>
      %select_n3A_1422 = arith.select %eq3A_1420, %broadcast_in_dim3A_1421, %select_n3A_1408 : vector<256x2048xi1>, vector<256x2048xf32>
      %reduce_min3A_1423 = arith.constant dense<0x7F800000> : vector<256xf32>
      %reduce_min3A_1424 = vector.multi_reduction <minimumf>, %select_n3A_1422, %reduce_min3A_1423 [1] : vector<256x2048xf32> to vector<256xf32>
      %broadcast_in_dim3A_1425 = vector.shape_cast %reduce_min3A_1424 : vector<256xf32> to vector<256x1xf32>
      %eq3A_1426 = vector.broadcast %broadcast_in_dim3A_1425 : vector<256x1xf32> to vector<256x2048xf32>
      %eq3A_1427 = arith.cmpf oeq, %select_n3A_1422, %eq3A_1426 : vector<256x2048xf32>
      %broadcast_in_dim3A_1428 = vector.broadcast %cond3A_1225 : f32 to vector<256x2048xf32>
      %select_n3A_1429 = arith.select %eq3A_1427, %convert_element_type3A, %broadcast_in_dim3A_1428 : vector<256x2048xi1>, vector<256x2048xf32>
      %reduce_min3A_1430 = arith.constant dense<0x7F800000> : vector<256xf32>
      %reduce_min3A_1431 = vector.multi_reduction <minimumf>, %select_n3A_1429, %reduce_min3A_1430 [1] : vector<256x2048xf32> to vector<256xf32>
      %broadcast_in_dim3A_1432 = vector.shape_cast %reduce_min3A_1431 : vector<256xf32> to vector<256x1xf32>
      %eq3A_1433 = vector.broadcast %broadcast_in_dim3A_1432 : vector<256x1xf32> to vector<256x2048xf32>
      %eq3A_1434 = arith.cmpf oeq, %select_n3A_1429, %eq3A_1433 : vector<256x2048xf32>
      %broadcast_in_dim3A_1435 = vector.broadcast %cond3A_1226 : f32 to vector<256x2048xf32>
      %select_n3A_1436 = arith.select %eq3A_1434, %broadcast_in_dim3A_1435, %select_n3A_1422 : vector<256x2048xi1>, vector<256x2048xf32>
      %reduce_min3A_1437 = arith.constant dense<0x7F800000> : vector<256xf32>
      %reduce_min3A_1438 = vector.multi_reduction <minimumf>, %select_n3A_1436, %reduce_min3A_1437 [1] : vector<256x2048xf32> to vector<256xf32>
      %broadcast_in_dim3A_1439 = vector.shape_cast %reduce_min3A_1438 : vector<256xf32> to vector<256x1xf32>
      %eq3A_1440 = vector.broadcast %broadcast_in_dim3A_1439 : vector<256x1xf32> to vector<256x2048xf32>
      %eq3A_1441 = arith.cmpf oeq, %select_n3A_1436, %eq3A_1440 : vector<256x2048xf32>
      %broadcast_in_dim3A_1442 = vector.broadcast %cond3A_1225 : f32 to vector<256x2048xf32>
      %select_n3A_1443 = arith.select %eq3A_1441, %convert_element_type3A, %broadcast_in_dim3A_1442 : vector<256x2048xi1>, vector<256x2048xf32>
      %reduce_min3A_1444 = arith.constant dense<0x7F800000> : vector<256xf32>
      %reduce_min3A_1445 = vector.multi_reduction <minimumf>, %select_n3A_1443, %reduce_min3A_1444 [1] : vector<256x2048xf32> to vector<256xf32>
      %broadcast_in_dim3A_1446 = vector.shape_cast %reduce_min3A_1445 : vector<256xf32> to vector<256x1xf32>
      %eq3A_1447 = vector.broadcast %broadcast_in_dim3A_1446 : vector<256x1xf32> to vector<256x2048xf32>
      %eq3A_1448 = arith.cmpf oeq, %select_n3A_1443, %eq3A_1447 : vector<256x2048xf32>
      %broadcast_in_dim3A_1449 = vector.broadcast %cond3A_1226 : f32 to vector<256x2048xf32>
      %select_n3A_1450 = arith.select %eq3A_1448, %broadcast_in_dim3A_1449, %select_n3A_1436 : vector<256x2048xi1>, vector<256x2048xf32>
      %reduce_min3A_1451 = arith.constant dense<0x7F800000> : vector<256xf32>
      %reduce_min3A_1452 = vector.multi_reduction <minimumf>, %select_n3A_1450, %reduce_min3A_1451 [1] : vector<256x2048xf32> to vector<256xf32>
      %broadcast_in_dim3A_1453 = vector.shape_cast %reduce_min3A_1452 : vector<256xf32> to vector<256x1xf32>
      %eq3A_1454 = vector.broadcast %broadcast_in_dim3A_1453 : vector<256x1xf32> to vector<256x2048xf32>
      %eq3A_1455 = arith.cmpf oeq, %select_n3A_1450, %eq3A_1454 : vector<256x2048xf32>
      %broadcast_in_dim3A_1456 = vector.broadcast %cond3A_1225 : f32 to vector<256x2048xf32>
      %select_n3A_1457 = arith.select %eq3A_1455, %convert_element_type3A, %broadcast_in_dim3A_1456 : vector<256x2048xi1>, vector<256x2048xf32>
      %reduce_min3A_1458 = arith.constant dense<0x7F800000> : vector<256xf32>
      %reduce_min3A_1459 = vector.multi_reduction <minimumf>, %select_n3A_1457, %reduce_min3A_1458 [1] : vector<256x2048xf32> to vector<256xf32>
      %broadcast_in_dim3A_1460 = vector.shape_cast %reduce_min3A_1459 : vector<256xf32> to vector<256x1xf32>
      %eq3A_1461 = vector.broadcast %broadcast_in_dim3A_1460 : vector<256x1xf32> to vector<256x2048xf32>
      %eq3A_1462 = arith.cmpf oeq, %select_n3A_1457, %eq3A_1461 : vector<256x2048xf32>
      %broadcast_in_dim3A_1463 = vector.broadcast %cond3A_1226 : f32 to vector<256x2048xf32>
      %select_n3A_1464 = arith.select %eq3A_1462, %broadcast_in_dim3A_1463, %select_n3A_1450 : vector<256x2048xi1>, vector<256x2048xf32>
      %reduce_min3A_1465 = arith.constant dense<0x7F800000> : vector<256xf32>
      %reduce_min3A_1466 = vector.multi_reduction <minimumf>, %select_n3A_1464, %reduce_min3A_1465 [1] : vector<256x2048xf32> to vector<256xf32>
      %broadcast_in_dim3A_1467 = vector.shape_cast %reduce_min3A_1466 : vector<256xf32> to vector<256x1xf32>
      %eq3A_1468 = vector.broadcast %broadcast_in_dim3A_1467 : vector<256x1xf32> to vector<256x2048xf32>
      %eq3A_1469 = arith.cmpf oeq, %select_n3A_1464, %eq3A_1468 : vector<256x2048xf32>
      %broadcast_in_dim3A_1470 = vector.broadcast %cond3A_1225 : f32 to vector<256x2048xf32>
      %select_n3A_1471 = arith.select %eq3A_1469, %convert_element_type3A, %broadcast_in_dim3A_1470 : vector<256x2048xi1>, vector<256x2048xf32>
      %reduce_min3A_1472 = arith.constant dense<0x7F800000> : vector<256xf32>
      %reduce_min3A_1473 = vector.multi_reduction <minimumf>, %select_n3A_1471, %reduce_min3A_1472 [1] : vector<256x2048xf32> to vector<256xf32>
      %broadcast_in_dim3A_1474 = vector.shape_cast %reduce_min3A_1473 : vector<256xf32> to vector<256x1xf32>
      %concatenate3A_1475 = tpu.concatenate %broadcast_in_dim3A_1264, %broadcast_in_dim3A_1278, %broadcast_in_dim3A_1292, %broadcast_in_dim3A_1306, %broadcast_in_dim3A_1320, %broadcast_in_dim3A_1334, %broadcast_in_dim3A_1348, %broadcast_in_dim3A_1362, %broadcast_in_dim3A_1376, %broadcast_in_dim3A_1390, %broadcast_in_dim3A_1404, %broadcast_in_dim3A_1418, %broadcast_in_dim3A_1432, %broadcast_in_dim3A_1446, %broadcast_in_dim3A_1460, %broadcast_in_dim3A_1474 in 1 : vector<256x1xf32>, vector<256x1xf32>, vector<256x1xf32>, vector<256x1xf32>, vector<256x1xf32>, vector<256x1xf32>, vector<256x1xf32>, vector<256x1xf32>, vector<256x1xf32>, vector<256x1xf32>, vector<256x1xf32>, vector<256x1xf32>, vector<256x1xf32>, vector<256x1xf32>, vector<256x1xf32>, vector<256x1xf32> -> vector<256x16xf32>
      %convert_element_type3A_1476 = arith.fptosi %concatenate3A_1475 : vector<256x16xf32> to vector<256x16xi32>
      %mul3A_1477 = arith.constant 2048 : i32
      %mul3A_1478 = arith.muli %arg0, %mul3A_1477 : i32
      %add3A_1479 = vector.broadcast %mul3A_1478 : i32 to vector<256x16xi32>
      %add3A_1480 = arith.addi %convert_element_type3A_1476, %add3A_1479 : vector<256x16xi32>
      %swap3A_1481 = arith.constant 0 : index
      %swap3A_1482 = arith.constant 0 : index
      %swap3A_1483 = arith.constant 0 : index
      %swap3A_1484 = vector.load %arg9[%swap3A_1481, %swap3A_1482, %swap3A_1483] : memref<1x256x16xi32, #tpu.memory_space<vmem>>, vector<1x256x16xi32>
      %swap3A_1485 = vector.shape_cast %swap3A_1484 : vector<1x256x16xi32> to vector<256x16xi32>
      %swap3A_1486 = vector.shape_cast %add3A_1480 : vector<256x16xi32> to vector<1x256x16xi32>
      tpu.vector_store %arg9[%swap3A_1481, %swap3A_1482, %swap3A_1483], %swap3A_1486 {strides = array<i32>} : memref<1x256x16xi32, #tpu.memory_space<vmem>>, vector<1x256x16xi32>,
    } else {
    }
    %get3A_1229 = arith.constant 0 : index
    %get3A_1230 = arith.constant 0 : index
    %get3A_1231 = arith.constant 0 : index
    %get3A_1232 = vector.load %arg4[%get3A_1229, %get3A_1230, %get3A_1231] : memref<1x256x64xf32, #tpu.memory_space<vmem>>, vector<1x256x64xf32>
    %get3A_1233 = vector.shape_cast %get3A_1232 : vector<1x256x64xf32> to vector<256x64xf32>
    %get3A_1234 = arith.constant 0 : index
    %get3A_1235 = arith.constant 0 : index
    %get3A_1236 = vector.load %arg5[%get3A_1234, %get3A_1235] : memref<64x64xf32, #tpu.memory_space<vmem>>, vector<64x64xf32>
    %dot_general3A_1237 = arith.constant dense<0.000000e+00> : vector<256x64xf32>
    %dot_general3A_1238 = tpu.matmul %get3A_1233, %get3A_1236, %dot_general3A_1237 {dimension_numbers = #tpu.dot_dimension_numbers<[1], [0], [0], [1], [0, 0, 1, 1], [], []>, transpose_lhs_hint = false} : vector<256x64xf32>, vector<64x64xf32>, vector<256x64xf32> -> vector<256x64xf32>
    %get3A_1239 = arith.constant 0 : index
    %get3A_1240 = arith.constant 0 : index
    %get3A_1241 = vector.load %arg6[%get3A_1239, %get3A_1240] : memref<1x64xf32, #tpu.memory_space<vmem>>, vector<1x64xf32>
    %add3A_1242 = vector.broadcast %get3A_1241 : vector<1x64xf32> to vector<256x64xf32>
    %add3A_1243 = arith.addf %dot_general3A_1238, %add3A_1242 : vector<256x64xf32>
    %get3A_1244 = arith.constant 0 : index
    %get3A_1245 = arith.constant 0 : index
    %get3A_1246 = vector.load %arg7[%get3A_1244, %get3A_1245] : memref<16x64xf32, #tpu.memory_space<vmem>>, vector<16x64xf32>
    %dot_general3A_1247 = arith.constant dense<0.000000e+00> : vector<256x64xf32>
    %dot_general3A_1248 = tpu.matmul %get3A_3, %get3A_1246, %dot_general3A_1247 {dimension_numbers = #tpu.dot_dimension_numbers<[1], [0], [0], [1], [0, 0, 1, 1], [], []>, transpose_lhs_hint = false} : vector<256x16xf32>, vector<16x64xf32>, vector<256x64xf32> -> vector<256x64xf32>
    %concatenate3A_1249 = tpu.concatenate %add3A_1243, %dot_general3A_1248 in 1 : vector<256x64xf32>, vector<256x64xf32> -> vector<256x128xf32>
    %swap3A = arith.constant 0 : index
    %swap3A_1250 = arith.constant 0 : index
    %swap3A_1251 = arith.constant 0 : index
    %swap3A_1252 = vector.load %arg8[%swap3A, %swap3A_1250, %swap3A_1251] : memref<1x256x128xf32, #tpu.memory_space<vmem>>, vector<1x256x128xf32>
    %swap3A_1253 = vector.shape_cast %swap3A_1252 : vector<1x256x128xf32> to vector<256x128xf32>
    %swap3A_1254 = vector.shape_cast %concatenate3A_1249 : vector<256x128xf32> to vector<1x256x128xf32>
    tpu.vector_store %arg8[%swap3A, %swap3A_1250, %swap3A_1251], %swap3A_1254 {strides = array<i32>} : memref<1x256x128xf32, #tpu.memory_space<vmem>>, vector<1x256x128xf32>,
    return
  }
  func.func @transform_0(%arg0: i32, %arg1: i32) -> (i32, i32, i32) {
    %c0_i32 = arith.constant 0 : i32
    %c0_i32_0 = arith.constant 0 : i32
    return %arg0, %arg1, %c0_i32 : i32, i32, i32
  }
  func.func @transform_1(%arg0: i32, %arg1: i32) -> (i32, i32, i32) {
    %c0_i32 = arith.constant 0 : i32
    %c0_i32_0 = arith.constant 0 : i32
    %c0_i32_1 = arith.constant 0 : i32
    return %arg0, %c0_i32, %c0_i32_0 : i32, i32, i32
  }
  func.func @transform_2(%arg0: i32, %arg1: i32) -> (i32, i32, i32) {
    %c0_i32 = arith.constant 0 : i32
    %c0_i32_0 = arith.constant 0 : i32
    return %arg0, %arg1, %c0_i32 : i32, i32, i32
  }
  func.func @transform_3(%arg0: i32, %arg1: i32) -> (i32, i32) {
    %c0_i32 = arith.constant 0 : i32
    %c0_i32_0 = arith.constant 0 : i32
    %c0_i32_1 = arith.constant 0 : i32
    return %c0_i32, %c0_i32_0 : i32, i32
  }
  func.func @transform_4(%arg0: i32, %arg1: i32) -> (i32, i32) {
    %c0_i32 = arith.constant 0 : i32
    %c0_i32_0 = arith.constant 0 : i32
    %c0_i32_1 = arith.constant 0 : i32
    return %c0_i32, %c0_i32_0 : i32, i32
  }
  func.func @transform_5(%arg0: i32, %arg1: i32) -> (i32, i32) {
    %c0_i32 = arith.constant 0 : i32
    %c0_i32_0 = arith.constant 0 : i32
    %c0_i32_1 = arith.constant 0 : i32
    return %c0_i32, %c0_i32_0 : i32, i32
  }
  func.func @transform_6(%arg0: i32, %arg1: i32) -> (i32, i32, i32) {
    %c0_i32 = arith.constant 0 : i32
    %c0_i32_0 = arith.constant 0 : i32
    return %arg0, %arg1, %c0_i32 : i32, i32, i32
  }
  func.func @transform_7(%arg0: i32, %arg1: i32) -> (i32, i32, i32) {
    %c0_i32 = arith.constant 0 : i32
    %c0_i32_0 = arith.constant 0 : i32
    return %arg0, %arg1, %c0_i32 : i32, i32, i32
  }
}

module attributes {stable_mosaic.version = 14 : i64} {
  func.func @_attn_body(%arg0: i32, %arg1: i32, %arg2: memref<256x128xf32, #tpu.memory_space<vmem>>, %arg3: memref<4096x128xf32, #tpu.memory_space<vmem>>, %arg4: memref<1x256x64xf32, #tpu.memory_space<vmem>>, %arg5: memref<64x64xf32, #tpu.memory_space<vmem>>, %arg6: memref<1x64xf32, #tpu.memory_space<vmem>>, %arg7: memref<64x128xf32, #tpu.memory_space<vmem>>, %arg8: memref<64x64xf32, #tpu.memory_space<vmem>>, %arg9: memref<1x64xf32, #tpu.memory_space<vmem>>, %arg10: memref<64x64xf32, #tpu.memory_space<vmem>>, %arg11: memref<1x64xf32, #tpu.memory_space<vmem>>, %arg12: memref<64x64xf32, #tpu.memory_space<vmem>>, %arg13: memref<1x64xf32, #tpu.memory_space<vmem>>, %arg14: memref<64x64xf32, #tpu.memory_space<vmem>>, %arg15: memref<1x64xf32, #tpu.memory_space<vmem>>, %arg16: memref<1x256x64xf32, #tpu.memory_space<vmem>>, %arg17: memref<1x16x64x256xf32, #tpu.memory_space<vmem>>) attributes {dimension_semantics = [#tpu.dimension_semantics<arbitrary>, #tpu.dimension_semantics<arbitrary>], iteration_bounds = array<i64: 4, 8>, scalar_prefetch = 0 : i64, scratch_operands = 0 : i64, tpu.core_type = #tpu.core_type<tc>, window_params = [{transform_indices = @transform_0, window_bounds = array<i64: 256, 128>}, {transform_indices = @transform_1, window_bounds = array<i64: 4096, 128>}, {transform_indices = @transform_2, window_bounds = array<i64: 1, 256, 64>}, {pipeline_mode = #tpu.pipeline_mode<synchronous>, transform_indices = @transform_3, window_bounds = array<i64: 64, 64>}, {pipeline_mode = #tpu.pipeline_mode<synchronous>, transform_indices = @transform_4, window_bounds = array<i64: 1, 64>}, {pipeline_mode = #tpu.pipeline_mode<synchronous>, transform_indices = @transform_5, window_bounds = array<i64: 64, 128>}, {pipeline_mode = #tpu.pipeline_mode<synchronous>, transform_indices = @transform_6, window_bounds = array<i64: 64, 64>}, {pipeline_mode = #tpu.pipeline_mode<synchronous>, transform_indices = @transform_7, window_bounds = array<i64: 1, 64>}, {pipeline_mode = #tpu.pipeline_mode<synchronous>, transform_indices = @transform_8, window_bounds = array<i64: 64, 64>}, {pipeline_mode = #tpu.pipeline_mode<synchronous>, transform_indices = @transform_9, window_bounds = array<i64: 1, 64>}, {pipeline_mode = #tpu.pipeline_mode<synchronous>, transform_indices = @transform_10, window_bounds = array<i64: 64, 64>}, {pipeline_mode = #tpu.pipeline_mode<synchronous>, transform_indices = @transform_11, window_bounds = array<i64: 1, 64>}, {pipeline_mode = #tpu.pipeline_mode<synchronous>, transform_indices = @transform_12, window_bounds = array<i64: 64, 64>}, {pipeline_mode = #tpu.pipeline_mode<synchronous>, transform_indices = @transform_13, window_bounds = array<i64: 1, 64>}, {transform_indices = @transform_14, window_bounds = array<i64: 1, 256, 64>}, {transform_indices = @transform_15, window_bounds = array<i64: 1, 16, 64, 256>}]} {
    %get3A = arith.constant 0 : index
    %get3A_0 = arith.constant 0 : index
    %get3A_1 = vector.load %arg3[%get3A, %get3A_0] : memref<4096x128xf32, #tpu.memory_space<vmem>>, vector<4096x128xf32>
    %slice3A = vector.extract_strided_slice %get3A_1 {offsets = [0, 0], sizes = [4096, 64], strides = [1, 1]} : vector<4096x128xf32> to vector<4096x64xf32>
    %slice3A_2 = vector.extract_strided_slice %get3A_1 {offsets = [0, 64], sizes = [4096, 64], strides = [1, 1]} : vector<4096x128xf32> to vector<4096x64xf32>
    %get3A_3 = arith.constant 0 : index
    %get3A_4 = arith.constant 0 : index
    %get3A_5 = vector.load %arg2[%get3A_3, %get3A_4] : memref<256x128xf32, #tpu.memory_space<vmem>>, vector<256x128xf32>
    %slice3A_6 = vector.extract_strided_slice %get3A_5 {offsets = [0, 0], sizes = [256, 64], strides = [1, 1]} : vector<256x128xf32> to vector<256x64xf32>
    %get3A_7 = arith.constant 0 : index
    %get3A_8 = arith.constant 0 : index
    %get3A_9 = vector.load %arg5[%get3A_7, %get3A_8] : memref<64x64xf32, #tpu.memory_space<vmem>>, vector<64x64xf32>
    %dot_general3A = arith.constant dense<0.000000e+00> : vector<256x64xf32>
    %dot_general3A_10 = tpu.matmul %slice3A_6, %get3A_9, %dot_general3A {dimension_numbers = #tpu.dot_dimension_numbers<[1], [0], [0], [1], [0, 0, 1, 1], [], []>, transpose_lhs_hint = false} : vector<256x64xf32>, vector<64x64xf32>, vector<256x64xf32> -> vector<256x64xf32>
    %slice3A_11 = vector.extract_strided_slice %get3A_5 {offsets = [0, 64], sizes = [256, 64], strides = [1, 1]} : vector<256x128xf32> to vector<256x64xf32>
    %get3A_12 = arith.constant 0 : index
    %get3A_13 = arith.constant 0 : index
    %get3A_14 = vector.load %arg6[%get3A_12, %get3A_13] : memref<1x64xf32, #tpu.memory_space<vmem>>, vector<1x64xf32>
    %add3A = vector.broadcast %get3A_14 : vector<1x64xf32> to vector<256x64xf32>
    %add3A_15 = arith.addf %slice3A_11, %add3A : vector<256x64xf32>
    %reshape3A = vector.shape_cast %add3A_15 : vector<256x64xf32> to vector<256x1x64xf32>
    %reshape3A_16 = vector.shape_cast %slice3A_2 : vector<4096x64xf32> to vector<256x16x64xf32>
    %sub3A = vector.broadcast %reshape3A : vector<256x1x64xf32> to vector<256x16x64xf32>
    %sub3A_17 = arith.subf %sub3A, %reshape3A_16 : vector<256x16x64xf32>
    %reshape3A_18 = vector.shape_cast %sub3A_17 : vector<256x16x64xf32> to vector<4096x64xf32>
    %max3A = arith.constant 0.000000e+00 : f32
    %max3A_19 = vector.broadcast %max3A : f32 to vector<4096x64xf32>
    %max3A_20 = arith.maximumf %reshape3A_18, %max3A_19 : vector<4096x64xf32>
    %get3A_21 = arith.constant 0 : index
    %get3A_22 = arith.constant 0 : index
    %get3A_23 = vector.load %arg8[%get3A_21, %get3A_22] : memref<64x64xf32, #tpu.memory_space<vmem>>, vector<64x64xf32>
    %dot_general3A_24 = arith.constant dense<0.000000e+00> : vector<4096x64xf32>
    %dot_general3A_25 = tpu.matmul %max3A_20, %get3A_23, %dot_general3A_24 {dimension_numbers = #tpu.dot_dimension_numbers<[1], [0], [0], [1], [0, 0, 1, 1], [], []>, transpose_lhs_hint = false} : vector<4096x64xf32>, vector<64x64xf32>, vector<4096x64xf32> -> vector<4096x64xf32>
    %get3A_26 = arith.constant 0 : index
    %get3A_27 = arith.constant 0 : index
    %get3A_28 = vector.load %arg9[%get3A_26, %get3A_27] : memref<1x64xf32, #tpu.memory_space<vmem>>, vector<1x64xf32>
    %add3A_29 = vector.broadcast %get3A_28 : vector<1x64xf32> to vector<4096x64xf32>
    %add3A_30 = arith.addf %dot_general3A_25, %add3A_29 : vector<4096x64xf32>
    %get3A_31 = arith.constant 0 : index
    %get3A_32 = arith.constant 0 : index
    %get3A_33 = vector.load %arg7[%get3A_31, %get3A_32] : memref<64x128xf32, #tpu.memory_space<vmem>>, vector<64x128xf32>
    %dot_general3A_34 = arith.constant dense<0.000000e+00> : vector<4096x128xf32>
    %dot_general3A_35 = tpu.matmul %slice3A, %get3A_33, %dot_general3A_34 {dimension_numbers = #tpu.dot_dimension_numbers<[1], [0], [0], [1], [0, 0, 1, 1], [], []>, transpose_lhs_hint = false} : vector<4096x64xf32>, vector<64x128xf32>, vector<4096x128xf32> -> vector<4096x128xf32>
    %slice3A_36 = vector.extract_strided_slice %dot_general3A_35 {offsets = [0, 0], sizes = [4096, 64], strides = [1, 1]} : vector<4096x128xf32> to vector<4096x64xf32>
    %slice3A_37 = vector.extract_strided_slice %dot_general3A_35 {offsets = [0, 64], sizes = [4096, 64], strides = [1, 1]} : vector<4096x128xf32> to vector<4096x64xf32>
    %reshape3A_38 = vector.shape_cast %dot_general3A_10 : vector<256x64xf32> to vector<256x1x64xf32>
    %reshape3A_39 = vector.shape_cast %slice3A_36 : vector<4096x64xf32> to vector<256x16x64xf32>
    %sub3A_40 = vector.broadcast %reshape3A_38 : vector<256x1x64xf32> to vector<256x16x64xf32>
    %sub3A_41 = arith.subf %sub3A_40, %reshape3A_39 : vector<256x16x64xf32>
    %reshape3A_42 = vector.shape_cast %add3A_30 : vector<4096x64xf32> to vector<256x16x64xf32>
    %add3A_43 = arith.addf %sub3A_41, %reshape3A_42 : vector<256x16x64xf32>
    %reshape3A_44 = vector.shape_cast %add3A_43 : vector<256x16x64xf32> to vector<4096x64xf32>
    %get3A_45 = arith.constant 0 : index
    %get3A_46 = arith.constant 0 : index
    %get3A_47 = vector.load %arg10[%get3A_45, %get3A_46] : memref<64x64xf32, #tpu.memory_space<vmem>>, vector<64x64xf32>
    %dot_general3A_48 = arith.constant dense<0.000000e+00> : vector<4096x64xf32>
    %dot_general3A_49 = tpu.matmul %reshape3A_44, %get3A_47, %dot_general3A_48 {dimension_numbers = #tpu.dot_dimension_numbers<[1], [0], [0], [1], [0, 0, 1, 1], [], []>, transpose_lhs_hint = false} : vector<4096x64xf32>, vector<64x64xf32>, vector<4096x64xf32> -> vector<4096x64xf32>
    %get3A_50 = arith.constant 0 : index
    %get3A_51 = arith.constant 0 : index
    %get3A_52 = vector.load %arg11[%get3A_50, %get3A_51] : memref<1x64xf32, #tpu.memory_space<vmem>>, vector<1x64xf32>
    %add3A_53 = vector.broadcast %get3A_52 : vector<1x64xf32> to vector<4096x64xf32>
    %add3A_54 = arith.addf %dot_general3A_49, %add3A_53 : vector<4096x64xf32>
    %max3A_55 = arith.constant 0.000000e+00 : f32
    %max3A_56 = vector.broadcast %max3A_55 : f32 to vector<4096x64xf32>
    %max3A_57 = arith.maximumf %add3A_54, %max3A_56 : vector<4096x64xf32>
    %get3A_58 = arith.constant 0 : index
    %get3A_59 = arith.constant 0 : index
    %get3A_60 = vector.load %arg12[%get3A_58, %get3A_59] : memref<64x64xf32, #tpu.memory_space<vmem>>, vector<64x64xf32>
    %dot_general3A_61 = arith.constant dense<0.000000e+00> : vector<4096x64xf32>
    %dot_general3A_62 = tpu.matmul %max3A_57, %get3A_60, %dot_general3A_61 {dimension_numbers = #tpu.dot_dimension_numbers<[1], [0], [0], [1], [0, 0, 1, 1], [], []>, transpose_lhs_hint = false} : vector<4096x64xf32>, vector<64x64xf32>, vector<4096x64xf32> -> vector<4096x64xf32>
    %get3A_63 = arith.constant 0 : index
    %get3A_64 = arith.constant 0 : index
    %get3A_65 = vector.load %arg13[%get3A_63, %get3A_64] : memref<1x64xf32, #tpu.memory_space<vmem>>, vector<1x64xf32>
    %add3A_66 = vector.broadcast %get3A_65 : vector<1x64xf32> to vector<4096x64xf32>
    %add3A_67 = arith.addf %dot_general3A_62, %add3A_66 : vector<4096x64xf32>
    %reshape3A_68 = vector.shape_cast %add3A_67 : vector<4096x64xf32> to vector<256x16x64xf32>
    %mul3A = arith.constant 1.250000e-01 : f32
    %mul3A_69 = vector.broadcast %mul3A : f32 to vector<256x16x64xf32>
    %mul3A_70 = arith.mulf %reshape3A_68, %mul3A_69 : vector<256x16x64xf32>
    %reduce_max3A = arith.constant dense<0xFF800000> : vector<256x64xf32>
    %reduce_max3A_71 = vector.multi_reduction <maximumf>, %mul3A_70, %reduce_max3A [1] : vector<256x16x64xf32> to vector<256x64xf32>
    %broadcast_in_dim3A = vector.shape_cast %reduce_max3A_71 : vector<256x64xf32> to vector<256x1x64xf32>
    %sub3A_72 = vector.broadcast %broadcast_in_dim3A : vector<256x1x64xf32> to vector<256x16x64xf32>
    %sub3A_73 = arith.subf %mul3A_70, %sub3A_72 : vector<256x16x64xf32>
    %exp3A = math.exp %sub3A_73 : vector<256x16x64xf32>
    %reduce_sum3A = arith.constant dense<0.000000e+00> : vector<256x64xf32>
    %reduce_sum3A_74 = vector.multi_reduction <add>, %exp3A, %reduce_sum3A [1] : vector<256x16x64xf32> to vector<256x64xf32>
    %broadcast_in_dim3A_75 = vector.shape_cast %reduce_sum3A_74 : vector<256x64xf32> to vector<256x1x64xf32>
    %div3A = vector.broadcast %broadcast_in_dim3A_75 : vector<256x1x64xf32> to vector<256x16x64xf32>
    %div3A_76 = arith.divf %exp3A, %div3A : vector<256x16x64xf32>
    %slice3A_77 = vector.extract_strided_slice %div3A_76 {offsets = [0, 0, 0], sizes = [256, 1, 64], strides = [1, 1, 1]} : vector<256x16x64xf32> to vector<256x1x64xf32>
    %squeeze3A = vector.shape_cast %slice3A_77 : vector<256x1x64xf32> to vector<256x64xf32>
    %transpose3A = tpu.transpose %squeeze3A, [1, 0] : vector<256x64xf32> -> vector<64x256xf32>
    %swap3A = arith.constant 0 : index
    %swap3A_78 = arith.constant 0 : index
    %swap3A_79 = arith.constant 0 : index
    %swap3A_80 = arith.constant 0 : index
    %swap3A_81 = vector.load %arg17[%swap3A, %swap3A_78, %swap3A_79, %swap3A_80] : memref<1x16x64x256xf32, #tpu.memory_space<vmem>>, vector<1x1x64x256xf32>
    %swap3A_82 = vector.shape_cast %swap3A_81 : vector<1x1x64x256xf32> to vector<64x256xf32>
    %swap3A_83 = vector.shape_cast %transpose3A : vector<64x256xf32> to vector<1x1x64x256xf32>
    tpu.vector_store %arg17[%swap3A, %swap3A_78, %swap3A_79, %swap3A_80], %swap3A_83 {strides = array<i32>} : memref<1x16x64x256xf32, #tpu.memory_space<vmem>>, vector<1x1x64x256xf32>,
    %slice3A_84 = vector.extract_strided_slice %div3A_76 {offsets = [0, 1, 0], sizes = [256, 1, 64], strides = [1, 1, 1]} : vector<256x16x64xf32> to vector<256x1x64xf32>
    %squeeze3A_85 = vector.shape_cast %slice3A_84 : vector<256x1x64xf32> to vector<256x64xf32>
    %transpose3A_86 = tpu.transpose %squeeze3A_85, [1, 0] : vector<256x64xf32> -> vector<64x256xf32>
    %swap3A_87 = arith.constant 0 : index
    %swap3A_88 = arith.constant 1 : index
    %swap3A_89 = arith.constant 0 : index
    %swap3A_90 = arith.constant 0 : index
    %swap3A_91 = vector.load %arg17[%swap3A_87, %swap3A_88, %swap3A_89, %swap3A_90] : memref<1x16x64x256xf32, #tpu.memory_space<vmem>>, vector<1x1x64x256xf32>
    %swap3A_92 = vector.shape_cast %swap3A_91 : vector<1x1x64x256xf32> to vector<64x256xf32>
    %swap3A_93 = vector.shape_cast %transpose3A_86 : vector<64x256xf32> to vector<1x1x64x256xf32>
    tpu.vector_store %arg17[%swap3A_87, %swap3A_88, %swap3A_89, %swap3A_90], %swap3A_93 {strides = array<i32>} : memref<1x16x64x256xf32, #tpu.memory_space<vmem>>, vector<1x1x64x256xf32>,
    %slice3A_94 = vector.extract_strided_slice %div3A_76 {offsets = [0, 2, 0], sizes = [256, 1, 64], strides = [1, 1, 1]} : vector<256x16x64xf32> to vector<256x1x64xf32>
    %squeeze3A_95 = vector.shape_cast %slice3A_94 : vector<256x1x64xf32> to vector<256x64xf32>
    %transpose3A_96 = tpu.transpose %squeeze3A_95, [1, 0] : vector<256x64xf32> -> vector<64x256xf32>
    %swap3A_97 = arith.constant 0 : index
    %swap3A_98 = arith.constant 2 : index
    %swap3A_99 = arith.constant 0 : index
    %swap3A_100 = arith.constant 0 : index
    %swap3A_101 = vector.load %arg17[%swap3A_97, %swap3A_98, %swap3A_99, %swap3A_100] : memref<1x16x64x256xf32, #tpu.memory_space<vmem>>, vector<1x1x64x256xf32>
    %swap3A_102 = vector.shape_cast %swap3A_101 : vector<1x1x64x256xf32> to vector<64x256xf32>
    %swap3A_103 = vector.shape_cast %transpose3A_96 : vector<64x256xf32> to vector<1x1x64x256xf32>
    tpu.vector_store %arg17[%swap3A_97, %swap3A_98, %swap3A_99, %swap3A_100], %swap3A_103 {strides = array<i32>} : memref<1x16x64x256xf32, #tpu.memory_space<vmem>>, vector<1x1x64x256xf32>,
    %slice3A_104 = vector.extract_strided_slice %div3A_76 {offsets = [0, 3, 0], sizes = [256, 1, 64], strides = [1, 1, 1]} : vector<256x16x64xf32> to vector<256x1x64xf32>
    %squeeze3A_105 = vector.shape_cast %slice3A_104 : vector<256x1x64xf32> to vector<256x64xf32>
    %transpose3A_106 = tpu.transpose %squeeze3A_105, [1, 0] : vector<256x64xf32> -> vector<64x256xf32>
    %swap3A_107 = arith.constant 0 : index
    %swap3A_108 = arith.constant 3 : index
    %swap3A_109 = arith.constant 0 : index
    %swap3A_110 = arith.constant 0 : index
    %swap3A_111 = vector.load %arg17[%swap3A_107, %swap3A_108, %swap3A_109, %swap3A_110] : memref<1x16x64x256xf32, #tpu.memory_space<vmem>>, vector<1x1x64x256xf32>
    %swap3A_112 = vector.shape_cast %swap3A_111 : vector<1x1x64x256xf32> to vector<64x256xf32>
    %swap3A_113 = vector.shape_cast %transpose3A_106 : vector<64x256xf32> to vector<1x1x64x256xf32>
    tpu.vector_store %arg17[%swap3A_107, %swap3A_108, %swap3A_109, %swap3A_110], %swap3A_113 {strides = array<i32>} : memref<1x16x64x256xf32, #tpu.memory_space<vmem>>, vector<1x1x64x256xf32>,
    %slice3A_114 = vector.extract_strided_slice %div3A_76 {offsets = [0, 4, 0], sizes = [256, 1, 64], strides = [1, 1, 1]} : vector<256x16x64xf32> to vector<256x1x64xf32>
    %squeeze3A_115 = vector.shape_cast %slice3A_114 : vector<256x1x64xf32> to vector<256x64xf32>
    %transpose3A_116 = tpu.transpose %squeeze3A_115, [1, 0] : vector<256x64xf32> -> vector<64x256xf32>
    %swap3A_117 = arith.constant 0 : index
    %swap3A_118 = arith.constant 4 : index
    %swap3A_119 = arith.constant 0 : index
    %swap3A_120 = arith.constant 0 : index
    %swap3A_121 = vector.load %arg17[%swap3A_117, %swap3A_118, %swap3A_119, %swap3A_120] : memref<1x16x64x256xf32, #tpu.memory_space<vmem>>, vector<1x1x64x256xf32>
    %swap3A_122 = vector.shape_cast %swap3A_121 : vector<1x1x64x256xf32> to vector<64x256xf32>
    %swap3A_123 = vector.shape_cast %transpose3A_116 : vector<64x256xf32> to vector<1x1x64x256xf32>
    tpu.vector_store %arg17[%swap3A_117, %swap3A_118, %swap3A_119, %swap3A_120], %swap3A_123 {strides = array<i32>} : memref<1x16x64x256xf32, #tpu.memory_space<vmem>>, vector<1x1x64x256xf32>,
    %slice3A_124 = vector.extract_strided_slice %div3A_76 {offsets = [0, 5, 0], sizes = [256, 1, 64], strides = [1, 1, 1]} : vector<256x16x64xf32> to vector<256x1x64xf32>
    %squeeze3A_125 = vector.shape_cast %slice3A_124 : vector<256x1x64xf32> to vector<256x64xf32>
    %transpose3A_126 = tpu.transpose %squeeze3A_125, [1, 0] : vector<256x64xf32> -> vector<64x256xf32>
    %swap3A_127 = arith.constant 0 : index
    %swap3A_128 = arith.constant 5 : index
    %swap3A_129 = arith.constant 0 : index
    %swap3A_130 = arith.constant 0 : index
    %swap3A_131 = vector.load %arg17[%swap3A_127, %swap3A_128, %swap3A_129, %swap3A_130] : memref<1x16x64x256xf32, #tpu.memory_space<vmem>>, vector<1x1x64x256xf32>
    %swap3A_132 = vector.shape_cast %swap3A_131 : vector<1x1x64x256xf32> to vector<64x256xf32>
    %swap3A_133 = vector.shape_cast %transpose3A_126 : vector<64x256xf32> to vector<1x1x64x256xf32>
    tpu.vector_store %arg17[%swap3A_127, %swap3A_128, %swap3A_129, %swap3A_130], %swap3A_133 {strides = array<i32>} : memref<1x16x64x256xf32, #tpu.memory_space<vmem>>, vector<1x1x64x256xf32>,
    %slice3A_134 = vector.extract_strided_slice %div3A_76 {offsets = [0, 6, 0], sizes = [256, 1, 64], strides = [1, 1, 1]} : vector<256x16x64xf32> to vector<256x1x64xf32>
    %squeeze3A_135 = vector.shape_cast %slice3A_134 : vector<256x1x64xf32> to vector<256x64xf32>
    %transpose3A_136 = tpu.transpose %squeeze3A_135, [1, 0] : vector<256x64xf32> -> vector<64x256xf32>
    %swap3A_137 = arith.constant 0 : index
    %swap3A_138 = arith.constant 6 : index
    %swap3A_139 = arith.constant 0 : index
    %swap3A_140 = arith.constant 0 : index
    %swap3A_141 = vector.load %arg17[%swap3A_137, %swap3A_138, %swap3A_139, %swap3A_140] : memref<1x16x64x256xf32, #tpu.memory_space<vmem>>, vector<1x1x64x256xf32>
    %swap3A_142 = vector.shape_cast %swap3A_141 : vector<1x1x64x256xf32> to vector<64x256xf32>
    %swap3A_143 = vector.shape_cast %transpose3A_136 : vector<64x256xf32> to vector<1x1x64x256xf32>
    tpu.vector_store %arg17[%swap3A_137, %swap3A_138, %swap3A_139, %swap3A_140], %swap3A_143 {strides = array<i32>} : memref<1x16x64x256xf32, #tpu.memory_space<vmem>>, vector<1x1x64x256xf32>,
    %slice3A_144 = vector.extract_strided_slice %div3A_76 {offsets = [0, 7, 0], sizes = [256, 1, 64], strides = [1, 1, 1]} : vector<256x16x64xf32> to vector<256x1x64xf32>
    %squeeze3A_145 = vector.shape_cast %slice3A_144 : vector<256x1x64xf32> to vector<256x64xf32>
    %transpose3A_146 = tpu.transpose %squeeze3A_145, [1, 0] : vector<256x64xf32> -> vector<64x256xf32>
    %swap3A_147 = arith.constant 0 : index
    %swap3A_148 = arith.constant 7 : index
    %swap3A_149 = arith.constant 0 : index
    %swap3A_150 = arith.constant 0 : index
    %swap3A_151 = vector.load %arg17[%swap3A_147, %swap3A_148, %swap3A_149, %swap3A_150] : memref<1x16x64x256xf32, #tpu.memory_space<vmem>>, vector<1x1x64x256xf32>
    %swap3A_152 = vector.shape_cast %swap3A_151 : vector<1x1x64x256xf32> to vector<64x256xf32>
    %swap3A_153 = vector.shape_cast %transpose3A_146 : vector<64x256xf32> to vector<1x1x64x256xf32>
    tpu.vector_store %arg17[%swap3A_147, %swap3A_148, %swap3A_149, %swap3A_150], %swap3A_153 {strides = array<i32>} : memref<1x16x64x256xf32, #tpu.memory_space<vmem>>, vector<1x1x64x256xf32>,
    %slice3A_154 = vector.extract_strided_slice %div3A_76 {offsets = [0, 8, 0], sizes = [256, 1, 64], strides = [1, 1, 1]} : vector<256x16x64xf32> to vector<256x1x64xf32>
    %squeeze3A_155 = vector.shape_cast %slice3A_154 : vector<256x1x64xf32> to vector<256x64xf32>
    %transpose3A_156 = tpu.transpose %squeeze3A_155, [1, 0] : vector<256x64xf32> -> vector<64x256xf32>
    %swap3A_157 = arith.constant 0 : index
    %swap3A_158 = arith.constant 8 : index
    %swap3A_159 = arith.constant 0 : index
    %swap3A_160 = arith.constant 0 : index
    %swap3A_161 = vector.load %arg17[%swap3A_157, %swap3A_158, %swap3A_159, %swap3A_160] : memref<1x16x64x256xf32, #tpu.memory_space<vmem>>, vector<1x1x64x256xf32>
    %swap3A_162 = vector.shape_cast %swap3A_161 : vector<1x1x64x256xf32> to vector<64x256xf32>
    %swap3A_163 = vector.shape_cast %transpose3A_156 : vector<64x256xf32> to vector<1x1x64x256xf32>
    tpu.vector_store %arg17[%swap3A_157, %swap3A_158, %swap3A_159, %swap3A_160], %swap3A_163 {strides = array<i32>} : memref<1x16x64x256xf32, #tpu.memory_space<vmem>>, vector<1x1x64x256xf32>,
    %slice3A_164 = vector.extract_strided_slice %div3A_76 {offsets = [0, 9, 0], sizes = [256, 1, 64], strides = [1, 1, 1]} : vector<256x16x64xf32> to vector<256x1x64xf32>
    %squeeze3A_165 = vector.shape_cast %slice3A_164 : vector<256x1x64xf32> to vector<256x64xf32>
    %transpose3A_166 = tpu.transpose %squeeze3A_165, [1, 0] : vector<256x64xf32> -> vector<64x256xf32>
    %swap3A_167 = arith.constant 0 : index
    %swap3A_168 = arith.constant 9 : index
    %swap3A_169 = arith.constant 0 : index
    %swap3A_170 = arith.constant 0 : index
    %swap3A_171 = vector.load %arg17[%swap3A_167, %swap3A_168, %swap3A_169, %swap3A_170] : memref<1x16x64x256xf32, #tpu.memory_space<vmem>>, vector<1x1x64x256xf32>
    %swap3A_172 = vector.shape_cast %swap3A_171 : vector<1x1x64x256xf32> to vector<64x256xf32>
    %swap3A_173 = vector.shape_cast %transpose3A_166 : vector<64x256xf32> to vector<1x1x64x256xf32>
    tpu.vector_store %arg17[%swap3A_167, %swap3A_168, %swap3A_169, %swap3A_170], %swap3A_173 {strides = array<i32>} : memref<1x16x64x256xf32, #tpu.memory_space<vmem>>, vector<1x1x64x256xf32>,
    %slice3A_174 = vector.extract_strided_slice %div3A_76 {offsets = [0, 10, 0], sizes = [256, 1, 64], strides = [1, 1, 1]} : vector<256x16x64xf32> to vector<256x1x64xf32>
    %squeeze3A_175 = vector.shape_cast %slice3A_174 : vector<256x1x64xf32> to vector<256x64xf32>
    %transpose3A_176 = tpu.transpose %squeeze3A_175, [1, 0] : vector<256x64xf32> -> vector<64x256xf32>
    %swap3A_177 = arith.constant 0 : index
    %swap3A_178 = arith.constant 10 : index
    %swap3A_179 = arith.constant 0 : index
    %swap3A_180 = arith.constant 0 : index
    %swap3A_181 = vector.load %arg17[%swap3A_177, %swap3A_178, %swap3A_179, %swap3A_180] : memref<1x16x64x256xf32, #tpu.memory_space<vmem>>, vector<1x1x64x256xf32>
    %swap3A_182 = vector.shape_cast %swap3A_181 : vector<1x1x64x256xf32> to vector<64x256xf32>
    %swap3A_183 = vector.shape_cast %transpose3A_176 : vector<64x256xf32> to vector<1x1x64x256xf32>
    tpu.vector_store %arg17[%swap3A_177, %swap3A_178, %swap3A_179, %swap3A_180], %swap3A_183 {strides = array<i32>} : memref<1x16x64x256xf32, #tpu.memory_space<vmem>>, vector<1x1x64x256xf32>,
    %slice3A_184 = vector.extract_strided_slice %div3A_76 {offsets = [0, 11, 0], sizes = [256, 1, 64], strides = [1, 1, 1]} : vector<256x16x64xf32> to vector<256x1x64xf32>
    %squeeze3A_185 = vector.shape_cast %slice3A_184 : vector<256x1x64xf32> to vector<256x64xf32>
    %transpose3A_186 = tpu.transpose %squeeze3A_185, [1, 0] : vector<256x64xf32> -> vector<64x256xf32>
    %swap3A_187 = arith.constant 0 : index
    %swap3A_188 = arith.constant 11 : index
    %swap3A_189 = arith.constant 0 : index
    %swap3A_190 = arith.constant 0 : index
    %swap3A_191 = vector.load %arg17[%swap3A_187, %swap3A_188, %swap3A_189, %swap3A_190] : memref<1x16x64x256xf32, #tpu.memory_space<vmem>>, vector<1x1x64x256xf32>
    %swap3A_192 = vector.shape_cast %swap3A_191 : vector<1x1x64x256xf32> to vector<64x256xf32>
    %swap3A_193 = vector.shape_cast %transpose3A_186 : vector<64x256xf32> to vector<1x1x64x256xf32>
    tpu.vector_store %arg17[%swap3A_187, %swap3A_188, %swap3A_189, %swap3A_190], %swap3A_193 {strides = array<i32>} : memref<1x16x64x256xf32, #tpu.memory_space<vmem>>, vector<1x1x64x256xf32>,
    %slice3A_194 = vector.extract_strided_slice %div3A_76 {offsets = [0, 12, 0], sizes = [256, 1, 64], strides = [1, 1, 1]} : vector<256x16x64xf32> to vector<256x1x64xf32>
    %squeeze3A_195 = vector.shape_cast %slice3A_194 : vector<256x1x64xf32> to vector<256x64xf32>
    %transpose3A_196 = tpu.transpose %squeeze3A_195, [1, 0] : vector<256x64xf32> -> vector<64x256xf32>
    %swap3A_197 = arith.constant 0 : index
    %swap3A_198 = arith.constant 12 : index
    %swap3A_199 = arith.constant 0 : index
    %swap3A_200 = arith.constant 0 : index
    %swap3A_201 = vector.load %arg17[%swap3A_197, %swap3A_198, %swap3A_199, %swap3A_200] : memref<1x16x64x256xf32, #tpu.memory_space<vmem>>, vector<1x1x64x256xf32>
    %swap3A_202 = vector.shape_cast %swap3A_201 : vector<1x1x64x256xf32> to vector<64x256xf32>
    %swap3A_203 = vector.shape_cast %transpose3A_196 : vector<64x256xf32> to vector<1x1x64x256xf32>
    tpu.vector_store %arg17[%swap3A_197, %swap3A_198, %swap3A_199, %swap3A_200], %swap3A_203 {strides = array<i32>} : memref<1x16x64x256xf32, #tpu.memory_space<vmem>>, vector<1x1x64x256xf32>,
    %slice3A_204 = vector.extract_strided_slice %div3A_76 {offsets = [0, 13, 0], sizes = [256, 1, 64], strides = [1, 1, 1]} : vector<256x16x64xf32> to vector<256x1x64xf32>
    %squeeze3A_205 = vector.shape_cast %slice3A_204 : vector<256x1x64xf32> to vector<256x64xf32>
    %transpose3A_206 = tpu.transpose %squeeze3A_205, [1, 0] : vector<256x64xf32> -> vector<64x256xf32>
    %swap3A_207 = arith.constant 0 : index
    %swap3A_208 = arith.constant 13 : index
    %swap3A_209 = arith.constant 0 : index
    %swap3A_210 = arith.constant 0 : index
    %swap3A_211 = vector.load %arg17[%swap3A_207, %swap3A_208, %swap3A_209, %swap3A_210] : memref<1x16x64x256xf32, #tpu.memory_space<vmem>>, vector<1x1x64x256xf32>
    %swap3A_212 = vector.shape_cast %swap3A_211 : vector<1x1x64x256xf32> to vector<64x256xf32>
    %swap3A_213 = vector.shape_cast %transpose3A_206 : vector<64x256xf32> to vector<1x1x64x256xf32>
    tpu.vector_store %arg17[%swap3A_207, %swap3A_208, %swap3A_209, %swap3A_210], %swap3A_213 {strides = array<i32>} : memref<1x16x64x256xf32, #tpu.memory_space<vmem>>, vector<1x1x64x256xf32>,
    %slice3A_214 = vector.extract_strided_slice %div3A_76 {offsets = [0, 14, 0], sizes = [256, 1, 64], strides = [1, 1, 1]} : vector<256x16x64xf32> to vector<256x1x64xf32>
    %squeeze3A_215 = vector.shape_cast %slice3A_214 : vector<256x1x64xf32> to vector<256x64xf32>
    %transpose3A_216 = tpu.transpose %squeeze3A_215, [1, 0] : vector<256x64xf32> -> vector<64x256xf32>
    %swap3A_217 = arith.constant 0 : index
    %swap3A_218 = arith.constant 14 : index
    %swap3A_219 = arith.constant 0 : index
    %swap3A_220 = arith.constant 0 : index
    %swap3A_221 = vector.load %arg17[%swap3A_217, %swap3A_218, %swap3A_219, %swap3A_220] : memref<1x16x64x256xf32, #tpu.memory_space<vmem>>, vector<1x1x64x256xf32>
    %swap3A_222 = vector.shape_cast %swap3A_221 : vector<1x1x64x256xf32> to vector<64x256xf32>
    %swap3A_223 = vector.shape_cast %transpose3A_216 : vector<64x256xf32> to vector<1x1x64x256xf32>
    tpu.vector_store %arg17[%swap3A_217, %swap3A_218, %swap3A_219, %swap3A_220], %swap3A_223 {strides = array<i32>} : memref<1x16x64x256xf32, #tpu.memory_space<vmem>>, vector<1x1x64x256xf32>,
    %slice3A_224 = vector.extract_strided_slice %div3A_76 {offsets = [0, 15, 0], sizes = [256, 1, 64], strides = [1, 1, 1]} : vector<256x16x64xf32> to vector<256x1x64xf32>
    %squeeze3A_225 = vector.shape_cast %slice3A_224 : vector<256x1x64xf32> to vector<256x64xf32>
    %transpose3A_226 = tpu.transpose %squeeze3A_225, [1, 0] : vector<256x64xf32> -> vector<64x256xf32>
    %swap3A_227 = arith.constant 0 : index
    %swap3A_228 = arith.constant 15 : index
    %swap3A_229 = arith.constant 0 : index
    %swap3A_230 = arith.constant 0 : index
    %swap3A_231 = vector.load %arg17[%swap3A_227, %swap3A_228, %swap3A_229, %swap3A_230] : memref<1x16x64x256xf32, #tpu.memory_space<vmem>>, vector<1x1x64x256xf32>
    %swap3A_232 = vector.shape_cast %swap3A_231 : vector<1x1x64x256xf32> to vector<64x256xf32>
    %swap3A_233 = vector.shape_cast %transpose3A_226 : vector<64x256xf32> to vector<1x1x64x256xf32>
    tpu.vector_store %arg17[%swap3A_227, %swap3A_228, %swap3A_229, %swap3A_230], %swap3A_233 {strides = array<i32>} : memref<1x16x64x256xf32, #tpu.memory_space<vmem>>, vector<1x1x64x256xf32>,
    %reshape3A_234 = vector.shape_cast %slice3A_37 : vector<4096x64xf32> to vector<256x16x64xf32>
    %reshape3A_235 = vector.shape_cast %add3A_30 : vector<4096x64xf32> to vector<256x16x64xf32>
    %add3A_236 = arith.addf %reshape3A_234, %reshape3A_235 : vector<256x16x64xf32>
    %mul3A_237 = arith.mulf %div3A_76, %add3A_236 : vector<256x16x64xf32>
    %reduce_sum3A_238 = arith.constant dense<0.000000e+00> : vector<256x64xf32>
    %reduce_sum3A_239 = vector.multi_reduction <add>, %mul3A_237, %reduce_sum3A_238 [1] : vector<256x16x64xf32> to vector<256x64xf32>
    %get3A_240 = arith.constant 0 : index
    %get3A_241 = arith.constant 0 : index
    %get3A_242 = vector.load %arg14[%get3A_240, %get3A_241] : memref<64x64xf32, #tpu.memory_space<vmem>>, vector<64x64xf32>
    %dot_general3A_243 = arith.constant dense<0.000000e+00> : vector<256x64xf32>
    %dot_general3A_244 = tpu.matmul %reduce_sum3A_239, %get3A_242, %dot_general3A_243 {dimension_numbers = #tpu.dot_dimension_numbers<[1], [0], [0], [1], [0, 0, 1, 1], [], []>, transpose_lhs_hint = false} : vector<256x64xf32>, vector<64x64xf32>, vector<256x64xf32> -> vector<256x64xf32>
    %get3A_245 = arith.constant 0 : index
    %get3A_246 = arith.constant 0 : index
    %get3A_247 = vector.load %arg15[%get3A_245, %get3A_246] : memref<1x64xf32, #tpu.memory_space<vmem>>, vector<1x64xf32>
    %add3A_248 = vector.broadcast %get3A_247 : vector<1x64xf32> to vector<256x64xf32>
    %add3A_249 = arith.addf %dot_general3A_244, %add3A_248 : vector<256x64xf32>
    %get3A_250 = arith.constant 0 : index
    %get3A_251 = arith.constant 0 : index
    %get3A_252 = arith.constant 0 : index
    %get3A_253 = vector.load %arg4[%get3A_250, %get3A_251, %get3A_252] : memref<1x256x64xf32, #tpu.memory_space<vmem>>, vector<1x256x64xf32>
    %get3A_254 = vector.shape_cast %get3A_253 : vector<1x256x64xf32> to vector<256x64xf32>
    %add3A_255 = arith.addf %add3A_249, %get3A_254 : vector<256x64xf32>
    %swap3A_256 = arith.constant 0 : index
    %swap3A_257 = arith.constant 0 : index
    %swap3A_258 = arith.constant 0 : index
    %swap3A_259 = vector.load %arg16[%swap3A_256, %swap3A_257, %swap3A_258] : memref<1x256x64xf32, #tpu.memory_space<vmem>>, vector<1x256x64xf32>
    %swap3A_260 = vector.shape_cast %swap3A_259 : vector<1x256x64xf32> to vector<256x64xf32>
    %swap3A_261 = vector.shape_cast %add3A_255 : vector<256x64xf32> to vector<1x256x64xf32>
    tpu.vector_store %arg16[%swap3A_256, %swap3A_257, %swap3A_258], %swap3A_261 {strides = array<i32>} : memref<1x256x64xf32, #tpu.memory_space<vmem>>, vector<1x256x64xf32>,
    return
  }
  func.func @transform_0(%arg0: i32, %arg1: i32) -> (i32, i32) {
    %mul3A = arith.constant 8 : i32
    %mul3A_0 = arith.muli %arg0, %mul3A : i32
    %add3A = arith.addi %mul3A_0, %arg1 : i32
    %c0_i32 = arith.constant 0 : i32
    %c0_i32_1 = arith.constant 0 : i32
    return %add3A, %c0_i32 : i32, i32
  }
  func.func @transform_1(%arg0: i32, %arg1: i32) -> (i32, i32) {
    %mul3A = arith.constant 8 : i32
    %mul3A_0 = arith.muli %arg0, %mul3A : i32
    %add3A = arith.addi %mul3A_0, %arg1 : i32
    %c0_i32 = arith.constant 0 : i32
    %c0_i32_1 = arith.constant 0 : i32
    return %add3A, %c0_i32 : i32, i32
  }
  func.func @transform_2(%arg0: i32, %arg1: i32) -> (i32, i32, i32) {
    %c0_i32 = arith.constant 0 : i32
    %c0_i32_0 = arith.constant 0 : i32
    return %arg0, %arg1, %c0_i32 : i32, i32, i32
  }
  func.func @transform_3(%arg0: i32, %arg1: i32) -> (i32, i32) {
    %c0_i32 = arith.constant 0 : i32
    %c0_i32_0 = arith.constant 0 : i32
    %c0_i32_1 = arith.constant 0 : i32
    return %c0_i32, %c0_i32_0 : i32, i32
  }
  func.func @transform_4(%arg0: i32, %arg1: i32) -> (i32, i32) {
    %c0_i32 = arith.constant 0 : i32
    %c0_i32_0 = arith.constant 0 : i32
    %c0_i32_1 = arith.constant 0 : i32
    return %c0_i32, %c0_i32_0 : i32, i32
  }
  func.func @transform_5(%arg0: i32, %arg1: i32) -> (i32, i32) {
    %c0_i32 = arith.constant 0 : i32
    %c0_i32_0 = arith.constant 0 : i32
    %c0_i32_1 = arith.constant 0 : i32
    return %c0_i32, %c0_i32_0 : i32, i32
  }
  func.func @transform_6(%arg0: i32, %arg1: i32) -> (i32, i32) {
    %c0_i32 = arith.constant 0 : i32
    %c0_i32_0 = arith.constant 0 : i32
    %c0_i32_1 = arith.constant 0 : i32
    return %c0_i32, %c0_i32_0 : i32, i32
  }
  func.func @transform_7(%arg0: i32, %arg1: i32) -> (i32, i32) {
    %c0_i32 = arith.constant 0 : i32
    %c0_i32_0 = arith.constant 0 : i32
    %c0_i32_1 = arith.constant 0 : i32
    return %c0_i32, %c0_i32_0 : i32, i32
  }
  func.func @transform_8(%arg0: i32, %arg1: i32) -> (i32, i32) {
    %c0_i32 = arith.constant 0 : i32
    %c0_i32_0 = arith.constant 0 : i32
    %c0_i32_1 = arith.constant 0 : i32
    return %c0_i32, %c0_i32_0 : i32, i32
  }
  func.func @transform_9(%arg0: i32, %arg1: i32) -> (i32, i32) {
    %c0_i32 = arith.constant 0 : i32
    %c0_i32_0 = arith.constant 0 : i32
    %c0_i32_1 = arith.constant 0 : i32
    return %c0_i32, %c0_i32_0 : i32, i32
  }
  func.func @transform_10(%arg0: i32, %arg1: i32) -> (i32, i32) {
    %c0_i32 = arith.constant 0 : i32
    %c0_i32_0 = arith.constant 0 : i32
    %c0_i32_1 = arith.constant 0 : i32
    return %c0_i32, %c0_i32_0 : i32, i32
  }
  func.func @transform_11(%arg0: i32, %arg1: i32) -> (i32, i32) {
    %c0_i32 = arith.constant 0 : i32
    %c0_i32_0 = arith.constant 0 : i32
    %c0_i32_1 = arith.constant 0 : i32
    return %c0_i32, %c0_i32_0 : i32, i32
  }
  func.func @transform_12(%arg0: i32, %arg1: i32) -> (i32, i32) {
    %c0_i32 = arith.constant 0 : i32
    %c0_i32_0 = arith.constant 0 : i32
    %c0_i32_1 = arith.constant 0 : i32
    return %c0_i32, %c0_i32_0 : i32, i32
  }
  func.func @transform_13(%arg0: i32, %arg1: i32) -> (i32, i32) {
    %c0_i32 = arith.constant 0 : i32
    %c0_i32_0 = arith.constant 0 : i32
    %c0_i32_1 = arith.constant 0 : i32
    return %c0_i32, %c0_i32_0 : i32, i32
  }
  func.func @transform_14(%arg0: i32, %arg1: i32) -> (i32, i32, i32) {
    %c0_i32 = arith.constant 0 : i32
    %c0_i32_0 = arith.constant 0 : i32
    return %arg0, %arg1, %c0_i32 : i32, i32, i32
  }
  func.func @transform_15(%arg0: i32, %arg1: i32) -> (i32, i32, i32, i32) {
    %c0_i32 = arith.constant 0 : i32
    %c0_i32_0 = arith.constant 0 : i32
    %c0_i32_1 = arith.constant 0 : i32
    return %arg0, %c0_i32, %c0_i32_0, %arg1 : i32, i32, i32, i32
  }
}

</mosaic_0001>

<sc_bundles>
// kernel: kernel.5.cloned.1.call-start
scs
__scs_entry_jumppad:
0x0: {  	(pc) =	sbr.rel $0x88, $3  }
0x1: {  	(tag) =	ssettag $0x0;
	lr =	simm.s32 $0x1  }
0x2: {  	[smem:$0x3F90] =	sst lr;
	_ =	strace $0xD0000000  }
0x3: {  	_ = 	snop  }
0x4: {  	_ = 	snop  }
0x5: {  	_ = 	snop  }
0x6: {  	_ = 	snop  }
0x7: {  	_ = 	snop  }
__scs_overlays_trampoline_lowered:
0x8: {  	[smem:$0x3F9F] =	sst s0  }
0x9: {  	[smem:$0x3FA0] =	sst s1  }
0xa: {  	[smem:$0x3FA1] =	sst s2  }
0xb: {  	[smem:$0x3FA2] =	sst s3  }
0xc: {  	[smem:$0x3FA3] =	sst s4  }
0xd: {  	[smem:$0x3FA4] =	sst s5  }
0xe: {  	[smem:$0x3FA5] =	sst s6  }
0xf: {  	[smem:$0x3FA6] =	sst s7  }
0x10: {  	[smem:$0x3FA7] =	sst s8  }
0x11: {  	[smem:$0x3FA8] =	sst s9;
	s0 =	simm.s32 @!p0 $0x0  }
0x12: {  	s1 =	sld [smem:$0x3F8E];
	s0 =	simm.s32 @p0 $0x1  }
0x13: {  	[smem:$0x3FA9] =	sst s0;
	s0 =	simm.s32 @!p1 $0x0  }
0x14: {  	s2 =	sld [smem:$0x3F8D];
	s0 =	simm.s32 @p1 $0x1  }
0x15: {  	[smem:$0x3FAA] =	sst s0;
	s0 =	simm.s32 @!p2 $0x0  }
0x16: {  	s3 =	sld [smem:$0x3FDB];
	s0 =	simm.s32 @p2 $0x1  }
0x17: {  	s4 =	simm.s32 $0x1BF5;
	[smem:$0x3FAC] =	sst s0  }
0x18: {  	s0 =	sld [smem:$0x3F8F];
	_ =	swait.ge [sflag:s4], $0x0  }
0x19: {  	s7 =	sld [smem:$0x3F90]  }
0x1a: {  	s8 =	sadd.s32 $0xFFFFE003, lr  }
0x1b: {  	s9 =	sadd.s32 $0xFFFFFEF7, lr;
	s5 =	simm.s32 $0xFFFFFFFF;
	p2 =	slt.u32 s8, $0xFFFFF086  }
0x1c: {  	p1 =	slt.u32 s9, $0xF7A;
	s5 =	simm.s32 @!p2 $0x0  }
0x1d: {  	s5 =	simm.s32 @p1 $0x1;
	p0 =	seq.s32 s7, s2  }
0x1e: {  	s7 =	smul.u32 @!p0 $0xF7A, s2;
	p2 =	seq.s32 @!p0 s5, $0x0  }
0x1f: {  	s9 =	smul.u32 $0xF7A, s1;
	s8 =	simm.s32 @!p0 $0x1BF5;
	p2 =	por !p2, p0  }
0x20: {  	[sflag:s8] =	ssyncset.s32 @!p0 $0xFFFFF086;
	s6 =	sadd.s32 @!p0 s3, s7;
	s7 =	simm.s32 @!p0 $0x108  }
0x21: {  	s3 =	sadd.s32 s3, s9;
	s6 =	sadd.s32 @!p0 $0x88, s6;
	s7 =	simm.s32 @p2 $0x1082  }
0x22: {  	[simem:s7], [sflag:s8] =	dma.local @!p0 [hbm:s6], $0xF7A  }
0x23: {  	s9 =	sor.u32 $0xD0000000, s2;
	s6 =	simm.s32 $0x108;
	_ =	swait.ge @!p0 [sflag:s8], $0x0  }
0x24: {  	s3 =	sadd.s32 $0x88, s3;
	s6 =	simm.s32 @!p1 $0x1082;
	[sflag:s4] =	ssyncset.s32 $0xFFFFF086  }
0x25: {  	[simem:s6], [sflag:s4] =	dma.local [hbm:s3], $0xF7A  }
0x26: {  	[smem:$0x3F90] =	sst s1;
	(tag) =	ssettag s2;
	_ =	strace s9  }
0x27: {  	s1 =	sld [smem:$0x3FA0]  }
0x28: {  	s2 =	sld [smem:$0x3FA1]  }
0x29: {  	s4 =	sld [smem:$0x3FA3]  }
0x2a: {  	p0 =	seq.s32 s5, $0x0;
	s5 =	sld [smem:$0x3FA4]  }
0x2b: {  	s6 =	sld [smem:$0x3FA5]  }
0x2c: {  	s7 =	sld [smem:$0x3FA6]  }
0x2d: {  	s3 =	simm.s32 $0x108;
	s8 =	sld [smem:$0x3FA7]  }
0x2e: {  	s3 =	simm.s32 @!p0 $0x1082;
	s9 =	sld [smem:$0x3FA8]  }
0x2f: {  	lr =	sadd.s32 s0, s3;
	s0 =	sld [smem:$0x3F9F]  }
0x30: {  	s3 =	sld [smem:$0x3FA2]  }
0x31: {  	[smem:$0x3FAB] =	sst s10  }
0x32: {  	s10 =	sld [smem:$0x3FA9];
	_ =	sdelay $0x3  }
0x33: {  	p0 =	seq.s32 s10, $0x1;
	s10 =	sld [smem:$0x3FAB];
	_ =	sdelay $0x3  }
0x34: {  	[smem:$0x3FAB] =	sst s10  }
0x35: {  	s10 =	sld [smem:$0x3FAA];
	_ =	sdelay $0x3  }
0x36: {  	p1 =	seq.s32 s10, $0x1;
	s10 =	sld [smem:$0x3FAB];
	_ =	sdelay $0x3  }
0x37: {  	[smem:$0x3FAB] =	sst s10  }
0x38: {  	s10 =	sld [smem:$0x3FAC]  }
0x39: {  	_ = 	snop;
	(pc) =	sbr.ind lr, $3  }
0x3a: {  	_ = 	snop  }
0x3b: {  	_ = 	snop  }
0x3c: {  	p2 =	seq.s32 s10, $0x1;
	s10 =	sld [smem:$0x3FAB]  }
0x3d: {  	_ =	shalt  }
0x3e: {  	_ =	shalt  }
0x3f: {  	_ =	shalt  }
0x40: {  	_ =	shalt  }
0x41: {  	_ =	shalt  }
0x42: {  	_ =	shalt  }
0x43: {  	_ =	shalt  }
0x44: {  	_ =	shalt  }
0x45: {  	_ =	shalt  }
0x46: {  	_ =	shalt  }
0x47: {  	_ =	shalt  }
0x48: {  	_ =	shalt  }
0x49: {  	_ =	shalt  }
0x4a: {  	_ =	shalt  }
0x4b: {  	_ =	shalt  }
0x4c: {  	_ =	shalt  }
0x4d: {  	_ =	shalt  }
0x4e: {  	_ =	shalt  }
0x4f: {  	_ =	shalt  }
0x50: {  	_ =	shalt  }
0x51: {  	_ =	shalt  }
0x52: {  	_ =	shalt  }
0x53: {  	_ =	shalt  }
0x54: {  	_ =	shalt  }
0x55: {  	_ =	shalt  }
0x56: {  	_ =	shalt  }
0x57: {  	_ =	shalt  }
0x58: {  	_ =	shalt  }
0x59: {  	_ =	shalt  }
0x5a: {  	_ =	shalt  }
0x5b: {  	_ =	shalt  }
0x5c: {  	_ =	shalt  }
0x5d: {  	_ =	shalt  }
0x5e: {  	_ =	shalt  }
0x5f: {  	_ =	shalt  }
0x60: {  	_ =	shalt  }
0x61: {  	_ =	shalt  }
0x62: {  	_ =	shalt  }
0x63: {  	_ =	shalt  }
0x64: {  	_ =	shalt  }
0x65: {  	_ =	shalt  }
0x66: {  	_ =	shalt  }
0x67: {  	_ =	shalt  }
0x68: {  	_ =	shalt  }
0x69: {  	_ =	shalt  }
0x6a: {  	_ =	shalt  }
0x6b: {  	_ =	shalt  }
0x6c: {  	_ =	shalt  }
0x6d: {  	_ =	shalt  }
0x6e: {  	_ =	shalt  }
0x6f: {  	_ =	shalt  }
0x70: {  	_ =	shalt  }
0x71: {  	_ =	shalt  }
0x72: {  	_ =	shalt  }
0x73: {  	_ =	shalt  }
0x74: {  	_ =	shalt  }
0x75: {  	_ =	shalt  }
0x76: {  	_ =	shalt  }
0x77: {  	_ =	shalt  }
0x78: {  	_ =	shalt  }
0x79: {  	_ =	shalt  }
0x7a: {  	_ =	shalt  }
0x7b: {  	_ =	shalt  }
0x7c: {  	_ =	shalt  }
0x7d: {  	_ =	shalt  }
0x7e: {  	_ =	shalt  }
0x7f: {  	_ =	shalt  }
0x80: {  	_ =	shalt  }
0x81: {  	_ =	shalt  }
0x82: {  	_ =	shalt  }
0x83: {  	_ =	shalt  }
0x84: {  	_ =	shalt  }
0x85: {  	_ =	shalt  }
0x86: {  	_ =	shalt  }
0x87: {  	_ =	shalt  }
.Lfunc_end0:
.L_simem_size_0:
called_computation_lowered:
.L_overlay_start_0:
0x88: {  	s2 =	sld [smem:$0x3FD9]  }
0x89: {  	s3 =	sld [smem:$0x3FFE];
	_ =	sdelay $0x1  }
0x8a: {  	s1 =	srdreg.scid  }
0x8b: {  	s0 =	sand.u32 $0x1, s1  }
0x8c: {  	s14 =	sshll.u32 s0, $0xA;
	s2 =	sadd.s32 s3, s2  }
0x8d: {  	s2 =	sadd.s32 s2, s14  }
0x8e: {  	[smem:$0x3FB7] =	sst s2  }
0x8f: {  	_ = 	snop  }
0x90: {  	s2 =	sld [smem:$0x3FD0];
	_ =	sdelay $0x2  }
0x91: {  	s15 =	simm.s32 $0xA;
	s4 =	simm.s32 $0x10  }
0x92: {  	[smem:s4], [sflag:s15] =	dma.local [hbm:s2], $0x1  }
0x93: {  	_ =	swait.eq [sflag:s15], $0x1  }
0x94: {  	[sflag:s15] =	ssyncset.done $0x0  }
0x95: {  	s16 =	sld [smem:$0x10];
	[sflag:s15] =	ssyncadd.s32 $0xFFFFFFFF  }
0x96: {  	s17 =	sld [smem:$0x11];
	(tm) =	ssettm $0x1  }
0x97: {  	s18 =	sld [smem:$0x3FFB];
	_ =	sdelay $0x3  }
0x98: {  	_ =	strace s18  }
0x99: {  	s4 =	sld [smem:$0x3FFC];
	_ =	sdelay $0x3  }
0x9a: {  	_ =	strace s4  }
0x9b: {  	s4 =	sld [smem:$0x3FFD];
	_ =	sdelay $0x3  }
0x9c: {  	_ =	strace s4  }
0x9d: {  	_ =	strace $0x8FFFFFFF  }
0x9e: {  	s19 =	sld [smem:$0x3FDB];
	_ =	sdelay $0x1  }
0x9f: {  	s5 =	simm.s32 $_scs_section_size  }
0xa0: {  	s6 =	simm.s32 $_size__tile_overlayer_lowered;
	s7 =	simm.s32 $_tile_overlayer_lowered  }
0xa1: {  	s22 =	simm.s32 $0x1BFF;
	s21 =	sshll.u32 s7, $0x1;
	s4 =	sadd.s32 s5, s19  }
0xa2: {  	s8 =	simm.s32 $0x0;
	s20 =	sshll.u32 s6, $0x1;
	s6 =	sadd.s32 s21, s4  }
0xa3: {  	[timem:s8], [sflag:s22] =	dma.local [hbm:s6], s20  }
0xa4: {  	_ =	swait.ge [sflag:s22], s20  }
0xa5: {  	s5 =	ssub.s32 $0x0, s20;
	[sflag:s22] =	ssyncset.done $0x0  }
0xa6: {  	[sflag:s22] =	ssyncadd.s32 s5;
	_ =	sdelay $0x1  }
0xa7: {  	s23 =	simm.s32 $0x1B8B  }
0xa8: {  	_ =	swait.ge [sflag:s23], $0x1  }
0xa9: {  	[sflag:s23] =	ssyncset.done $0x0  }
0xaa: {  	s25 =	simm.s32 $0x1B8E;
	s24 =	sld [smem:$0x3FFE];
	[sflag:s23] =	ssyncadd.s32 $0xFFFFFFFF  }
0xab: {  	s26 =	simm.s32 $execute0_lowered;
	[smem:$0x3FD2] =	sst s25  }
0xac: {  	s6 =	sshll.u32 s26, $0x1;
	_ =	strace $0x80000046;
	[dreg:$0x1] =	wrdreg $0xFFFFFFFF  }
0xad: {  	s28 =	simm.s32 $_size_execute0_lowered;
	s4 =	sadd.s32 s4, s6;
	[dreg:$0x0] =	wrdreg $0x0  }
0xae: {  	s6 =	sshll.u32 s28, $0x1;
	[dreg:$0x2] =	wrdreg s4  }
0xaf: {  	[dreg:$0x3] =	wrdreg s6  }
0xb0: {  	[dreg:$0x4] =	wrdreg $0xC0  }
0xb1: {  	_ =	task [dreg:s8], $0x5FFFF  }
0xb2: {  	[dreg:$0x1] =	wrdreg $0xFFFFFFFF  }
0xb3: {  	[dreg:$0x0] =	wrdreg $0x60  }
0xb4: {  	[dreg:$0x2] =	wrdreg s17  }
0xb5: {  	[dreg:$0x3] =	wrdreg s16  }
0xb6: {  	[dreg:$0x4] =	wrdreg s24  }
0xb7: {  	[dreg:$0x5] =	wrdreg $0x9  }
0xb8: {  	_ =	task.clear_ibuf [dreg:s8], $0x6FFFF;
	_ =	strace $0x90000046  }
0xb9: {  	s29 =	simm.s32 $0x9;
	_ =	strace $0x80000048  }
0xba: {  	_ =	swait.ge [sflag:s29], $0x1  }
0xbb: {  	[sflag:s29] =	ssyncadd.s32 $0xFFFFFFFF  }
0xbc: {  	_ =	strace $0x90000048  }
0xbd: {  	_ =	sfence  }
0xbe: {  	s30 =	sld [smem:$0x0];
	_ =	sdelay $0x2  }
0xbf: {  	s31 =	sshll.u32 s1, $0xD;
	s1 =	sshrl.u32 s1, $0x2  }
0xc0: {  	s3 =	sand.u32 $0x4000, s31;
	s1 =	sadd.s32 s1, s30  }
0xc1: {  	s0 =	sor.u32 s3, s0;
	s1 =	sshll.u32 s1, $0x11  }
0xc2: {  	s0 =	sor.u32 s1, s0  }
0xc3: {  	s0 =	sadd.s32 $0x8F2B, s0  }
0xc4: {  	[sflag:s0] =	ssyncadd.remote.s32 $0x1  }
0xc5: {  	_ =	sfence.sel $0xFFFF  }
0xc6: {  	[dreg:$0x0] =	wrdreg $0xFFFFFFFF;
	(pc) =	sbr.abs _section_cstart, $3  }
0xc7: {  	[dreg:$0x1] =	wrdreg $0xFFFFFFFF  }
0xc8: {  	_ =	task.clear_ibuf [dreg:s8], $0x2FFFF;
	_ =	strace $0x9FFFFFFF  }
0xc9: {  	(tm) =	ssettm $0x7FFFFFFF  }
tec
execute0_lowered:
.L_overlay_start_1:
0x0: {  	(tag) =	ssettag $0x1  }
0x1: {  	s1 =	rddreg [dreg:$0x0]  }
0x2: {  	s4 =	rddreg [dreg:$0x1]  }
0x3: {  	s5 =	rddreg [dreg:$0x2]  }
0x4: {  	s0 =	rddreg [dreg:$0x3];
	s3 =	simm.s32 $0x0  }
0x5: {  	s6 =	srdreg.scid;
	s2 =	stileid.u32;
	s11 =	simm.s32 $0x1  }
0x6: {  	s12 =	simm.s32 $0x80;
	s13 =	simm.s32 $0x5000;
	s14 =	simm.s32 $0x2  }
0x7: {  	s15 =	simm.s32 $0xF80;
	s16 =	simm.s32 $0x0;
	[smem:$0x7FF] =	sst s3  }
0x8: {  	s8 =	sand.u32 $0x1, s6;
	s28 =	sshll.u32 s2, $0x1;
	s9 =	sadd.s32 $0x2C00, s5  }
0x9: {  	s31 =	sshll.u32 s2, $0x11;
	_ =	strace $0x80000047;
	s29 =	ssub.s32 $0x2, s8  }
0xa: {  	s6 =	sor.u32 s8, s28;
	s8 =	sshll.u32 s8, $0x10;
	s7 =	sshrl.u32 s29, $0x1  }
0xb: {  	s10 =	sshll.u32 s6, $0x9;
	s6 =	sshll.u32 s6, $0x10;
	s5 =	ssub.s32 s29, s7  }
0xc: {  	s4 =	sadd.s32 s4, s10;
	s30 =	sadd.s32 s9, s6;
	s9 =	sadd.s32 s31, s9  }
0xd: {  	s10 =	simm.s32 $0x1000;
	s5 =	smax.u32 s5, $0x1;
	s6 =	sadd.s32 $0xF000, s30  }
0xe: {  	s7 =	sadd.s32 $0xF800, s30;
	s8 =	sadd.s32 s8, s9;
	s9 =	simm.s32 $0x3  }
.LBB2_1:
0xf: {  	[tilespmem:s3], [sflag:$0x3] =	stream.linear.gather [hbm4b:s4+s3], $0x1000, $0x38;
	[tilespmem:$0x9000] =	vst v63  }
0x10: {  	_ =	swait.ge [sflag:s9], $0x1000  }
0x11: {  	[sflag:s9] =	ssyncset.done $0x0  }
0x12: {  	[sflag:s9] =	ssyncadd.s32 $0xFFFFF000  }
0x13: {  	[tilespmem:s10], [sflag:$0x1] =	stream.indirect.gather [hbm4b:s1+s12], $0x80, s3, s12, $0xb8;
	[tilespmem:$0x9000] =	vst v63  }
0x14: {  	_ =	swait.ge [sflag:s11], $0x4000  }
0x15: {  	[sflag:s11] =	ssyncset.done $0x0  }
0x16: {  	[sflag:s11] =	ssyncadd.s32 $0xFFFFC000  }
0x17: {  	[tilespmem:s13], [sflag:$0x2] =	stream.indirect.gather [hbm4b:s1+s12], $0x80, s12, s12, $0xb8;
	[tilespmem:$0x9000] =	vst v63  }
0x18: {  	s17 =	sadd.s32 $0x0, s8  }
0x19: {  	[hbm4b:s17+s3] =	stream.linear.scatter [tilespmem:s10], [sflag:$0x3], $0x4000, $0x38;
	[tilespmem:$0x9000] =	vst v63  }
0x1a: {  	_ =	swait.ge [sflag:s9], $0x4000  }
0x1b: {  	[sflag:s9] =	ssyncset.done $0x0  }
0x1c: {  	[sflag:s9] =	ssyncadd.s32 $0xFFFFC000  }
0x1d: {  	_ =	swait.ge [sflag:s14], $0x4000  }
0x1e: {  	[sflag:s14] =	ssyncset.done $0x0  }
0x1f: {  	s18 =	simm.s32 $0x100;
	[sflag:s14] =	ssyncadd.s32 $0xFFFFC000  }
0x20: {  	[tilespmem:s10], [sflag:$0x1] =	stream.indirect.gather [hbm4b:s1+s12], $0x80, s18, s12, $0xb8;
	[tilespmem:$0x9000] =	vst v63  }
0x21: {  	s17 =	sadd.s32 $0x800, s17  }
0x22: {  	[hbm4b:s17+s3] =	stream.linear.scatter [tilespmem:s13], [sflag:$0x3], $0x4000, $0x38;
	[tilespmem:$0x9000] =	vst v63  }
0x23: {  	_ =	swait.ge [sflag:s9], $0x4000  }
0x24: {  	s18 =	simm.s32 $0x80;
	s17 =	simm.s32 $0x1000;
	[sflag:s9] =	ssyncset.done $0x0  }
.LBB2_2:
0x25: {  	p0 =	sne.s32 s17, $0xE000;
	[sflag:s9] =	ssyncadd.s32 $0xFFFFC000;
	s18 =	sadd.s32 $0x100, s18  }
0x26: {  	s19 =	smov.u32 s17;
	s17 =	sadd.s32 $0x1000, s17  }
0x27: {  	_ =	swait.ge [sflag:s11], $0x4000  }
0x28: {  	[sflag:s11] =	ssyncset.done $0x0  }
0x29: {  	[sflag:s11] =	ssyncadd.s32 $0xFFFFC000  }
0x2a: {  	[tilespmem:s13], [sflag:$0x2] =	stream.indirect.gather [hbm4b:s1+s12], $0x80, s18, s12, $0xb8;
	[tilespmem:$0x9000] =	vst v63  }
0x2b: {  	s19 =	sadd.s32 s19, s8  }
0x2c: {  	[hbm4b:s19+s3] =	stream.linear.scatter [tilespmem:s10], [sflag:$0x3], $0x4000, $0x38;
	[tilespmem:$0x9000] =	vst v63  }
0x2d: {  	_ =	swait.ge [sflag:s9], $0x4000  }
0x2e: {  	[sflag:s9] =	ssyncset.done $0x0  }
0x2f: {  	[sflag:s9] =	ssyncadd.s32 $0xFFFFC000  }
0x30: {  	_ =	swait.ge [sflag:s14], $0x4000  }
0x31: {  	[sflag:s14] =	ssyncset.done $0x0  }
0x32: {  	s20 =	sadd.s32 $0x80, s18;
	[sflag:s14] =	ssyncadd.s32 $0xFFFFC000  }
0x33: {  	[tilespmem:s10], [sflag:$0x1] =	stream.indirect.gather [hbm4b:s1+s12], $0x80, s20, s12, $0xb8;
	[tilespmem:$0x9000] =	vst v63  }
.Ltmp0:
0x34: {  	_ = 	snop;
	(pc) =	sbr.rel @p0 .LBB2_2-.Ltmp0, $4  }
0x35: {  	s19 =	sadd.s32 $0x800, s19  }
0x36: {  	[hbm4b:s19+s3] =	stream.linear.scatter [tilespmem:s13], [sflag:$0x3], $0x4000, $0x38;
	[tilespmem:$0x9000] =	vst v63  }
0x37: {  	_ =	swait.ge [sflag:s9], $0x4000  }
0x38: {  	[sflag:s9] =	ssyncset.done $0x0  }
0x39: {  	[sflag:s9] =	ssyncadd.s32 $0xFFFFC000  }
0x3a: {  	_ =	swait.ge [sflag:s11], $0x4000  }
0x3b: {  	[sflag:s11] =	ssyncset.done $0x0  }
0x3c: {  	[sflag:s11] =	ssyncadd.s32 $0xFFFFC000  }
0x3d: {  	[tilespmem:s13], [sflag:$0x2] =	stream.indirect.gather [hbm4b:s1+s12], $0x80, s15, s12, $0xb8;
	[tilespmem:$0x9000] =	vst v63  }
0x3e: {  	_ = 	snop  }
0x3f: {  	[hbm4b:s6+s3] =	stream.linear.scatter [tilespmem:s10], [sflag:$0x3], $0x4000, $0x38;
	[tilespmem:$0x9000] =	vst v63  }
0x40: {  	_ =	swait.ge [sflag:s9], $0x4000  }
0x41: {  	[sflag:s9] =	ssyncset.done $0x0  }
0x42: {  	[sflag:s9] =	ssyncadd.s32 $0xFFFFC000  }
0x43: {  	s16 =	sadd.s32 $0x1, s16;
	_ =	swait.ge [sflag:s14], $0x4000  }
0x44: {  	p0 =	sne.s32 s16, s5;
	[sflag:s14] =	ssyncset.done $0x0  }
.Ltmp1:
0x45: {  	[sflag:s14] =	ssyncadd.s32 $0xFFFFC000;
	(pc) =	sbr.rel @p0 .LBB2_1-.Ltmp1, $4  }
0x46: {  	[hbm4b:s7+s3] =	stream.linear.scatter [tilespmem:s13], [sflag:$0x3], $0x4000, $0x38;
	[tilespmem:$0x9000] =	vst v63  }
0x47: {  	_ =	swait.ge [sflag:s9], $0x4000  }
0x48: {  	[sflag:s9] =	ssyncset.done $0x0  }
0x49: {  	[sflag:s9] =	ssyncadd.s32 $0xFFFFC000  }
0x4a: {  	_ =	sfence.sel $0x180000  }
0x4b: {  	[bflag:$0x0] =	sbarrier.arrive $0xFFFF  }
0x4c: {  	p0 =	sne.s32 s2, $0x0;
	_ =	strace $0x90000047  }
0x4d: {  	s0 =	sadd.s32 @!p0 $0x100000, s0;
	[bflag:$0x2] =	sbarrier.arrive $0xFFFF  }
0x4e: {  	[sflag:s0] =	ssyncadd.tile.s32 @!p0 $0x1;
	_ =	shalt  }
.Lfunc_end2:
_tile_overlayer_lowered:
.L_overlay_start_2:
0x4f: {  	(tag) =	ssettag $0x2  }
0x50: {  	s0 =	rddreg [dreg:$0x0];
	s2 =	stileid.u32  }
0x51: {  	s1 =	rddreg [dreg:$0x1];
	p0 =	sne.s32 s2, $0x0  }
0x52: {  	s3 =	rddreg [dreg:$0x2];
	[bflag:$0x3] =	sbarrier.arrive $0xFFFF;
	s2 =	simm.s32 @!p0 $0x1C03  }
0x53: {  	[timem:s3], [sflag:s2] =	dma.local @!p0 [hbm:s0], s1  }
0x54: {  	s0 =	simm.s32 @!p0 $0x3  }
0x55: {  	_ =	swait.ge @!p0 [sflag:s0], s1  }
0x56: {  	s1 =	ssub.s32 @!p0 $0x0, s1;
	[sflag:s0] =	ssyncset.done @!p0 $0x0  }
0x57: {  	[sflag:s0] =	ssyncadd.s32 @!p0 s1  }
0x58: {  	[bflag:$0x3] =	sbarrier.arrive $0xFFFF  }
0x59: {  	_ =	shalt  }

</sc_bundles>
